<compile_context>
chip_gen: v7x
topology: tpu7x:2x2x1
jax: 0.10.2.dev20260603
libtpu: 0.0.44.dev20260713+nightly
codegen_flags: <defaults>
</compile_context>

<pallas_src>
import functools

import jax
import jax.numpy as jnp
from jax import lax
from jax.experimental import pallas as pl
from jax.experimental.pallas import tpu as pltpu
from jax.experimental.pallas import tpu_sc as plsc

N = 10000
E = 160000
H = 128
NRBF = 128
L = 2
T = 2
RC = 5.0
NG = 16

NC = 2
NS = 16
NW = NC * NS
CH = 64
EPAD = 163840
EW = EPAD // NW
NCHUNK = EW // CH
CHP = 128
NPRE = EW // CHP
NPAD = 10240
NSUB = NPAD // NS
TRASH = N
BE = 2048
BN = 1000


def _sc_mesh():
    return plsc.VectorSubcoreMesh(core_axis_name="c", subcore_axis_name="s",
                                  num_cores=NC, num_subcores=NS)



def _pre_body(posx_h, posy_h, posz_h, an_h, j_h, i_h, d2_h, idx_h, te_h,
              jv, iv, xj, yj, zj, xi, yi, zi, tv, d2v, idxv, tev, sem):
    w = lax.axis_index("s") * NC + lax.axis_index("c")
    base = w * EW
    pltpu.sync_copy(j_h.at[pl.ds(base, EW)], jv)
    pltpu.sync_copy(i_h.at[pl.ds(base, EW)], iv)

    def chunk(c, carry):
        s = c * CHP
        jc = jv.at[pl.ds(s, CHP)]
        ic = iv.at[pl.ds(s, CHP)]
        ds = pl.ds(s, CHP)
        descs = [
            pltpu.async_copy(posx_h.at[jc], xj.at[ds], sem),
            pltpu.async_copy(posy_h.at[jc], yj.at[ds], sem),
            pltpu.async_copy(posz_h.at[jc], zj.at[ds], sem),
            pltpu.async_copy(posx_h.at[ic], xi.at[ds], sem),
            pltpu.async_copy(posy_h.at[ic], yi.at[ds], sem),
            pltpu.async_copy(posz_h.at[ic], zi.at[ds], sem),
            pltpu.async_copy(an_h.at[ic], tv.at[ds], sem),
        ]
        for d in descs:
            d.wait()
        return carry

    lax.fori_loop(0, NPRE, chunk, 0)

    def q_body(q, carry):
        s = q * 16
        sl = pl.ds(s, 16)
        dx = xj[sl] - xi[sl]
        dy = yj[sl] - yi[sl]
        dz = zj[sl] - zi[sl]
        d2v[sl] = dx * dx + dy * dy + dz * dz
        t16 = tv[sl]
        idxv[sl] = t16 * N + jv[sl]
        tev[sl] = t16
        return carry

    lax.fori_loop(0, EW // 16, q_body, 0)
    pltpu.sync_copy(d2v, d2_h.at[pl.ds(base, EW)])
    pltpu.sync_copy(idxv, idx_h.at[pl.ds(base, EW)])
    pltpu.sync_copy(tev, te_h.at[pl.ds(base, EW)])


def _pre(posx, posy, posz, an, jp, ip):
    k = pl.kernel(
        _pre_body,
        out_type=[jax.ShapeDtypeStruct((EPAD,), jnp.float32),
                  jax.ShapeDtypeStruct((EPAD,), jnp.int32),
                  jax.ShapeDtypeStruct((EPAD,), jnp.int32)],
        mesh=_sc_mesh(),
        scratch_types=[pltpu.VMEM((EW,), jnp.int32),
                       pltpu.VMEM((EW,), jnp.int32),
                       pltpu.VMEM((EW,), jnp.float32),
                       pltpu.VMEM((EW,), jnp.float32),
                       pltpu.VMEM((EW,), jnp.float32),
                       pltpu.VMEM((EW,), jnp.float32),
                       pltpu.VMEM((EW,), jnp.float32),
                       pltpu.VMEM((EW,), jnp.float32),
                       pltpu.VMEM((EW,), jnp.int32),
                       pltpu.VMEM((EW,), jnp.float32),
                       pltpu.VMEM((EW,), jnp.int32),
                       pltpu.VMEM((EW,), jnp.int32),
                       pltpu.SemaphoreType.DMA],
    )
    return k(posx, posy, posz, an, jp, ip)


def _gs_body(tab_h, filt_h, gidx_h, sidx_h, zeros_h, out_h,
             gidx_v, sidx_v, pa, pb, fa, fb, acc,
             sem_pa, sem_pb, sem_fa, sem_fb):
    cid = lax.axis_index("c")
    sid = lax.axis_index("s")
    w = sid * NC + cid
    base = w * NCHUNK
    r0 = sid * NSUB
    pltpu.sync_copy(zeros_h.at[pl.ds(r0, NSUB)], acc.at[pl.ds(r0, NSUB)])
    pltpu.sync_copy(gidx_h.at[pl.ds(w * EW, EW)], gidx_v)
    pltpu.sync_copy(sidx_h.at[pl.ds(base, NCHUNK)], sidx_v)
    plsc.subcore_barrier()

    def fire(c, pbuf, fbuf, psem, fsem):
        pltpu.async_copy(tab_h.at[gidx_v.at[pl.ds(c * CH, CH)]], pbuf, psem)
        pltpu.async_copy(filt_h.at[pl.ds((base + c) * CH, CH)], fbuf, fsem)

    def drain(c, pbuf, fbuf, psem, fsem):
        pltpu.make_async_copy(tab_h.at[gidx_v.at[pl.ds(0, CH)]], pbuf,
                              psem).wait()
        pltpu.make_async_copy(filt_h.at[pl.ds(base * CH, CH)], fbuf,
                              fsem).wait()

    def mul_scatter(c, pbuf, fbuf):
        def row(r, carry):
            for h in range(H // 16):
                sl = pl.ds(h * 16, 16)
                pbuf[r, sl] = pbuf[r, sl] * fbuf[r, sl]
            return carry

        lax.fori_loop(0, CH, row, 0)
        pltpu.sync_copy(pbuf, acc.at[sidx_v.at[c]], add=True)

    fire(0, pa, fa, sem_pa, sem_fa)

    def k_body(k, carry):
        c = 2 * k
        fire(c + 1, pb, fb, sem_pb, sem_fb)
        drain(c, pa, fa, sem_pa, sem_fa)
        mul_scatter(c, pa, fa)

        @pl.when(c + 2 < NCHUNK)
        def _():
            fire(c + 2, pa, fa, sem_pa, sem_fa)

        drain(c + 1, pb, fb, sem_pb, sem_fb)
        mul_scatter(c + 1, pb, fb)
        return carry

    lax.fori_loop(0, NCHUNK // 2, k_body, 0)
    plsc.subcore_barrier()
    pltpu.sync_copy(acc.at[pl.ds(r0, NSUB)], out_h.at[cid, pl.ds(r0, NSUB)])


def _gs(tab, filt, gidx2d, sidx2d, zerosN):
    buf = pltpu.VMEM((CH, H), jnp.float32)
    k = pl.kernel(
        _gs_body,
        out_type=jax.ShapeDtypeStruct((NC, NPAD, H), jnp.float32),
        mesh=_sc_mesh(),
        scratch_types=[pltpu.VMEM((EW,), jnp.int32),
                       pltpu.VMEM((NCHUNK, CH), jnp.int32),
                       buf, buf, buf, buf,
                       pltpu.VMEM_SHARED((NPAD, H), jnp.float32),
                       pltpu.SemaphoreType.DMA, pltpu.SemaphoreType.DMA,
                       pltpu.SemaphoreType.DMA, pltpu.SemaphoreType.DMA],
    )
    return k(tab, filt, gidx2d, sidx2d, zerosN)



def _x0_kernel(an_ref, emb_ref, out_ref):
    a = an_ref[0, 0, :]
    m = a[:, None] == 0
    x0 = jnp.where(m, emb_ref[0:1, :], emb_ref[1:2, :])
    out_ref[0, :, :] = x0
    out_ref[1, :, :] = jnp.zeros_like(x0)


def _x0(an3, embed):
    nb = N // BN
    return pl.pallas_call(
        _x0_kernel,
        grid=(nb,),
        in_specs=[pl.BlockSpec((1, 1, BN), lambda b: (b, 0, 0)),
                  pl.BlockSpec((T, H), lambda b: (0, 0))],
        out_specs=pl.BlockSpec((2, BN, H), lambda b: (0, b, 0)),
        out_shape=jax.ShapeDtypeStruct((2, NPAD, H), jnp.float32),
    )(an3, embed)


def _phi_kernel(xp_ref, w10, b10, w20, b20, w11, b11, w21, b21, out_ref):
    x = xp_ref[0, :, :] + xp_ref[1, :, :]
    h0 = jax.nn.silu(jnp.dot(x, w10[...], preferred_element_type=jnp.float32)
                     + b10[...])
    p0 = jnp.dot(h0, w20[...], preferred_element_type=jnp.float32) + b20[...]
    h1 = jax.nn.silu(jnp.dot(x, w11[...], preferred_element_type=jnp.float32)
                     + b11[...])
    p1 = jnp.dot(h1, w21[...], preferred_element_type=jnp.float32) + b21[...]
    out_ref[0, :, :] = p0
    out_ref[1, :, :] = p1


def _phi(xp, w10, b10, w20, b20, w11, b11, w21, b21):
    nb = N // BN
    wspec = pl.BlockSpec((H, H), lambda b: (0, 0))
    bspec = pl.BlockSpec((1, H), lambda b: (0, 0))
    return pl.pallas_call(
        _phi_kernel,
        grid=(nb,),
        in_specs=[pl.BlockSpec((2, BN, H), lambda b: (0, b, 0)),
                  wspec, bspec, wspec, bspec, wspec, bspec, wspec, bspec],
        out_specs=pl.BlockSpec((2, BN, H), lambda b: (0, b, 0)),
        out_shape=jax.ShapeDtypeStruct((2, N, H), jnp.float32),
    )(xp, w10, b10, w20, b20, w11, b11, w21, b21)


def _filt_kernel(d2_ref, te_ref, wf0, bf0, wf1, bf1, out_ref):
    d2 = d2_ref[0, 0, :]
    d = jnp.sqrt(d2)
    d = jnp.where(d <= 1e-6, 1e-6, d)
    u = d * (1.0 / RC)
    u2 = u * u
    u4 = u2 * u2
    u5 = u4 * u
    env = 1.0 - 21.0 * u5 + 35.0 * u5 * u - 15.0 * u5 * u2
    env = jnp.where(u < 1.0, env, 0.0)
    offs = lax.broadcasted_iota(jnp.int32, (1, NRBF), 1).astype(jnp.float32) * (
        1.0 / (NRBF - 1))
    delta = 1.0 / (NRBF - 1)
    coeff = -0.5 / (delta * delta)
    diff = u[:, None] - offs
    rbf = jnp.exp(coeff * (diff * diff)) * env[:, None]
    f0 = jnp.dot(rbf, wf0[...], preferred_element_type=jnp.float32) + bf0[...]
    f1 = jnp.dot(rbf, wf1[...], preferred_element_type=jnp.float32) + bf1[...]
    t = te_ref[0, 0, :]
    out_ref[...] = jnp.where(t[:, None] == 0, f0, f1)


def _filt(d2r, ter, wf0, bf0, wf1, bf1):
    nbe = EPAD // BE
    wspec = pl.BlockSpec((NRBF, H), lambda b: (0, 0))
    bspec = pl.BlockSpec((1, H), lambda b: (0, 0))
    return pl.pallas_call(
        _filt_kernel,
        grid=(nbe,),
        in_specs=[pl.BlockSpec((1, 1, BE), lambda b: (b, 0, 0)),
                  pl.BlockSpec((1, 1, BE), lambda b: (b, 0, 0)),
                  wspec, bspec, wspec, bspec],
        out_specs=pl.BlockSpec((BE, H), lambda b: (b, 0)),
        out_shape=jax.ShapeDtypeStruct((EPAD, H), jnp.float32),
    )(d2r, ter, wf0, bf0, wf1, bf1)


def _out_kernel(xp_ref, w1_ref, b1_ref, w2_ref, b2_ref, batch_ref, out_ref):
    b = pl.program_id(0)
    x = xp_ref[0, :, :] + xp_ref[1, :, :]
    h = jax.nn.silu(jnp.dot(x, w1_ref[...], preferred_element_type=jnp.float32)
                    + b1_ref[...]) * (1.0 / 0.6)
    pa = jnp.dot(h, w2_ref[...], preferred_element_type=jnp.float32) + b2_ref[...]
    bt = batch_ref[0, 0, :]
    oh = (bt[:, None] == lax.broadcasted_iota(jnp.int32, (1, NG), 1)
          ).astype(jnp.float32)
    partial = lax.dot_general(pa, oh, (((0,), (0,)), ((), ())))

    @pl.when(b == 0)
    def _():
        out_ref[...] = partial

    @pl.when(b != 0)
    def _():
        out_ref[...] = out_ref[...] + partial


def _out_stage(xp, Wo1, bo1, Wo2, bo2, batch3):
    nb = N // BN
    out = pl.pallas_call(
        _out_kernel,
        grid=(nb,),
        in_specs=[
            pl.BlockSpec((2, BN, H), lambda b: (0, b, 0)),
            pl.BlockSpec((H, H // 2), lambda b: (0, 0)),
            pl.BlockSpec((1, H // 2), lambda b: (0, 0)),
            pl.BlockSpec((H // 2, 1), lambda b: (0, 0)),
            pl.BlockSpec((1, 1), lambda b: (0, 0)),
            pl.BlockSpec((1, 1, BN), lambda b: (b, 0, 0)),
        ],
        out_specs=pl.BlockSpec((1, NG), lambda b: (0, 0)),
        out_shape=jax.ShapeDtypeStruct((1, NG), jnp.float32),
    )(xp, Wo1, bo1.reshape(1, -1), Wo2, bo2.reshape(1, 1), batch3)
    return out.reshape(NG)



def kernel(pos, embed, Wm1, bm1, Wm2, bm2, Wf, bf, Wo1, bo1, Wo2, bo2,
           atomic_number, edge_index, batch):
    f32 = jnp.float32
    pos = pos.astype(f32)
    posx = pos[:, 0]
    posy = pos[:, 1]
    posz = pos[:, 2]
    an = atomic_number.astype(jnp.int32)
    j = edge_index[0].astype(jnp.int32)
    i = edge_index[1].astype(jnp.int32)
    pad = EPAD - E
    jp = jnp.concatenate([j, jnp.zeros((pad,), jnp.int32)])
    ip_g = jnp.concatenate([i, jnp.zeros((pad,), jnp.int32)])
    ip_s = jnp.concatenate([i, jnp.full((pad,), TRASH, jnp.int32)])

    d2, idx_phi, te = _pre(posx, posy, posz, an, jp, ip_g)

    an3 = an.reshape(N // BN, 1, BN)
    xp = _x0(an3, embed.astype(f32))

    d2r = d2.reshape(EPAD // BE, 1, BE)
    ter = te.reshape(EPAD // BE, 1, BE)
    iscat = ip_s.reshape(EPAD // CH, CH)
    zerosN = jnp.zeros((NPAD, H), f32)
    batch3 = batch.astype(jnp.int32).reshape(N // BN, 1, BN)

    filts = [_filt(d2r, ter,
                   Wf[l, 0, :, :H], bf[l, 0, :H].reshape(1, H),
                   Wf[l, 1, :, :H], bf[l, 1, :H].reshape(1, H))
             for l in range(L)]

    for l in range(L):
        phitab = _phi(xp,
                      Wm1[l, 0], bm1[l, 0].reshape(1, H),
                      Wm2[l, 0, :, :H], bm2[l, 0, :H].reshape(1, H),
                      Wm1[l, 1], bm1[l, 1].reshape(1, H),
                      Wm2[l, 1, :, :H], bm2[l, 1, :H].reshape(1, H))
        xp = _gs(phitab.reshape(2 * N, H), filts[l], idx_phi, iscat, zerosN)

    return _out_stage(xp, Wo1, bo1, Wo2, bo2, batch3)

# --- scband reference (transcript-rebuilt; emitter-appended) ---
"""Pipeline reference for scband-hvnet-69870527972051 (READ-ONLY COPY).

The authoritative reference and input builder live on the scoring server;
editing this copy changes nothing except your own understanding.
"""

import jax, jax.numpy as jnp
import numpy as np

N = 10000
E = 160000
H = 128
NRBF = 128
L = 2
T = 2
RC = 5.0
NG = 16


def setup_inputs(seed: int = 0) -> dict:
    key = jax.random.key(seed)
    ks = jax.random.split(key, 12)
    pos = jax.random.normal(ks[0], (N, 3), dtype=jnp.float32) * 3.0
    atomic_number = jax.random.randint(ks[1], (N,), 0, T).astype(jnp.int64)
    edge_index = jax.random.randint(ks[2], (2, E), 0, N).astype(jnp.int64)
    batch = jnp.sort(jax.random.randint(ks[3], (N,), 0, NG)).astype(jnp.int64)
    embed = jax.random.normal(ks[4], (T, H), dtype=jnp.float32) * 0.02
    Wm1 = jax.random.normal(ks[5], (L, T, H, H), dtype=jnp.float32) * (1.0 / np.sqrt(H))
    bm1 = jnp.zeros((L, T, H), dtype=jnp.float32)
    Wm2 = jax.random.normal(ks[6], (L, T, H, 3 * H), dtype=jnp.float32) * (1.0 / np.sqrt(H))
    bm2 = jnp.zeros((L, T, 3 * H), dtype=jnp.float32)
    Wf = jax.random.normal(ks[7], (L, T, NRBF, 3 * H), dtype=jnp.float32) * (1.0 / np.sqrt(NRBF))
    bf = jnp.zeros((L, T, 3 * H), dtype=jnp.float32)
    Wo1 = jax.random.normal(ks[8], (H, H // 2), dtype=jnp.float32) * (1.0 / np.sqrt(H))
    bo1 = jnp.zeros((H // 2,), dtype=jnp.float32)
    Wo2 = jax.random.normal(ks[9], (H // 2, 1), dtype=jnp.float32) * (1.0 / np.sqrt(H // 2))
    bo2 = jnp.zeros((1,), dtype=jnp.float32)
    return dict(pos=pos, embed=embed, Wm1=Wm1, bm1=bm1, Wm2=Wm2, bm2=bm2,
                Wf=Wf, bf=bf, Wo1=Wo1, bo1=bo1, Wo2=Wo2, bo2=bo2,
                atomic_number=atomic_number, edge_index=edge_index, batch=batch)


def _radial_basis(dist):
    # Gaussian RBF with polynomial envelope (exponent 5), cutoff RC
    d = dist / RC
    p = 5.0
    env = (1.0 - ((p + 1.0) * (p + 2.0) / 2.0) * d ** p
           + p * (p + 2.0) * d ** (p + 1.0)
           - (p * (p + 1.0) / 2.0) * d ** (p + 2.0))
    env = jnp.where(d < 1.0, env, 0.0)
    offsets = jnp.linspace(0.0, 1.0, NRBF)
    coeff = -0.5 / (offsets[1] - offsets[0]) ** 2
    rbf = jnp.exp(coeff * (d[:, None] - offsets[None, :]) ** 2)
    return rbf * env[:, None]


def reference(pos, embed, Wm1, bm1, Wm2, bm2, Wf, bf, Wo1, bo1, Wo2, bo2,
              atomic_number, edge_index, batch):
    j = edge_index[0]
    i = edge_index[1]
    # with_edge
    distance_vec = pos[j] - pos[i]
    edge_dist = jnp.linalg.norm(distance_vec, axis=-1)
    edge_dist = jnp.where(jnp.isclose(edge_dist, 0.0, atol=1e-6), 1e-6, edge_dist)
    edge_vec = distance_vec / edge_dist[:, None]
    edge_embed = _radial_basis(edge_dist)
    # node embedding
    x = embed[atomic_number]
    vec = jnp.zeros((x.shape[0], 3, H), dtype=x.dtype)
    dst_type = atomic_number[i]
    for l in range(L):
        xs = jnp.zeros_like(x)
        vs = jnp.zeros_like(vec)
        for t in range(T):
            emask = (dst_type == t).astype(x.dtype)
            # PaiNN-style message on the in-subgraph of type-t dst nodes
            phi = jax.nn.silu(x[j] @ Wm1[l, t] + bm1[l, t]) @ Wm2[l, t] + bm2[l, t]
            filt = edge_embed @ Wf[l, t] + bf[l, t]
            m = phi * filt * emask[:, None]
            dx = m[:, :H]
            dv1 = m[:, H:2 * H]
            dv2 = m[:, 2 * H:]
            dvec_msg = dv1[:, None, :] * vec[j] + dv2[:, None, :] * edge_vec[:, :, None]
            xs = xs + jax.ops.segment_sum(dx, i, num_segments=N)
            vs = vs + jax.ops.segment_sum(dvec_msg, i, num_segments=N)
        x = xs
        vec = vs
    # out_energy: Linear -> ScaledSiLU -> Linear
    h = jax.nn.silu(x @ Wo1 + bo1) * (1.0 / 0.6)
    per_atom_energy = (h @ Wo2 + bo2)[:, 0]
    energy = jax.ops.segment_sum(per_atom_energy, batch, num_segments=NG)
    return energy

if __name__ == "__main__":
    import jax
    _d = setup_inputs()
    print(jax.jit(kernel)(*tuple(_d.values())))

</pallas_src>

<mosaic_0001>
#map = affine_map<(d0, d1) -> (0, 0)>
#map1 = affine_map<(d0, d1) -> (0)>
#map2 = affine_map<(d0, d1) -> (0, 0, 0)>
module attributes {stable_mosaic.version = 14 : i64} {
  func.func @_gs_body(%arg0: i32, %arg1: i32, %arg2: memref<20000x128xf32, #tpu.memory_space<hbm>>, %arg3: memref<163840x128xf32, #tpu.memory_space<hbm>>, %arg4: memref<163840xi32, #tpu.memory_space<hbm>>, %arg5: memref<2560x64xi32, #tpu.memory_space<hbm>>, %arg6: memref<10240x128xf32, #tpu.memory_space<hbm>>, %arg7: memref<2x10240x128xf32, #tpu.memory_space<hbm>>, %arg8: memref<5120xi32, #tpu.memory_space<vmem>>, %arg9: memref<80x64xi32, #tpu.memory_space<vmem>>, %arg10: memref<64x128xf32, #tpu.memory_space<vmem>>, %arg11: memref<64x128xf32, #tpu.memory_space<vmem>>, %arg12: memref<64x128xf32, #tpu.memory_space<vmem>>, %arg13: memref<64x128xf32, #tpu.memory_space<vmem>>, %arg14: memref<10240x128xf32, #tpu.memory_space<vmem_shared>>, %arg15: memref<!tpu.dma_semaphore, #tpu.memory_space<semaphore_mem>>, %arg16: memref<!tpu.dma_semaphore, #tpu.memory_space<semaphore_mem>>, %arg17: memref<!tpu.dma_semaphore, #tpu.memory_space<semaphore_mem>>, %arg18: memref<!tpu.dma_semaphore, #tpu.memory_space<semaphore_mem>>) attributes {dimension_semantics = [#tpu.dimension_semantics<core_parallel>, #tpu.dimension_semantics<subcore_parallel>], iteration_bounds = array<i64: 2, 16>, scalar_prefetch = 0 : i64, scratch_operands = 11 : i64, tpu.core_type = #tpu.core_type<sc_vector_subcore>, window_params = [{transform_indices = #map}, {transform_indices = #map}, {transform_indices = #map1}, {transform_indices = #map}, {transform_indices = #map}, {transform_indices = #map2}]} {
    %mul3A = arith.constant 2 : i32
    %mul3A_0 = arith.muli %arg1, %mul3A : i32
    %add3A = arith.addi %mul3A_0, %arg0 : i32
    %mul3A_1 = arith.constant 80 : i32
    %mul3A_2 = arith.muli %add3A, %mul3A_1 : i32
    %mul3A_3 = arith.constant 640 : i32
    %mul3A_4 = arith.muli %arg1, %mul3A_3 : i32
    "tpu.region"() ({
      %run_scoped3A = tpu.sem_alloc : memref<!tpu.dma_semaphore, #tpu.memory_space<semaphore_mem>>
      %dma_start3A_25 = arith.constant 0 : i32
      %dma_start3A_26 = tpu.memref_slice %arg14[%mul3A_4, %dma_start3A_25] : memref<10240x128xf32, #tpu.memory_space<vmem_shared>> -> memref<640x128xf32, #tpu.memory_space<vmem_shared>>
      %dma_start3A_27 = arith.constant 0 : i32
      %dma_start3A_28 = tpu.memref_slice %arg6[%mul3A_4, %dma_start3A_27] : memref<10240x128xf32, #tpu.memory_space<hbm>> -> memref<640x128xf32, #tpu.memory_space<hbm>>
      tpu.enqueue_dma source(%dma_start3A_28 : memref<640x128xf32, #tpu.memory_space<hbm>>) target(%dma_start3A_26 : memref<640x128xf32, #tpu.memory_space<vmem_shared>>) target_semaphore(%run_scoped3A : memref<!tpu.dma_semaphore, #tpu.memory_space<semaphore_mem>>)
      %dma_wait3A = arith.constant 0 : i32
      %dma_wait3A_29 = tpu.memref_slice %arg14[%mul3A_4, %dma_wait3A] : memref<10240x128xf32, #tpu.memory_space<vmem_shared>> -> memref<640x128xf32, #tpu.memory_space<vmem_shared>>
      %dma_wait3A_30 = arith.constant 0 : i32
      %dma_wait3A_31 = tpu.memref_slice %arg6[%mul3A_4, %dma_wait3A_30] : memref<10240x128xf32, #tpu.memory_space<hbm>> -> memref<640x128xf32, #tpu.memory_space<hbm>>
      tpu.wait_dma2 semaphore(%run_scoped3A : memref<!tpu.dma_semaphore, #tpu.memory_space<semaphore_mem>>) src(%dma_wait3A_31 : memref<640x128xf32, #tpu.memory_space<hbm>>) dst(%dma_wait3A_29 : memref<640x128xf32, #tpu.memory_space<vmem_shared>>)
      tpu.yield
    }) : () -> ()
    %mul3A_5 = arith.constant 5120 : i32
    %mul3A_6 = arith.muli %add3A, %mul3A_5 : i32
    "tpu.region"() ({
      %run_scoped3A = tpu.sem_alloc : memref<!tpu.dma_semaphore, #tpu.memory_space<semaphore_mem>>
      %dma_start3A_25 = tpu.memref_slice %arg4[%mul3A_6] : memref<163840xi32, #tpu.memory_space<hbm>> -> memref<5120xi32, #tpu.memory_space<hbm>>
      %dma_start3A_26 = tpu.memref_slice %arg4[%mul3A_6] : memref<163840xi32, #tpu.memory_space<hbm>> -> memref<5120xi32, #tpu.memory_space<hbm>>
      tpu.enqueue_dma source(%dma_start3A_26 : memref<5120xi32, #tpu.memory_space<hbm>>) target(%arg8 : memref<5120xi32, #tpu.memory_space<vmem>>) target_semaphore(%run_scoped3A : memref<!tpu.dma_semaphore, #tpu.memory_space<semaphore_mem>>)
      %dma_wait3A = tpu.memref_slice %arg4[%mul3A_6] : memref<163840xi32, #tpu.memory_space<hbm>> -> memref<5120xi32, #tpu.memory_space<hbm>>
      %dma_wait3A_27 = tpu.memref_slice %arg4[%mul3A_6] : memref<163840xi32, #tpu.memory_space<hbm>> -> memref<5120xi32, #tpu.memory_space<hbm>>
      tpu.wait_dma2 semaphore(%run_scoped3A : memref<!tpu.dma_semaphore, #tpu.memory_space<semaphore_mem>>) src(%dma_wait3A_27 : memref<5120xi32, #tpu.memory_space<hbm>>) dst(%arg8 : memref<5120xi32, #tpu.memory_space<vmem>>)
      tpu.yield
    }) : () -> ()
    "tpu.region"() ({
      %run_scoped3A = tpu.sem_alloc : memref<!tpu.dma_semaphore, #tpu.memory_space<semaphore_mem>>
      %dma_start3A_25 = arith.constant 0 : i32
      %dma_start3A_26 = tpu.memref_slice %arg5[%mul3A_2, %dma_start3A_25] : memref<2560x64xi32, #tpu.memory_space<hbm>> -> memref<80x64xi32, #tpu.memory_space<hbm>>
      %dma_start3A_27 = arith.constant 0 : i32
      %dma_start3A_28 = tpu.memref_slice %arg5[%mul3A_2, %dma_start3A_27] : memref<2560x64xi32, #tpu.memory_space<hbm>> -> memref<80x64xi32, #tpu.memory_space<hbm>>
      tpu.enqueue_dma source(%dma_start3A_28 : memref<80x64xi32, #tpu.memory_space<hbm>>) target(%arg9 : memref<80x64xi32, #tpu.memory_space<vmem>>) target_semaphore(%run_scoped3A : memref<!tpu.dma_semaphore, #tpu.memory_space<semaphore_mem>>)
      %dma_wait3A = arith.constant 0 : i32
      %dma_wait3A_29 = tpu.memref_slice %arg5[%mul3A_2, %dma_wait3A] : memref<2560x64xi32, #tpu.memory_space<hbm>> -> memref<80x64xi32, #tpu.memory_space<hbm>>
      %dma_wait3A_30 = arith.constant 0 : i32
      %dma_wait3A_31 = tpu.memref_slice %arg5[%mul3A_2, %dma_wait3A_30] : memref<2560x64xi32, #tpu.memory_space<hbm>> -> memref<80x64xi32, #tpu.memory_space<hbm>>
      tpu.wait_dma2 semaphore(%run_scoped3A : memref<!tpu.dma_semaphore, #tpu.memory_space<semaphore_mem>>) src(%dma_wait3A_31 : memref<80x64xi32, #tpu.memory_space<hbm>>) dst(%arg9 : memref<80x64xi32, #tpu.memory_space<vmem>>)
      tpu.yield
    }) : () -> ()
    %barrier3A = arith.constant 0 : index
    tpu.barrier barrier_id(%barrier3A)
    %dma_start3A = arith.constant 0 : i32
    %dma_start3A_7 = tpu.memref_slice %arg8[%dma_start3A] : memref<5120xi32, #tpu.memory_space<vmem>> -> memref<64xi32, #tpu.memory_space<vmem>>
    %dma_start3A_8 = arith.constant 0 : i32
    %dma_start3A_9 = arith.constant 0 : i32
    %dma_start3A_10 = tpu.memref_slice %arg2[%dma_start3A_8, %dma_start3A_9] : memref<20000x128xf32, #tpu.memory_space<hbm>> -> memref<20000x128xf32, #tpu.memory_space<hbm>>
    tpu.enqueue_indirect_dma source(%dma_start3A_10 : memref<20000x128xf32, #tpu.memory_space<hbm>>) target(%arg10 : memref<64x128xf32, #tpu.memory_space<vmem>>) offsets(%dma_start3A_7 : memref<64xi32, #tpu.memory_space<vmem>>) semaphore(%arg15 : memref<!tpu.dma_semaphore, #tpu.memory_space<semaphore_mem>>)
    %add3A_11 = arith.constant 0 : i32
    %add3A_12 = arith.addi %mul3A_2, %add3A_11 : i32
    %mul3A_13 = arith.constant 64 : i32
    %mul3A_14 = arith.muli %add3A_12, %mul3A_13 : i32
    %dma_start3A_15 = arith.constant 0 : i32
    %dma_start3A_16 = tpu.memref_slice %arg3[%mul3A_14, %dma_start3A_15] : memref<163840x128xf32, #tpu.memory_space<hbm>> -> memref<64x128xf32, #tpu.memory_space<hbm>>
    %dma_start3A_17 = arith.constant 0 : i32
    %dma_start3A_18 = tpu.memref_slice %arg3[%mul3A_14, %dma_start3A_17] : memref<163840x128xf32, #tpu.memory_space<hbm>> -> memref<64x128xf32, #tpu.memory_space<hbm>>
    tpu.enqueue_dma source(%dma_start3A_18 : memref<64x128xf32, #tpu.memory_space<hbm>>) target(%arg12 : memref<64x128xf32, #tpu.memory_space<vmem>>) target_semaphore(%arg17 : memref<!tpu.dma_semaphore, #tpu.memory_space<semaphore_mem>>)
    %scan3A = arith.constant 0 : i32
    %scan3A_19 = arith.constant 0 : i32
    %scan3A_20 = arith.constant 40 : i32
    %scan3A_21 = arith.addi %scan3A_19, %scan3A_20 : i32
    %scan3A_22 = arith.constant 1 : i32
    scf.for %scan3A_25 = %scan3A_19 to %scan3A_21 step %scan3A_22  : i32 {
      %mul3A_26 = arith.constant 2 : i32
      %mul3A_27 = arith.muli %mul3A_26, %scan3A_25 : i32
      %add3A_28 = arith.constant 1 : i32
      %add3A_29 = arith.addi %mul3A_27, %add3A_28 : i32
      %mul3A_30 = arith.constant 64 : i32
      %mul3A_31 = arith.muli %add3A_29, %mul3A_30 : i32
      %dma_start3A_32 = tpu.memref_slice %arg8[%mul3A_31] : memref<5120xi32, #tpu.memory_space<vmem>> -> memref<64xi32, #tpu.memory_space<vmem>>
      %dma_start3A_33 = arith.constant 0 : i32
      %dma_start3A_34 = arith.constant 0 : i32
      %dma_start3A_35 = tpu.memref_slice %arg2[%dma_start3A_33, %dma_start3A_34] : memref<20000x128xf32, #tpu.memory_space<hbm>> -> memref<20000x128xf32, #tpu.memory_space<hbm>>
      tpu.enqueue_indirect_dma source(%dma_start3A_35 : memref<20000x128xf32, #tpu.memory_space<hbm>>) target(%arg11 : memref<64x128xf32, #tpu.memory_space<vmem>>) offsets(%dma_start3A_32 : memref<64xi32, #tpu.memory_space<vmem>>) semaphore(%arg16 : memref<!tpu.dma_semaphore, #tpu.memory_space<semaphore_mem>>)
      %add3A_36 = arith.addi %mul3A_2, %add3A_29 : i32
      %mul3A_37 = arith.constant 64 : i32
      %mul3A_38 = arith.muli %add3A_36, %mul3A_37 : i32
      %dma_start3A_39 = arith.constant 0 : i32
      %dma_start3A_40 = tpu.memref_slice %arg3[%mul3A_38, %dma_start3A_39] : memref<163840x128xf32, #tpu.memory_space<hbm>> -> memref<64x128xf32, #tpu.memory_space<hbm>>
      %dma_start3A_41 = arith.constant 0 : i32
      %dma_start3A_42 = tpu.memref_slice %arg3[%mul3A_38, %dma_start3A_41] : memref<163840x128xf32, #tpu.memory_space<hbm>> -> memref<64x128xf32, #tpu.memory_space<hbm>>
      tpu.enqueue_dma source(%dma_start3A_42 : memref<64x128xf32, #tpu.memory_space<hbm>>) target(%arg13 : memref<64x128xf32, #tpu.memory_space<vmem>>) target_semaphore(%arg18 : memref<!tpu.dma_semaphore, #tpu.memory_space<semaphore_mem>>)
      %dma_wait3A = arith.constant 0 : i32
      %dma_wait3A_43 = tpu.memref_slice %arg8[%dma_wait3A] : memref<5120xi32, #tpu.memory_space<vmem>> -> memref<64xi32, #tpu.memory_space<vmem>>
      %dma_wait3A_44 = arith.constant 0 : i32
      %dma_wait3A_45 = arith.constant 0 : i32
      %dma_wait3A_46 = tpu.memref_slice %arg2[%dma_wait3A_44, %dma_wait3A_45] : memref<20000x128xf32, #tpu.memory_space<hbm>> -> memref<20000x128xf32, #tpu.memory_space<hbm>>
      tpu.wait_indirect_dma semaphore(%arg15 : memref<!tpu.dma_semaphore, #tpu.memory_space<semaphore_mem>>) src(%dma_wait3A_46 : memref<20000x128xf32, #tpu.memory_space<hbm>>) dst(%arg10 : memref<64x128xf32, #tpu.memory_space<vmem>>)
      %mul3A_47 = arith.constant 64 : i32
      %mul3A_48 = arith.muli %mul3A_2, %mul3A_47 : i32
      %dma_wait3A_49 = arith.constant 0 : i32
      %dma_wait3A_50 = tpu.memref_slice %arg3[%mul3A_48, %dma_wait3A_49] : memref<163840x128xf32, #tpu.memory_space<hbm>> -> memref<64x128xf32, #tpu.memory_space<hbm>>
      %dma_wait3A_51 = arith.constant 0 : i32
      %dma_wait3A_52 = tpu.memref_slice %arg3[%mul3A_48, %dma_wait3A_51] : memref<163840x128xf32, #tpu.memory_space<hbm>> -> memref<64x128xf32, #tpu.memory_space<hbm>>
      tpu.wait_dma2 semaphore(%arg17 : memref<!tpu.dma_semaphore, #tpu.memory_space<semaphore_mem>>) src(%dma_wait3A_52 : memref<64x128xf32, #tpu.memory_space<hbm>>) dst(%arg12 : memref<64x128xf32, #tpu.memory_space<vmem>>)
      %scan3A_53 = arith.constant 0 : i32
      %scan3A_54 = arith.constant 0 : i32
      %scan3A_55 = arith.constant 64 : i32
      %scan3A_56 = arith.addi %scan3A_54, %scan3A_55 : i32
      %scan3A_57 = arith.constant 1 : i32
      scf.for %scan3A_84 = %scan3A_54 to %scan3A_56 step %scan3A_57  : i32 {
        %get3A = arith.index_cast %scan3A_84 : i32 to index
        %get3A_85 = arith.constant 0 : index
        %get3A_86 = tpu.vector_load %arg10[%get3A, %get3A_85] {strides = array<i32>} : memref<64x128xf32, #tpu.memory_space<vmem>>, vector<1x16xf32>,
        %get3A_87 = vector.shape_cast %get3A_86 : vector<1x16xf32> to vector<16xf32>
        %get3A_88 = arith.index_cast %scan3A_84 : i32 to index
        %get3A_89 = arith.constant 0 : index
        %get3A_90 = tpu.vector_load %arg12[%get3A_88, %get3A_89] {strides = array<i32>} : memref<64x128xf32, #tpu.memory_space<vmem>>, vector<1x16xf32>,
        %get3A_91 = vector.shape_cast %get3A_90 : vector<1x16xf32> to vector<16xf32>
        %mul3A_92 = arith.mulf %get3A_87, %get3A_91 : vector<16xf32>
        %swap3A = arith.index_cast %scan3A_84 : i32 to index
        %swap3A_93 = arith.constant 0 : index
        %swap3A_94 = tpu.vector_load %arg10[%swap3A, %swap3A_93] {strides = array<i32>} : memref<64x128xf32, #tpu.memory_space<vmem>>, vector<1x16xf32>,
        %swap3A_95 = vector.shape_cast %swap3A_94 : vector<1x16xf32> to vector<16xf32>
        %swap3A_96 = vector.shape_cast %mul3A_92 : vector<16xf32> to vector<1x16xf32>
        tpu.vector_store %arg10[%swap3A, %swap3A_93], %swap3A_96 {strides = array<i32>} : memref<64x128xf32, #tpu.memory_space<vmem>>, vector<1x16xf32>,
        %get3A_97 = arith.index_cast %scan3A_84 : i32 to index
        %get3A_98 = arith.constant 16 : index
        %get3A_99 = tpu.vector_load %arg10[%get3A_97, %get3A_98] {strides = array<i32>} : memref<64x128xf32, #tpu.memory_space<vmem>>, vector<1x16xf32>,
        %get3A_100 = vector.shape_cast %get3A_99 : vector<1x16xf32> to vector<16xf32>
        %get3A_101 = arith.index_cast %scan3A_84 : i32 to index
        %get3A_102 = arith.constant 16 : index
        %get3A_103 = tpu.vector_load %arg12[%get3A_101, %get3A_102] {strides = array<i32>} : memref<64x128xf32, #tpu.memory_space<vmem>>, vector<1x16xf32>,
        %get3A_104 = vector.shape_cast %get3A_103 : vector<1x16xf32> to vector<16xf32>
        %mul3A_105 = arith.mulf %get3A_100, %get3A_104 : vector<16xf32>
        %swap3A_106 = arith.index_cast %scan3A_84 : i32 to index
        %swap3A_107 = arith.constant 16 : index
        %swap3A_108 = tpu.vector_load %arg10[%swap3A_106, %swap3A_107] {strides = array<i32>} : memref<64x128xf32, #tpu.memory_space<vmem>>, vector<1x16xf32>,
        %swap3A_109 = vector.shape_cast %swap3A_108 : vector<1x16xf32> to vector<16xf32>
        %swap3A_110 = vector.shape_cast %mul3A_105 : vector<16xf32> to vector<1x16xf32>
        tpu.vector_store %arg10[%swap3A_106, %swap3A_107], %swap3A_110 {strides = array<i32>} : memref<64x128xf32, #tpu.memory_space<vmem>>, vector<1x16xf32>,
        %get3A_111 = arith.index_cast %scan3A_84 : i32 to index
        %get3A_112 = arith.constant 32 : index
        %get3A_113 = tpu.vector_load %arg10[%get3A_111, %get3A_112] {strides = array<i32>} : memref<64x128xf32, #tpu.memory_space<vmem>>, vector<1x16xf32>,
        %get3A_114 = vector.shape_cast %get3A_113 : vector<1x16xf32> to vector<16xf32>
        %get3A_115 = arith.index_cast %scan3A_84 : i32 to index
        %get3A_116 = arith.constant 32 : index
        %get3A_117 = tpu.vector_load %arg12[%get3A_115, %get3A_116] {strides = array<i32>} : memref<64x128xf32, #tpu.memory_space<vmem>>, vector<1x16xf32>,
        %get3A_118 = vector.shape_cast %get3A_117 : vector<1x16xf32> to vector<16xf32>
        %mul3A_119 = arith.mulf %get3A_114, %get3A_118 : vector<16xf32>
        %swap3A_120 = arith.index_cast %scan3A_84 : i32 to index
        %swap3A_121 = arith.constant 32 : index
        %swap3A_122 = tpu.vector_load %arg10[%swap3A_120, %swap3A_121] {strides = array<i32>} : memref<64x128xf32, #tpu.memory_space<vmem>>, vector<1x16xf32>,
        %swap3A_123 = vector.shape_cast %swap3A_122 : vector<1x16xf32> to vector<16xf32>
        %swap3A_124 = vector.shape_cast %mul3A_119 : vector<16xf32> to vector<1x16xf32>
        tpu.vector_store %arg10[%swap3A_120, %swap3A_121], %swap3A_124 {strides = array<i32>} : memref<64x128xf32, #tpu.memory_space<vmem>>, vector<1x16xf32>,
        %get3A_125 = arith.index_cast %scan3A_84 : i32 to index
        %get3A_126 = arith.constant 48 : index
        %get3A_127 = tpu.vector_load %arg10[%get3A_125, %get3A_126] {strides = array<i32>} : memref<64x128xf32, #tpu.memory_space<vmem>>, vector<1x16xf32>,
        %get3A_128 = vector.shape_cast %get3A_127 : vector<1x16xf32> to vector<16xf32>
        %get3A_129 = arith.index_cast %scan3A_84 : i32 to index
        %get3A_130 = arith.constant 48 : index
        %get3A_131 = tpu.vector_load %arg12[%get3A_129, %get3A_130] {strides = array<i32>} : memref<64x128xf32, #tpu.memory_space<vmem>>, vector<1x16xf32>,
        %get3A_132 = vector.shape_cast %get3A_131 : vector<1x16xf32> to vector<16xf32>
        %mul3A_133 = arith.mulf %get3A_128, %get3A_132 : vector<16xf32>
        %swap3A_134 = arith.index_cast %scan3A_84 : i32 to index
        %swap3A_135 = arith.constant 48 : index
        %swap3A_136 = tpu.vector_load %arg10[%swap3A_134, %swap3A_135] {strides = array<i32>} : memref<64x128xf32, #tpu.memory_space<vmem>>, vector<1x16xf32>,
        %swap3A_137 = vector.shape_cast %swap3A_136 : vector<1x16xf32> to vector<16xf32>
        %swap3A_138 = vector.shape_cast %mul3A_133 : vector<16xf32> to vector<1x16xf32>
        tpu.vector_store %arg10[%swap3A_134, %swap3A_135], %swap3A_138 {strides = array<i32>} : memref<64x128xf32, #tpu.memory_space<vmem>>, vector<1x16xf32>,
        %get3A_139 = arith.index_cast %scan3A_84 : i32 to index
        %get3A_140 = arith.constant 64 : index
        %get3A_141 = tpu.vector_load %arg10[%get3A_139, %get3A_140] {strides = array<i32>} : memref<64x128xf32, #tpu.memory_space<vmem>>, vector<1x16xf32>,
        %get3A_142 = vector.shape_cast %get3A_141 : vector<1x16xf32> to vector<16xf32>
        %get3A_143 = arith.index_cast %scan3A_84 : i32 to index
        %get3A_144 = arith.constant 64 : index
        %get3A_145 = tpu.vector_load %arg12[%get3A_143, %get3A_144] {strides = array<i32>} : memref<64x128xf32, #tpu.memory_space<vmem>>, vector<1x16xf32>,
        %get3A_146 = vector.shape_cast %get3A_145 : vector<1x16xf32> to vector<16xf32>
        %mul3A_147 = arith.mulf %get3A_142, %get3A_146 : vector<16xf32>
        %swap3A_148 = arith.index_cast %scan3A_84 : i32 to index
        %swap3A_149 = arith.constant 64 : index
        %swap3A_150 = tpu.vector_load %arg10[%swap3A_148, %swap3A_149] {strides = array<i32>} : memref<64x128xf32, #tpu.memory_space<vmem>>, vector<1x16xf32>,
        %swap3A_151 = vector.shape_cast %swap3A_150 : vector<1x16xf32> to vector<16xf32>
        %swap3A_152 = vector.shape_cast %mul3A_147 : vector<16xf32> to vector<1x16xf32>
        tpu.vector_store %arg10[%swap3A_148, %swap3A_149], %swap3A_152 {strides = array<i32>} : memref<64x128xf32, #tpu.memory_space<vmem>>, vector<1x16xf32>,
        %get3A_153 = arith.index_cast %scan3A_84 : i32 to index
        %get3A_154 = arith.constant 80 : index
        %get3A_155 = tpu.vector_load %arg10[%get3A_153, %get3A_154] {strides = array<i32>} : memref<64x128xf32, #tpu.memory_space<vmem>>, vector<1x16xf32>,
        %get3A_156 = vector.shape_cast %get3A_155 : vector<1x16xf32> to vector<16xf32>
        %get3A_157 = arith.index_cast %scan3A_84 : i32 to index
        %get3A_158 = arith.constant 80 : index
        %get3A_159 = tpu.vector_load %arg12[%get3A_157, %get3A_158] {strides = array<i32>} : memref<64x128xf32, #tpu.memory_space<vmem>>, vector<1x16xf32>,
        %get3A_160 = vector.shape_cast %get3A_159 : vector<1x16xf32> to vector<16xf32>
        %mul3A_161 = arith.mulf %get3A_156, %get3A_160 : vector<16xf32>
        %swap3A_162 = arith.index_cast %scan3A_84 : i32 to index
        %swap3A_163 = arith.constant 80 : index
        %swap3A_164 = tpu.vector_load %arg10[%swap3A_162, %swap3A_163] {strides = array<i32>} : memref<64x128xf32, #tpu.memory_space<vmem>>, vector<1x16xf32>,
        %swap3A_165 = vector.shape_cast %swap3A_164 : vector<1x16xf32> to vector<16xf32>
        %swap3A_166 = vector.shape_cast %mul3A_161 : vector<16xf32> to vector<1x16xf32>
        tpu.vector_store %arg10[%swap3A_162, %swap3A_163], %swap3A_166 {strides = array<i32>} : memref<64x128xf32, #tpu.memory_space<vmem>>, vector<1x16xf32>,
        %get3A_167 = arith.index_cast %scan3A_84 : i32 to index
        %get3A_168 = arith.constant 96 : index
        %get3A_169 = tpu.vector_load %arg10[%get3A_167, %get3A_168] {strides = array<i32>} : memref<64x128xf32, #tpu.memory_space<vmem>>, vector<1x16xf32>,
        %get3A_170 = vector.shape_cast %get3A_169 : vector<1x16xf32> to vector<16xf32>
        %get3A_171 = arith.index_cast %scan3A_84 : i32 to index
        %get3A_172 = arith.constant 96 : index
        %get3A_173 = tpu.vector_load %arg12[%get3A_171, %get3A_172] {strides = array<i32>} : memref<64x128xf32, #tpu.memory_space<vmem>>, vector<1x16xf32>,
        %get3A_174 = vector.shape_cast %get3A_173 : vector<1x16xf32> to vector<16xf32>
        %mul3A_175 = arith.mulf %get3A_170, %get3A_174 : vector<16xf32>
        %swap3A_176 = arith.index_cast %scan3A_84 : i32 to index
        %swap3A_177 = arith.constant 96 : index
        %swap3A_178 = tpu.vector_load %arg10[%swap3A_176, %swap3A_177] {strides = array<i32>} : memref<64x128xf32, #tpu.memory_space<vmem>>, vector<1x16xf32>,
        %swap3A_179 = vector.shape_cast %swap3A_178 : vector<1x16xf32> to vector<16xf32>
        %swap3A_180 = vector.shape_cast %mul3A_175 : vector<16xf32> to vector<1x16xf32>
        tpu.vector_store %arg10[%swap3A_176, %swap3A_177], %swap3A_180 {strides = array<i32>} : memref<64x128xf32, #tpu.memory_space<vmem>>, vector<1x16xf32>,
        %get3A_181 = arith.index_cast %scan3A_84 : i32 to index
        %get3A_182 = arith.constant 112 : index
        %get3A_183 = tpu.vector_load %arg10[%get3A_181, %get3A_182] {strides = array<i32>} : memref<64x128xf32, #tpu.memory_space<vmem>>, vector<1x16xf32>,
        %get3A_184 = vector.shape_cast %get3A_183 : vector<1x16xf32> to vector<16xf32>
        %get3A_185 = arith.index_cast %scan3A_84 : i32 to index
        %get3A_186 = arith.constant 112 : index
        %get3A_187 = tpu.vector_load %arg12[%get3A_185, %get3A_186] {strides = array<i32>} : memref<64x128xf32, #tpu.memory_space<vmem>>, vector<1x16xf32>,
        %get3A_188 = vector.shape_cast %get3A_187 : vector<1x16xf32> to vector<16xf32>
        %mul3A_189 = arith.mulf %get3A_184, %get3A_188 : vector<16xf32>
        %swap3A_190 = arith.index_cast %scan3A_84 : i32 to index
        %swap3A_191 = arith.constant 112 : index
        %swap3A_192 = tpu.vector_load %arg10[%swap3A_190, %swap3A_191] {strides = array<i32>} : memref<64x128xf32, #tpu.memory_space<vmem>>, vector<1x16xf32>,
        %swap3A_193 = vector.shape_cast %swap3A_192 : vector<1x16xf32> to vector<16xf32>
        %swap3A_194 = vector.shape_cast %mul3A_189 : vector<16xf32> to vector<1x16xf32>
        tpu.vector_store %arg10[%swap3A_190, %swap3A_191], %swap3A_194 {strides = array<i32>} : memref<64x128xf32, #tpu.memory_space<vmem>>, vector<1x16xf32>,
      }
      %scan3A_58 = arith.constant 64 : i32
      "tpu.region"() ({
        %run_scoped3A = tpu.sem_alloc : memref<!tpu.dma_semaphore, #tpu.memory_space<semaphore_mem>>
        %dma_start3A_84 = arith.constant 0 : i32
        %dma_start3A_85 = tpu.memref_slice %arg9[%mul3A_27, %dma_start3A_84] : memref<80x64xi32, #tpu.memory_space<vmem>> -> memref<1x64xi32, #tpu.memory_space<vmem>>
        %dma_start3A_86 = tpu.memref_squeeze %dma_start3A_85 : memref<1x64xi32, #tpu.memory_space<vmem>> -> memref<64xi32, #tpu.memory_space<vmem>>
        %dma_start3A_87 = arith.constant 0 : i32
        %dma_start3A_88 = arith.constant 0 : i32
        %dma_start3A_89 = tpu.memref_slice %arg14[%dma_start3A_87, %dma_start3A_88] : memref<10240x128xf32, #tpu.memory_space<vmem_shared>> -> memref<10240x128xf32, #tpu.memory_space<vmem_shared>>
        tpu.enqueue_indirect_dma source(%arg10 : memref<64x128xf32, #tpu.memory_space<vmem>>) target(%dma_start3A_89 : memref<10240x128xf32, #tpu.memory_space<vmem_shared>>) offsets(%dma_start3A_86 : memref<64xi32, #tpu.memory_space<vmem>>) semaphore(%run_scoped3A : memref<!tpu.dma_semaphore, #tpu.memory_space<semaphore_mem>>) {add = true}
        %dma_wait3A_90 = arith.constant 0 : i32
        %dma_wait3A_91 = tpu.memref_slice %arg9[%mul3A_27, %dma_wait3A_90] : memref<80x64xi32, #tpu.memory_space<vmem>> -> memref<1x64xi32, #tpu.memory_space<vmem>>
        %dma_wait3A_92 = tpu.memref_squeeze %dma_wait3A_91 : memref<1x64xi32, #tpu.memory_space<vmem>> -> memref<64xi32, #tpu.memory_space<vmem>>
        %dma_wait3A_93 = arith.constant 0 : i32
        %dma_wait3A_94 = arith.constant 0 : i32
        %dma_wait3A_95 = tpu.memref_slice %arg14[%dma_wait3A_93, %dma_wait3A_94] : memref<10240x128xf32, #tpu.memory_space<vmem_shared>> -> memref<10240x128xf32, #tpu.memory_space<vmem_shared>>
        tpu.wait_indirect_dma semaphore(%run_scoped3A : memref<!tpu.dma_semaphore, #tpu.memory_space<semaphore_mem>>) src(%arg10 : memref<64x128xf32, #tpu.memory_space<vmem>>) dst(%dma_wait3A_95 : memref<10240x128xf32, #tpu.memory_space<vmem_shared>>)
        tpu.yield
      }) : () -> ()
      %add3A_59 = arith.constant 2 : i32
      %add3A_60 = arith.addi %mul3A_27, %add3A_59 : i32
      %lt3A = arith.constant 80 : i32
      %lt3A_61 = arith.cmpi slt, %add3A_60, %lt3A : i32
      %convert_element_type3A = arith.extui %lt3A_61 : i1 to i32
      %cond3A = arith.constant 0 : i32
      %cond3A_62 = arith.cmpi ne, %convert_element_type3A, %cond3A : i32
      scf.if %cond3A_62 {
        %add3A_84 = arith.constant 2 : i32
        %add3A_85 = arith.addi %mul3A_27, %add3A_84 : i32
        %mul3A_86 = arith.constant 64 : i32
        %mul3A_87 = arith.muli %add3A_85, %mul3A_86 : i32
        %dma_start3A_88 = tpu.memref_slice %arg8[%mul3A_87] : memref<5120xi32, #tpu.memory_space<vmem>> -> memref<64xi32, #tpu.memory_space<vmem>>
        %dma_start3A_89 = arith.constant 0 : i32
        %dma_start3A_90 = arith.constant 0 : i32
        %dma_start3A_91 = tpu.memref_slice %arg2[%dma_start3A_89, %dma_start3A_90] : memref<20000x128xf32, #tpu.memory_space<hbm>> -> memref<20000x128xf32, #tpu.memory_space<hbm>>
        tpu.enqueue_indirect_dma source(%dma_start3A_91 : memref<20000x128xf32, #tpu.memory_space<hbm>>) target(%arg10 : memref<64x128xf32, #tpu.memory_space<vmem>>) offsets(%dma_start3A_88 : memref<64xi32, #tpu.memory_space<vmem>>) semaphore(%arg15 : memref<!tpu.dma_semaphore, #tpu.memory_space<semaphore_mem>>)
        %add3A_92 = arith.addi %mul3A_2, %add3A_85 : i32
        %mul3A_93 = arith.constant 64 : i32
        %mul3A_94 = arith.muli %add3A_92, %mul3A_93 : i32
        %dma_start3A_95 = arith.constant 0 : i32
        %dma_start3A_96 = tpu.memref_slice %arg3[%mul3A_94, %dma_start3A_95] : memref<163840x128xf32, #tpu.memory_space<hbm>> -> memref<64x128xf32, #tpu.memory_space<hbm>>
        %dma_start3A_97 = arith.constant 0 : i32
        %dma_start3A_98 = tpu.memref_slice %arg3[%mul3A_94, %dma_start3A_97] : memref<163840x128xf32, #tpu.memory_space<hbm>> -> memref<64x128xf32, #tpu.memory_space<hbm>>
        tpu.enqueue_dma source(%dma_start3A_98 : memref<64x128xf32, #tpu.memory_space<hbm>>) target(%arg12 : memref<64x128xf32, #tpu.memory_space<vmem>>) target_semaphore(%arg17 : memref<!tpu.dma_semaphore, #tpu.memory_space<semaphore_mem>>)
      } else {
      }
      %add3A_63 = arith.constant 1 : i32
      %add3A_64 = arith.addi %mul3A_27, %add3A_63 : i32
      %dma_wait3A_65 = arith.constant 0 : i32
      %dma_wait3A_66 = tpu.memref_slice %arg8[%dma_wait3A_65] : memref<5120xi32, #tpu.memory_space<vmem>> -> memref<64xi32, #tpu.memory_space<vmem>>
      %dma_wait3A_67 = arith.constant 0 : i32
      %dma_wait3A_68 = arith.constant 0 : i32
      %dma_wait3A_69 = tpu.memref_slice %arg2[%dma_wait3A_67, %dma_wait3A_68] : memref<20000x128xf32, #tpu.memory_space<hbm>> -> memref<20000x128xf32, #tpu.memory_space<hbm>>
      tpu.wait_indirect_dma semaphore(%arg16 : memref<!tpu.dma_semaphore, #tpu.memory_space<semaphore_mem>>) src(%dma_wait3A_69 : memref<20000x128xf32, #tpu.memory_space<hbm>>) dst(%arg11 : memref<64x128xf32, #tpu.memory_space<vmem>>)
      %mul3A_70 = arith.constant 64 : i32
      %mul3A_71 = arith.muli %mul3A_2, %mul3A_70 : i32
      %dma_wait3A_72 = arith.constant 0 : i32
      %dma_wait3A_73 = tpu.memref_slice %arg3[%mul3A_71, %dma_wait3A_72] : memref<163840x128xf32, #tpu.memory_space<hbm>> -> memref<64x128xf32, #tpu.memory_space<hbm>>
      %dma_wait3A_74 = arith.constant 0 : i32
      %dma_wait3A_75 = tpu.memref_slice %arg3[%mul3A_71, %dma_wait3A_74] : memref<163840x128xf32, #tpu.memory_space<hbm>> -> memref<64x128xf32, #tpu.memory_space<hbm>>
      tpu.wait_dma2 semaphore(%arg18 : memref<!tpu.dma_semaphore, #tpu.memory_space<semaphore_mem>>) src(%dma_wait3A_75 : memref<64x128xf32, #tpu.memory_space<hbm>>) dst(%arg13 : memref<64x128xf32, #tpu.memory_space<vmem>>)
      %add3A_76 = arith.constant 1 : i32
      %add3A_77 = arith.addi %mul3A_27, %add3A_76 : i32
      %scan3A_78 = arith.constant 0 : i32
      %scan3A_79 = arith.constant 0 : i32
      %scan3A_80 = arith.constant 64 : i32
      %scan3A_81 = arith.addi %scan3A_79, %scan3A_80 : i32
      %scan3A_82 = arith.constant 1 : i32
      scf.for %scan3A_84 = %scan3A_79 to %scan3A_81 step %scan3A_82  : i32 {
        %get3A = arith.index_cast %scan3A_84 : i32 to index
        %get3A_85 = arith.constant 0 : index
        %get3A_86 = tpu.vector_load %arg11[%get3A, %get3A_85] {strides = array<i32>} : memref<64x128xf32, #tpu.memory_space<vmem>>, vector<1x16xf32>,
        %get3A_87 = vector.shape_cast %get3A_86 : vector<1x16xf32> to vector<16xf32>
        %get3A_88 = arith.index_cast %scan3A_84 : i32 to index
        %get3A_89 = arith.constant 0 : index
        %get3A_90 = tpu.vector_load %arg13[%get3A_88, %get3A_89] {strides = array<i32>} : memref<64x128xf32, #tpu.memory_space<vmem>>, vector<1x16xf32>,
        %get3A_91 = vector.shape_cast %get3A_90 : vector<1x16xf32> to vector<16xf32>
        %mul3A_92 = arith.mulf %get3A_87, %get3A_91 : vector<16xf32>
        %swap3A = arith.index_cast %scan3A_84 : i32 to index
        %swap3A_93 = arith.constant 0 : index
        %swap3A_94 = tpu.vector_load %arg11[%swap3A, %swap3A_93] {strides = array<i32>} : memref<64x128xf32, #tpu.memory_space<vmem>>, vector<1x16xf32>,
        %swap3A_95 = vector.shape_cast %swap3A_94 : vector<1x16xf32> to vector<16xf32>
        %swap3A_96 = vector.shape_cast %mul3A_92 : vector<16xf32> to vector<1x16xf32>
        tpu.vector_store %arg11[%swap3A, %swap3A_93], %swap3A_96 {strides = array<i32>} : memref<64x128xf32, #tpu.memory_space<vmem>>, vector<1x16xf32>,
        %get3A_97 = arith.index_cast %scan3A_84 : i32 to index
        %get3A_98 = arith.constant 16 : index
        %get3A_99 = tpu.vector_load %arg11[%get3A_97, %get3A_98] {strides = array<i32>} : memref<64x128xf32, #tpu.memory_space<vmem>>, vector<1x16xf32>,
        %get3A_100 = vector.shape_cast %get3A_99 : vector<1x16xf32> to vector<16xf32>
        %get3A_101 = arith.index_cast %scan3A_84 : i32 to index
        %get3A_102 = arith.constant 16 : index
        %get3A_103 = tpu.vector_load %arg13[%get3A_101, %get3A_102] {strides = array<i32>} : memref<64x128xf32, #tpu.memory_space<vmem>>, vector<1x16xf32>,
        %get3A_104 = vector.shape_cast %get3A_103 : vector<1x16xf32> to vector<16xf32>
        %mul3A_105 = arith.mulf %get3A_100, %get3A_104 : vector<16xf32>
        %swap3A_106 = arith.index_cast %scan3A_84 : i32 to index
        %swap3A_107 = arith.constant 16 : index
        %swap3A_108 = tpu.vector_load %arg11[%swap3A_106, %swap3A_107] {strides = array<i32>} : memref<64x128xf32, #tpu.memory_space<vmem>>, vector<1x16xf32>,
        %swap3A_109 = vector.shape_cast %swap3A_108 : vector<1x16xf32> to vector<16xf32>
        %swap3A_110 = vector.shape_cast %mul3A_105 : vector<16xf32> to vector<1x16xf32>
        tpu.vector_store %arg11[%swap3A_106, %swap3A_107], %swap3A_110 {strides = array<i32>} : memref<64x128xf32, #tpu.memory_space<vmem>>, vector<1x16xf32>,
        %get3A_111 = arith.index_cast %scan3A_84 : i32 to index
        %get3A_112 = arith.constant 32 : index
        %get3A_113 = tpu.vector_load %arg11[%get3A_111, %get3A_112] {strides = array<i32>} : memref<64x128xf32, #tpu.memory_space<vmem>>, vector<1x16xf32>,
        %get3A_114 = vector.shape_cast %get3A_113 : vector<1x16xf32> to vector<16xf32>
        %get3A_115 = arith.index_cast %scan3A_84 : i32 to index
        %get3A_116 = arith.constant 32 : index
        %get3A_117 = tpu.vector_load %arg13[%get3A_115, %get3A_116] {strides = array<i32>} : memref<64x128xf32, #tpu.memory_space<vmem>>, vector<1x16xf32>,
        %get3A_118 = vector.shape_cast %get3A_117 : vector<1x16xf32> to vector<16xf32>
        %mul3A_119 = arith.mulf %get3A_114, %get3A_118 : vector<16xf32>
        %swap3A_120 = arith.index_cast %scan3A_84 : i32 to index
        %swap3A_121 = arith.constant 32 : index
        %swap3A_122 = tpu.vector_load %arg11[%swap3A_120, %swap3A_121] {strides = array<i32>} : memref<64x128xf32, #tpu.memory_space<vmem>>, vector<1x16xf32>,
        %swap3A_123 = vector.shape_cast %swap3A_122 : vector<1x16xf32> to vector<16xf32>
        %swap3A_124 = vector.shape_cast %mul3A_119 : vector<16xf32> to vector<1x16xf32>
        tpu.vector_store %arg11[%swap3A_120, %swap3A_121], %swap3A_124 {strides = array<i32>} : memref<64x128xf32, #tpu.memory_space<vmem>>, vector<1x16xf32>,
        %get3A_125 = arith.index_cast %scan3A_84 : i32 to index
        %get3A_126 = arith.constant 48 : index
        %get3A_127 = tpu.vector_load %arg11[%get3A_125, %get3A_126] {strides = array<i32>} : memref<64x128xf32, #tpu.memory_space<vmem>>, vector<1x16xf32>,
        %get3A_128 = vector.shape_cast %get3A_127 : vector<1x16xf32> to vector<16xf32>
        %get3A_129 = arith.index_cast %scan3A_84 : i32 to index
        %get3A_130 = arith.constant 48 : index
        %get3A_131 = tpu.vector_load %arg13[%get3A_129, %get3A_130] {strides = array<i32>} : memref<64x128xf32, #tpu.memory_space<vmem>>, vector<1x16xf32>,
        %get3A_132 = vector.shape_cast %get3A_131 : vector<1x16xf32> to vector<16xf32>
        %mul3A_133 = arith.mulf %get3A_128, %get3A_132 : vector<16xf32>
        %swap3A_134 = arith.index_cast %scan3A_84 : i32 to index
        %swap3A_135 = arith.constant 48 : index
        %swap3A_136 = tpu.vector_load %arg11[%swap3A_134, %swap3A_135] {strides = array<i32>} : memref<64x128xf32, #tpu.memory_space<vmem>>, vector<1x16xf32>,
        %swap3A_137 = vector.shape_cast %swap3A_136 : vector<1x16xf32> to vector<16xf32>
        %swap3A_138 = vector.shape_cast %mul3A_133 : vector<16xf32> to vector<1x16xf32>
        tpu.vector_store %arg11[%swap3A_134, %swap3A_135], %swap3A_138 {strides = array<i32>} : memref<64x128xf32, #tpu.memory_space<vmem>>, vector<1x16xf32>,
        %get3A_139 = arith.index_cast %scan3A_84 : i32 to index
        %get3A_140 = arith.constant 64 : index
        %get3A_141 = tpu.vector_load %arg11[%get3A_139, %get3A_140] {strides = array<i32>} : memref<64x128xf32, #tpu.memory_space<vmem>>, vector<1x16xf32>,
        %get3A_142 = vector.shape_cast %get3A_141 : vector<1x16xf32> to vector<16xf32>
        %get3A_143 = arith.index_cast %scan3A_84 : i32 to index
        %get3A_144 = arith.constant 64 : index
        %get3A_145 = tpu.vector_load %arg13[%get3A_143, %get3A_144] {strides = array<i32>} : memref<64x128xf32, #tpu.memory_space<vmem>>, vector<1x16xf32>,
        %get3A_146 = vector.shape_cast %get3A_145 : vector<1x16xf32> to vector<16xf32>
        %mul3A_147 = arith.mulf %get3A_142, %get3A_146 : vector<16xf32>
        %swap3A_148 = arith.index_cast %scan3A_84 : i32 to index
        %swap3A_149 = arith.constant 64 : index
        %swap3A_150 = tpu.vector_load %arg11[%swap3A_148, %swap3A_149] {strides = array<i32>} : memref<64x128xf32, #tpu.memory_space<vmem>>, vector<1x16xf32>,
        %swap3A_151 = vector.shape_cast %swap3A_150 : vector<1x16xf32> to vector<16xf32>
        %swap3A_152 = vector.shape_cast %mul3A_147 : vector<16xf32> to vector<1x16xf32>
        tpu.vector_store %arg11[%swap3A_148, %swap3A_149], %swap3A_152 {strides = array<i32>} : memref<64x128xf32, #tpu.memory_space<vmem>>, vector<1x16xf32>,
        %get3A_153 = arith.index_cast %scan3A_84 : i32 to index
        %get3A_154 = arith.constant 80 : index
        %get3A_155 = tpu.vector_load %arg11[%get3A_153, %get3A_154] {strides = array<i32>} : memref<64x128xf32, #tpu.memory_space<vmem>>, vector<1x16xf32>,
        %get3A_156 = vector.shape_cast %get3A_155 : vector<1x16xf32> to vector<16xf32>
        %get3A_157 = arith.index_cast %scan3A_84 : i32 to index
        %get3A_158 = arith.constant 80 : index
        %get3A_159 = tpu.vector_load %arg13[%get3A_157, %get3A_158] {strides = array<i32>} : memref<64x128xf32, #tpu.memory_space<vmem>>, vector<1x16xf32>,
        %get3A_160 = vector.shape_cast %get3A_159 : vector<1x16xf32> to vector<16xf32>
        %mul3A_161 = arith.mulf %get3A_156, %get3A_160 : vector<16xf32>
        %swap3A_162 = arith.index_cast %scan3A_84 : i32 to index
        %swap3A_163 = arith.constant 80 : index
        %swap3A_164 = tpu.vector_load %arg11[%swap3A_162, %swap3A_163] {strides = array<i32>} : memref<64x128xf32, #tpu.memory_space<vmem>>, vector<1x16xf32>,
        %swap3A_165 = vector.shape_cast %swap3A_164 : vector<1x16xf32> to vector<16xf32>
        %swap3A_166 = vector.shape_cast %mul3A_161 : vector<16xf32> to vector<1x16xf32>
        tpu.vector_store %arg11[%swap3A_162, %swap3A_163], %swap3A_166 {strides = array<i32>} : memref<64x128xf32, #tpu.memory_space<vmem>>, vector<1x16xf32>,
        %get3A_167 = arith.index_cast %scan3A_84 : i32 to index
        %get3A_168 = arith.constant 96 : index
        %get3A_169 = tpu.vector_load %arg11[%get3A_167, %get3A_168] {strides = array<i32>} : memref<64x128xf32, #tpu.memory_space<vmem>>, vector<1x16xf32>,
        %get3A_170 = vector.shape_cast %get3A_169 : vector<1x16xf32> to vector<16xf32>
        %get3A_171 = arith.index_cast %scan3A_84 : i32 to index
        %get3A_172 = arith.constant 96 : index
        %get3A_173 = tpu.vector_load %arg13[%get3A_171, %get3A_172] {strides = array<i32>} : memref<64x128xf32, #tpu.memory_space<vmem>>, vector<1x16xf32>,
        %get3A_174 = vector.shape_cast %get3A_173 : vector<1x16xf32> to vector<16xf32>
        %mul3A_175 = arith.mulf %get3A_170, %get3A_174 : vector<16xf32>
        %swap3A_176 = arith.index_cast %scan3A_84 : i32 to index
        %swap3A_177 = arith.constant 96 : index
        %swap3A_178 = tpu.vector_load %arg11[%swap3A_176, %swap3A_177] {strides = array<i32>} : memref<64x128xf32, #tpu.memory_space<vmem>>, vector<1x16xf32>,
        %swap3A_179 = vector.shape_cast %swap3A_178 : vector<1x16xf32> to vector<16xf32>
        %swap3A_180 = vector.shape_cast %mul3A_175 : vector<16xf32> to vector<1x16xf32>
        tpu.vector_store %arg11[%swap3A_176, %swap3A_177], %swap3A_180 {strides = array<i32>} : memref<64x128xf32, #tpu.memory_space<vmem>>, vector<1x16xf32>,
        %get3A_181 = arith.index_cast %scan3A_84 : i32 to index
        %get3A_182 = arith.constant 112 : index
        %get3A_183 = tpu.vector_load %arg11[%get3A_181, %get3A_182] {strides = array<i32>} : memref<64x128xf32, #tpu.memory_space<vmem>>, vector<1x16xf32>,
        %get3A_184 = vector.shape_cast %get3A_183 : vector<1x16xf32> to vector<16xf32>
        %get3A_185 = arith.index_cast %scan3A_84 : i32 to index
        %get3A_186 = arith.constant 112 : index
        %get3A_187 = tpu.vector_load %arg13[%get3A_185, %get3A_186] {strides = array<i32>} : memref<64x128xf32, #tpu.memory_space<vmem>>, vector<1x16xf32>,
        %get3A_188 = vector.shape_cast %get3A_187 : vector<1x16xf32> to vector<16xf32>
        %mul3A_189 = arith.mulf %get3A_184, %get3A_188 : vector<16xf32>
        %swap3A_190 = arith.index_cast %scan3A_84 : i32 to index
        %swap3A_191 = arith.constant 112 : index
        %swap3A_192 = tpu.vector_load %arg11[%swap3A_190, %swap3A_191] {strides = array<i32>} : memref<64x128xf32, #tpu.memory_space<vmem>>, vector<1x16xf32>,
        %swap3A_193 = vector.shape_cast %swap3A_192 : vector<1x16xf32> to vector<16xf32>
        %swap3A_194 = vector.shape_cast %mul3A_189 : vector<16xf32> to vector<1x16xf32>
        tpu.vector_store %arg11[%swap3A_190, %swap3A_191], %swap3A_194 {strides = array<i32>} : memref<64x128xf32, #tpu.memory_space<vmem>>, vector<1x16xf32>,
      }
      %scan3A_83 = arith.constant 64 : i32
      "tpu.region"() ({
        %run_scoped3A = tpu.sem_alloc : memref<!tpu.dma_semaphore, #tpu.memory_space<semaphore_mem>>
        %dma_start3A_84 = arith.constant 0 : i32
        %dma_start3A_85 = tpu.memref_slice %arg9[%add3A_77, %dma_start3A_84] : memref<80x64xi32, #tpu.memory_space<vmem>> -> memref<1x64xi32, #tpu.memory_space<vmem>>
        %dma_start3A_86 = tpu.memref_squeeze %dma_start3A_85 : memref<1x64xi32, #tpu.memory_space<vmem>> -> memref<64xi32, #tpu.memory_space<vmem>>
        %dma_start3A_87 = arith.constant 0 : i32
        %dma_start3A_88 = arith.constant 0 : i32
        %dma_start3A_89 = tpu.memref_slice %arg14[%dma_start3A_87, %dma_start3A_88] : memref<10240x128xf32, #tpu.memory_space<vmem_shared>> -> memref<10240x128xf32, #tpu.memory_space<vmem_shared>>
        tpu.enqueue_indirect_dma source(%arg11 : memref<64x128xf32, #tpu.memory_space<vmem>>) target(%dma_start3A_89 : memref<10240x128xf32, #tpu.memory_space<vmem_shared>>) offsets(%dma_start3A_86 : memref<64xi32, #tpu.memory_space<vmem>>) semaphore(%run_scoped3A : memref<!tpu.dma_semaphore, #tpu.memory_space<semaphore_mem>>) {add = true}
        %dma_wait3A_90 = arith.constant 0 : i32
        %dma_wait3A_91 = tpu.memref_slice %arg9[%add3A_77, %dma_wait3A_90] : memref<80x64xi32, #tpu.memory_space<vmem>> -> memref<1x64xi32, #tpu.memory_space<vmem>>
        %dma_wait3A_92 = tpu.memref_squeeze %dma_wait3A_91 : memref<1x64xi32, #tpu.memory_space<vmem>> -> memref<64xi32, #tpu.memory_space<vmem>>
        %dma_wait3A_93 = arith.constant 0 : i32
        %dma_wait3A_94 = arith.constant 0 : i32
        %dma_wait3A_95 = tpu.memref_slice %arg14[%dma_wait3A_93, %dma_wait3A_94] : memref<10240x128xf32, #tpu.memory_space<vmem_shared>> -> memref<10240x128xf32, #tpu.memory_space<vmem_shared>>
        tpu.wait_indirect_dma semaphore(%run_scoped3A : memref<!tpu.dma_semaphore, #tpu.memory_space<semaphore_mem>>) src(%arg11 : memref<64x128xf32, #tpu.memory_space<vmem>>) dst(%dma_wait3A_95 : memref<10240x128xf32, #tpu.memory_space<vmem_shared>>)
        tpu.yield
      }) : () -> ()
    }
    %scan3A_23 = arith.constant 40 : i32
    %barrier3A_24 = arith.constant 0 : index
    tpu.barrier barrier_id(%barrier3A_24)
    "tpu.region"() ({
      %run_scoped3A = tpu.sem_alloc : memref<!tpu.dma_semaphore, #tpu.memory_space<semaphore_mem>>
      %dma_start3A_25 = arith.constant 0 : i32
      %dma_start3A_26 = tpu.memref_slice %arg7[%arg0, %mul3A_4, %dma_start3A_25] : memref<2x10240x128xf32, #tpu.memory_space<hbm>> -> memref<1x640x128xf32, #tpu.memory_space<hbm>>
      %dma_start3A_27 = tpu.memref_squeeze %dma_start3A_26 : memref<1x640x128xf32, #tpu.memory_space<hbm>> -> memref<640x128xf32, #tpu.memory_space<hbm>>
      %dma_start3A_28 = arith.constant 0 : i32
      %dma_start3A_29 = tpu.memref_slice %arg14[%mul3A_4, %dma_start3A_28] : memref<10240x128xf32, #tpu.memory_space<vmem_shared>> -> memref<640x128xf32, #tpu.memory_space<vmem_shared>>
      tpu.enqueue_dma source(%dma_start3A_29 : memref<640x128xf32, #tpu.memory_space<vmem_shared>>) target(%dma_start3A_27 : memref<640x128xf32, #tpu.memory_space<hbm>>) target_semaphore(%run_scoped3A : memref<!tpu.dma_semaphore, #tpu.memory_space<semaphore_mem>>)
      %dma_wait3A = arith.constant 0 : i32
      %dma_wait3A_30 = tpu.memref_slice %arg7[%arg0, %mul3A_4, %dma_wait3A] : memref<2x10240x128xf32, #tpu.memory_space<hbm>> -> memref<1x640x128xf32, #tpu.memory_space<hbm>>
      %dma_wait3A_31 = tpu.memref_squeeze %dma_wait3A_30 : memref<1x640x128xf32, #tpu.memory_space<hbm>> -> memref<640x128xf32, #tpu.memory_space<hbm>>
      %dma_wait3A_32 = arith.constant 0 : i32
      %dma_wait3A_33 = tpu.memref_slice %arg14[%mul3A_4, %dma_wait3A_32] : memref<10240x128xf32, #tpu.memory_space<vmem_shared>> -> memref<640x128xf32, #tpu.memory_space<vmem_shared>>
      tpu.wait_dma2 semaphore(%run_scoped3A : memref<!tpu.dma_semaphore, #tpu.memory_space<semaphore_mem>>) src(%dma_wait3A_33 : memref<640x128xf32, #tpu.memory_space<vmem_shared>>) dst(%dma_wait3A_31 : memref<640x128xf32, #tpu.memory_space<hbm>>)
      tpu.yield
    }) : () -> ()
    return
  }
}

#map = affine_map<(d0, d1) -> (0)>
module attributes {stable_mosaic.version = 14 : i64} {
  func.func @_pre_body(%arg0: i32, %arg1: i32, %arg2: memref<10000xf32, #tpu.memory_space<hbm>>, %arg3: memref<10000xf32, #tpu.memory_space<hbm>>, %arg4: memref<10000xf32, #tpu.memory_space<hbm>>, %arg5: memref<10000xi32, #tpu.memory_space<hbm>>, %arg6: memref<163840xi32, #tpu.memory_space<hbm>>, %arg7: memref<163840xi32, #tpu.memory_space<hbm>>, %arg8: memref<163840xf32, #tpu.memory_space<hbm>>, %arg9: memref<163840xi32, #tpu.memory_space<hbm>>, %arg10: memref<163840xi32, #tpu.memory_space<hbm>>, %arg11: memref<5120xi32, #tpu.memory_space<vmem>>, %arg12: memref<5120xi32, #tpu.memory_space<vmem>>, %arg13: memref<5120xf32, #tpu.memory_space<vmem>>, %arg14: memref<5120xf32, #tpu.memory_space<vmem>>, %arg15: memref<5120xf32, #tpu.memory_space<vmem>>, %arg16: memref<5120xf32, #tpu.memory_space<vmem>>, %arg17: memref<5120xf32, #tpu.memory_space<vmem>>, %arg18: memref<5120xf32, #tpu.memory_space<vmem>>, %arg19: memref<5120xi32, #tpu.memory_space<vmem>>, %arg20: memref<5120xf32, #tpu.memory_space<vmem>>, %arg21: memref<5120xi32, #tpu.memory_space<vmem>>, %arg22: memref<5120xi32, #tpu.memory_space<vmem>>, %arg23: memref<!tpu.dma_semaphore, #tpu.memory_space<semaphore_mem>>) attributes {dimension_semantics = [#tpu.dimension_semantics<core_parallel>, #tpu.dimension_semantics<subcore_parallel>], iteration_bounds = array<i64: 2, 16>, scalar_prefetch = 0 : i64, scratch_operands = 13 : i64, tpu.core_type = #tpu.core_type<sc_vector_subcore>, window_params = [{transform_indices = #map}, {transform_indices = #map}, {transform_indices = #map}, {transform_indices = #map}, {transform_indices = #map}, {transform_indices = #map}, {transform_indices = #map}, {transform_indices = #map}, {transform_indices = #map}]} {
    %mul3A = arith.constant 2 : i32
    %mul3A_0 = arith.muli %arg1, %mul3A : i32
    %add3A = arith.addi %mul3A_0, %arg0 : i32
    %mul3A_1 = arith.constant 5120 : i32
    %mul3A_2 = arith.muli %add3A, %mul3A_1 : i32
    "tpu.region"() ({
      %run_scoped3A = tpu.sem_alloc : memref<!tpu.dma_semaphore, #tpu.memory_space<semaphore_mem>>
      %dma_start3A = tpu.memref_slice %arg6[%mul3A_2] : memref<163840xi32, #tpu.memory_space<hbm>> -> memref<5120xi32, #tpu.memory_space<hbm>>
      %dma_start3A_14 = tpu.memref_slice %arg6[%mul3A_2] : memref<163840xi32, #tpu.memory_space<hbm>> -> memref<5120xi32, #tpu.memory_space<hbm>>
      tpu.enqueue_dma source(%dma_start3A_14 : memref<5120xi32, #tpu.memory_space<hbm>>) target(%arg11 : memref<5120xi32, #tpu.memory_space<vmem>>) target_semaphore(%run_scoped3A : memref<!tpu.dma_semaphore, #tpu.memory_space<semaphore_mem>>)
      %dma_wait3A = tpu.memref_slice %arg6[%mul3A_2] : memref<163840xi32, #tpu.memory_space<hbm>> -> memref<5120xi32, #tpu.memory_space<hbm>>
      %dma_wait3A_15 = tpu.memref_slice %arg6[%mul3A_2] : memref<163840xi32, #tpu.memory_space<hbm>> -> memref<5120xi32, #tpu.memory_space<hbm>>
      tpu.wait_dma2 semaphore(%run_scoped3A : memref<!tpu.dma_semaphore, #tpu.memory_space<semaphore_mem>>) src(%dma_wait3A_15 : memref<5120xi32, #tpu.memory_space<hbm>>) dst(%arg11 : memref<5120xi32, #tpu.memory_space<vmem>>)
      tpu.yield
    }) : () -> ()
    "tpu.region"() ({
      %run_scoped3A = tpu.sem_alloc : memref<!tpu.dma_semaphore, #tpu.memory_space<semaphore_mem>>
      %dma_start3A = tpu.memref_slice %arg7[%mul3A_2] : memref<163840xi32, #tpu.memory_space<hbm>> -> memref<5120xi32, #tpu.memory_space<hbm>>
      %dma_start3A_14 = tpu.memref_slice %arg7[%mul3A_2] : memref<163840xi32, #tpu.memory_space<hbm>> -> memref<5120xi32, #tpu.memory_space<hbm>>
      tpu.enqueue_dma source(%dma_start3A_14 : memref<5120xi32, #tpu.memory_space<hbm>>) target(%arg12 : memref<5120xi32, #tpu.memory_space<vmem>>) target_semaphore(%run_scoped3A : memref<!tpu.dma_semaphore, #tpu.memory_space<semaphore_mem>>)
      %dma_wait3A = tpu.memref_slice %arg7[%mul3A_2] : memref<163840xi32, #tpu.memory_space<hbm>> -> memref<5120xi32, #tpu.memory_space<hbm>>
      %dma_wait3A_15 = tpu.memref_slice %arg7[%mul3A_2] : memref<163840xi32, #tpu.memory_space<hbm>> -> memref<5120xi32, #tpu.memory_space<hbm>>
      tpu.wait_dma2 semaphore(%run_scoped3A : memref<!tpu.dma_semaphore, #tpu.memory_space<semaphore_mem>>) src(%dma_wait3A_15 : memref<5120xi32, #tpu.memory_space<hbm>>) dst(%arg12 : memref<5120xi32, #tpu.memory_space<vmem>>)
      tpu.yield
    }) : () -> ()
    %scan3A = arith.constant 0 : i32
    %scan3A_3 = arith.constant 0 : i32
    %scan3A_4 = arith.constant 40 : i32
    %scan3A_5 = arith.addi %scan3A_3, %scan3A_4 : i32
    %scan3A_6 = arith.constant 1 : i32
    scf.for %scan3A_14 = %scan3A_3 to %scan3A_5 step %scan3A_6  : i32 {
      %mul3A_15 = arith.constant 128 : i32
      %mul3A_16 = arith.muli %scan3A_14, %mul3A_15 : i32
      %dma_start3A = tpu.memref_slice %arg13[%mul3A_16] : memref<5120xf32, #tpu.memory_space<vmem>> -> memref<128xf32, #tpu.memory_space<vmem>>
      %dma_start3A_17 = tpu.memref_slice %arg11[%mul3A_16] : memref<5120xi32, #tpu.memory_space<vmem>> -> memref<128xi32, #tpu.memory_space<vmem>>
      %dma_start3A_18 = arith.constant 0 : i32
      %dma_start3A_19 = tpu.memref_slice %arg2[%dma_start3A_18] : memref<10000xf32, #tpu.memory_space<hbm>> -> memref<10000xf32, #tpu.memory_space<hbm>>
      tpu.enqueue_indirect_dma source(%dma_start3A_19 : memref<10000xf32, #tpu.memory_space<hbm>>) target(%dma_start3A : memref<128xf32, #tpu.memory_space<vmem>>) offsets(%dma_start3A_17 : memref<128xi32, #tpu.memory_space<vmem>>) semaphore(%arg23 : memref<!tpu.dma_semaphore, #tpu.memory_space<semaphore_mem>>)
      %dma_start3A_20 = tpu.memref_slice %arg14[%mul3A_16] : memref<5120xf32, #tpu.memory_space<vmem>> -> memref<128xf32, #tpu.memory_space<vmem>>
      %dma_start3A_21 = tpu.memref_slice %arg11[%mul3A_16] : memref<5120xi32, #tpu.memory_space<vmem>> -> memref<128xi32, #tpu.memory_space<vmem>>
      %dma_start3A_22 = arith.constant 0 : i32
      %dma_start3A_23 = tpu.memref_slice %arg3[%dma_start3A_22] : memref<10000xf32, #tpu.memory_space<hbm>> -> memref<10000xf32, #tpu.memory_space<hbm>>
      tpu.enqueue_indirect_dma source(%dma_start3A_23 : memref<10000xf32, #tpu.memory_space<hbm>>) target(%dma_start3A_20 : memref<128xf32, #tpu.memory_space<vmem>>) offsets(%dma_start3A_21 : memref<128xi32, #tpu.memory_space<vmem>>) semaphore(%arg23 : memref<!tpu.dma_semaphore, #tpu.memory_space<semaphore_mem>>)
      %dma_start3A_24 = tpu.memref_slice %arg15[%mul3A_16] : memref<5120xf32, #tpu.memory_space<vmem>> -> memref<128xf32, #tpu.memory_space<vmem>>
      %dma_start3A_25 = tpu.memref_slice %arg11[%mul3A_16] : memref<5120xi32, #tpu.memory_space<vmem>> -> memref<128xi32, #tpu.memory_space<vmem>>
      %dma_start3A_26 = arith.constant 0 : i32
      %dma_start3A_27 = tpu.memref_slice %arg4[%dma_start3A_26] : memref<10000xf32, #tpu.memory_space<hbm>> -> memref<10000xf32, #tpu.memory_space<hbm>>
      tpu.enqueue_indirect_dma source(%dma_start3A_27 : memref<10000xf32, #tpu.memory_space<hbm>>) target(%dma_start3A_24 : memref<128xf32, #tpu.memory_space<vmem>>) offsets(%dma_start3A_25 : memref<128xi32, #tpu.memory_space<vmem>>) semaphore(%arg23 : memref<!tpu.dma_semaphore, #tpu.memory_space<semaphore_mem>>)
      %dma_start3A_28 = tpu.memref_slice %arg16[%mul3A_16] : memref<5120xf32, #tpu.memory_space<vmem>> -> memref<128xf32, #tpu.memory_space<vmem>>
      %dma_start3A_29 = tpu.memref_slice %arg12[%mul3A_16] : memref<5120xi32, #tpu.memory_space<vmem>> -> memref<128xi32, #tpu.memory_space<vmem>>
      %dma_start3A_30 = arith.constant 0 : i32
      %dma_start3A_31 = tpu.memref_slice %arg2[%dma_start3A_30] : memref<10000xf32, #tpu.memory_space<hbm>> -> memref<10000xf32, #tpu.memory_space<hbm>>
      tpu.enqueue_indirect_dma source(%dma_start3A_31 : memref<10000xf32, #tpu.memory_space<hbm>>) target(%dma_start3A_28 : memref<128xf32, #tpu.memory_space<vmem>>) offsets(%dma_start3A_29 : memref<128xi32, #tpu.memory_space<vmem>>) semaphore(%arg23 : memref<!tpu.dma_semaphore, #tpu.memory_space<semaphore_mem>>)
      %dma_start3A_32 = tpu.memref_slice %arg17[%mul3A_16] : memref<5120xf32, #tpu.memory_space<vmem>> -> memref<128xf32, #tpu.memory_space<vmem>>
      %dma_start3A_33 = tpu.memref_slice %arg12[%mul3A_16] : memref<5120xi32, #tpu.memory_space<vmem>> -> memref<128xi32, #tpu.memory_space<vmem>>
      %dma_start3A_34 = arith.constant 0 : i32
      %dma_start3A_35 = tpu.memref_slice %arg3[%dma_start3A_34] : memref<10000xf32, #tpu.memory_space<hbm>> -> memref<10000xf32, #tpu.memory_space<hbm>>
      tpu.enqueue_indirect_dma source(%dma_start3A_35 : memref<10000xf32, #tpu.memory_space<hbm>>) target(%dma_start3A_32 : memref<128xf32, #tpu.memory_space<vmem>>) offsets(%dma_start3A_33 : memref<128xi32, #tpu.memory_space<vmem>>) semaphore(%arg23 : memref<!tpu.dma_semaphore, #tpu.memory_space<semaphore_mem>>)
      %dma_start3A_36 = tpu.memref_slice %arg18[%mul3A_16] : memref<5120xf32, #tpu.memory_space<vmem>> -> memref<128xf32, #tpu.memory_space<vmem>>
      %dma_start3A_37 = tpu.memref_slice %arg12[%mul3A_16] : memref<5120xi32, #tpu.memory_space<vmem>> -> memref<128xi32, #tpu.memory_space<vmem>>
      %dma_start3A_38 = arith.constant 0 : i32
      %dma_start3A_39 = tpu.memref_slice %arg4[%dma_start3A_38] : memref<10000xf32, #tpu.memory_space<hbm>> -> memref<10000xf32, #tpu.memory_space<hbm>>
      tpu.enqueue_indirect_dma source(%dma_start3A_39 : memref<10000xf32, #tpu.memory_space<hbm>>) target(%dma_start3A_36 : memref<128xf32, #tpu.memory_space<vmem>>) offsets(%dma_start3A_37 : memref<128xi32, #tpu.memory_space<vmem>>) semaphore(%arg23 : memref<!tpu.dma_semaphore, #tpu.memory_space<semaphore_mem>>)
      %dma_start3A_40 = tpu.memref_slice %arg19[%mul3A_16] : memref<5120xi32, #tpu.memory_space<vmem>> -> memref<128xi32, #tpu.memory_space<vmem>>
      %dma_start3A_41 = tpu.memref_slice %arg12[%mul3A_16] : memref<5120xi32, #tpu.memory_space<vmem>> -> memref<128xi32, #tpu.memory_space<vmem>>
      %dma_start3A_42 = arith.constant 0 : i32
      %dma_start3A_43 = tpu.memref_slice %arg5[%dma_start3A_42] : memref<10000xi32, #tpu.memory_space<hbm>> -> memref<10000xi32, #tpu.memory_space<hbm>>
      tpu.enqueue_indirect_dma source(%dma_start3A_43 : memref<10000xi32, #tpu.memory_space<hbm>>) target(%dma_start3A_40 : memref<128xi32, #tpu.memory_space<vmem>>) offsets(%dma_start3A_41 : memref<128xi32, #tpu.memory_space<vmem>>) semaphore(%arg23 : memref<!tpu.dma_semaphore, #tpu.memory_space<semaphore_mem>>)
      %dma_wait3A = tpu.memref_slice %arg13[%mul3A_16] : memref<5120xf32, #tpu.memory_space<vmem>> -> memref<128xf32, #tpu.memory_space<vmem>>
      %dma_wait3A_44 = tpu.memref_slice %arg11[%mul3A_16] : memref<5120xi32, #tpu.memory_space<vmem>> -> memref<128xi32, #tpu.memory_space<vmem>>
      %dma_wait3A_45 = arith.constant 0 : i32
      %dma_wait3A_46 = tpu.memref_slice %arg2[%dma_wait3A_45] : memref<10000xf32, #tpu.memory_space<hbm>> -> memref<10000xf32, #tpu.memory_space<hbm>>
      tpu.wait_indirect_dma semaphore(%arg23 : memref<!tpu.dma_semaphore, #tpu.memory_space<semaphore_mem>>) src(%dma_wait3A_46 : memref<10000xf32, #tpu.memory_space<hbm>>) dst(%dma_wait3A : memref<128xf32, #tpu.memory_space<vmem>>)
      %dma_wait3A_47 = tpu.memref_slice %arg14[%mul3A_16] : memref<5120xf32, #tpu.memory_space<vmem>> -> memref<128xf32, #tpu.memory_space<vmem>>
      %dma_wait3A_48 = tpu.memref_slice %arg11[%mul3A_16] : memref<5120xi32, #tpu.memory_space<vmem>> -> memref<128xi32, #tpu.memory_space<vmem>>
      %dma_wait3A_49 = arith.constant 0 : i32
      %dma_wait3A_50 = tpu.memref_slice %arg3[%dma_wait3A_49] : memref<10000xf32, #tpu.memory_space<hbm>> -> memref<10000xf32, #tpu.memory_space<hbm>>
      tpu.wait_indirect_dma semaphore(%arg23 : memref<!tpu.dma_semaphore, #tpu.memory_space<semaphore_mem>>) src(%dma_wait3A_50 : memref<10000xf32, #tpu.memory_space<hbm>>) dst(%dma_wait3A_47 : memref<128xf32, #tpu.memory_space<vmem>>)
      %dma_wait3A_51 = tpu.memref_slice %arg15[%mul3A_16] : memref<5120xf32, #tpu.memory_space<vmem>> -> memref<128xf32, #tpu.memory_space<vmem>>
      %dma_wait3A_52 = tpu.memref_slice %arg11[%mul3A_16] : memref<5120xi32, #tpu.memory_space<vmem>> -> memref<128xi32, #tpu.memory_space<vmem>>
      %dma_wait3A_53 = arith.constant 0 : i32
      %dma_wait3A_54 = tpu.memref_slice %arg4[%dma_wait3A_53] : memref<10000xf32, #tpu.memory_space<hbm>> -> memref<10000xf32, #tpu.memory_space<hbm>>
      tpu.wait_indirect_dma semaphore(%arg23 : memref<!tpu.dma_semaphore, #tpu.memory_space<semaphore_mem>>) src(%dma_wait3A_54 : memref<10000xf32, #tpu.memory_space<hbm>>) dst(%dma_wait3A_51 : memref<128xf32, #tpu.memory_space<vmem>>)
      %dma_wait3A_55 = tpu.memref_slice %arg16[%mul3A_16] : memref<5120xf32, #tpu.memory_space<vmem>> -> memref<128xf32, #tpu.memory_space<vmem>>
      %dma_wait3A_56 = tpu.memref_slice %arg12[%mul3A_16] : memref<5120xi32, #tpu.memory_space<vmem>> -> memref<128xi32, #tpu.memory_space<vmem>>
      %dma_wait3A_57 = arith.constant 0 : i32
      %dma_wait3A_58 = tpu.memref_slice %arg2[%dma_wait3A_57] : memref<10000xf32, #tpu.memory_space<hbm>> -> memref<10000xf32, #tpu.memory_space<hbm>>
      tpu.wait_indirect_dma semaphore(%arg23 : memref<!tpu.dma_semaphore, #tpu.memory_space<semaphore_mem>>) src(%dma_wait3A_58 : memref<10000xf32, #tpu.memory_space<hbm>>) dst(%dma_wait3A_55 : memref<128xf32, #tpu.memory_space<vmem>>)
      %dma_wait3A_59 = tpu.memref_slice %arg17[%mul3A_16] : memref<5120xf32, #tpu.memory_space<vmem>> -> memref<128xf32, #tpu.memory_space<vmem>>
      %dma_wait3A_60 = tpu.memref_slice %arg12[%mul3A_16] : memref<5120xi32, #tpu.memory_space<vmem>> -> memref<128xi32, #tpu.memory_space<vmem>>
      %dma_wait3A_61 = arith.constant 0 : i32
      %dma_wait3A_62 = tpu.memref_slice %arg3[%dma_wait3A_61] : memref<10000xf32, #tpu.memory_space<hbm>> -> memref<10000xf32, #tpu.memory_space<hbm>>
      tpu.wait_indirect_dma semaphore(%arg23 : memref<!tpu.dma_semaphore, #tpu.memory_space<semaphore_mem>>) src(%dma_wait3A_62 : memref<10000xf32, #tpu.memory_space<hbm>>) dst(%dma_wait3A_59 : memref<128xf32, #tpu.memory_space<vmem>>)
      %dma_wait3A_63 = tpu.memref_slice %arg18[%mul3A_16] : memref<5120xf32, #tpu.memory_space<vmem>> -> memref<128xf32, #tpu.memory_space<vmem>>
      %dma_wait3A_64 = tpu.memref_slice %arg12[%mul3A_16] : memref<5120xi32, #tpu.memory_space<vmem>> -> memref<128xi32, #tpu.memory_space<vmem>>
      %dma_wait3A_65 = arith.constant 0 : i32
      %dma_wait3A_66 = tpu.memref_slice %arg4[%dma_wait3A_65] : memref<10000xf32, #tpu.memory_space<hbm>> -> memref<10000xf32, #tpu.memory_space<hbm>>
      tpu.wait_indirect_dma semaphore(%arg23 : memref<!tpu.dma_semaphore, #tpu.memory_space<semaphore_mem>>) src(%dma_wait3A_66 : memref<10000xf32, #tpu.memory_space<hbm>>) dst(%dma_wait3A_63 : memref<128xf32, #tpu.memory_space<vmem>>)
      %dma_wait3A_67 = tpu.memref_slice %arg19[%mul3A_16] : memref<5120xi32, #tpu.memory_space<vmem>> -> memref<128xi32, #tpu.memory_space<vmem>>
      %dma_wait3A_68 = tpu.memref_slice %arg12[%mul3A_16] : memref<5120xi32, #tpu.memory_space<vmem>> -> memref<128xi32, #tpu.memory_space<vmem>>
      %dma_wait3A_69 = arith.constant 0 : i32
      %dma_wait3A_70 = tpu.memref_slice %arg5[%dma_wait3A_69] : memref<10000xi32, #tpu.memory_space<hbm>> -> memref<10000xi32, #tpu.memory_space<hbm>>
      tpu.wait_indirect_dma semaphore(%arg23 : memref<!tpu.dma_semaphore, #tpu.memory_space<semaphore_mem>>) src(%dma_wait3A_70 : memref<10000xi32, #tpu.memory_space<hbm>>) dst(%dma_wait3A_67 : memref<128xi32, #tpu.memory_space<vmem>>)
    }
    %scan3A_7 = arith.constant 40 : i32
    %scan3A_8 = arith.constant 0 : i32
    %scan3A_9 = arith.constant 0 : i32
    %scan3A_10 = arith.constant 320 : i32
    %scan3A_11 = arith.addi %scan3A_9, %scan3A_10 : i32
    %scan3A_12 = arith.constant 1 : i32
    scf.for %scan3A_14 = %scan3A_9 to %scan3A_11 step %scan3A_12  : i32 {
      %mul3A_15 = arith.constant 16 : i32
      %mul3A_16 = arith.muli %scan3A_14, %mul3A_15 : i32
      %get3A = arith.index_cast %mul3A_16 : i32 to index
      %get3A_17 = tpu.vector_load %arg13[%get3A] {strides = array<i32>} : memref<5120xf32, #tpu.memory_space<vmem>>, vector<16xf32>,
      %get3A_18 = vector.shape_cast %get3A_17 : vector<16xf32> to vector<16xf32>
      %get3A_19 = arith.index_cast %mul3A_16 : i32 to index
      %get3A_20 = tpu.vector_load %arg16[%get3A_19] {strides = array<i32>} : memref<5120xf32, #tpu.memory_space<vmem>>, vector<16xf32>,
      %get3A_21 = vector.shape_cast %get3A_20 : vector<16xf32> to vector<16xf32>
      %sub3A = arith.subf %get3A_18, %get3A_21 : vector<16xf32>
      %get3A_22 = arith.index_cast %mul3A_16 : i32 to index
      %get3A_23 = tpu.vector_load %arg14[%get3A_22] {strides = array<i32>} : memref<5120xf32, #tpu.memory_space<vmem>>, vector<16xf32>,
      %get3A_24 = vector.shape_cast %get3A_23 : vector<16xf32> to vector<16xf32>
      %get3A_25 = arith.index_cast %mul3A_16 : i32 to index
      %get3A_26 = tpu.vector_load %arg17[%get3A_25] {strides = array<i32>} : memref<5120xf32, #tpu.memory_space<vmem>>, vector<16xf32>,
      %get3A_27 = vector.shape_cast %get3A_26 : vector<16xf32> to vector<16xf32>
      %sub3A_28 = arith.subf %get3A_24, %get3A_27 : vector<16xf32>
      %get3A_29 = arith.index_cast %mul3A_16 : i32 to index
      %get3A_30 = tpu.vector_load %arg15[%get3A_29] {strides = array<i32>} : memref<5120xf32, #tpu.memory_space<vmem>>, vector<16xf32>,
      %get3A_31 = vector.shape_cast %get3A_30 : vector<16xf32> to vector<16xf32>
      %get3A_32 = arith.index_cast %mul3A_16 : i32 to index
      %get3A_33 = tpu.vector_load %arg18[%get3A_32] {strides = array<i32>} : memref<5120xf32, #tpu.memory_space<vmem>>, vector<16xf32>,
      %get3A_34 = vector.shape_cast %get3A_33 : vector<16xf32> to vector<16xf32>
      %sub3A_35 = arith.subf %get3A_31, %get3A_34 : vector<16xf32>
      %mul3A_36 = arith.mulf %sub3A, %sub3A : vector<16xf32>
      %mul3A_37 = arith.mulf %sub3A_28, %sub3A_28 : vector<16xf32>
      %add3A_38 = arith.addf %mul3A_36, %mul3A_37 : vector<16xf32>
      %mul3A_39 = arith.mulf %sub3A_35, %sub3A_35 : vector<16xf32>
      %add3A_40 = arith.addf %add3A_38, %mul3A_39 : vector<16xf32>
      %swap3A = arith.index_cast %mul3A_16 : i32 to index
      %swap3A_41 = tpu.vector_load %arg20[%swap3A] {strides = array<i32>} : memref<5120xf32, #tpu.memory_space<vmem>>, vector<16xf32>,
      %swap3A_42 = vector.shape_cast %swap3A_41 : vector<16xf32> to vector<16xf32>
      %swap3A_43 = vector.shape_cast %add3A_40 : vector<16xf32> to vector<16xf32>
      tpu.vector_store %arg20[%swap3A], %swap3A_43 {strides = array<i32>} : memref<5120xf32, #tpu.memory_space<vmem>>, vector<16xf32>,
      %get3A_44 = arith.index_cast %mul3A_16 : i32 to index
      %get3A_45 = tpu.vector_load %arg19[%get3A_44] {strides = array<i32>} : memref<5120xi32, #tpu.memory_space<vmem>>, vector<16xi32>,
      %get3A_46 = vector.shape_cast %get3A_45 : vector<16xi32> to vector<16xi32>
      %mul3A_47 = arith.constant 10000 : i32
      %mul3A_48 = vector.broadcast %mul3A_47 : i32 to vector<16xi32>
      %mul3A_49 = arith.muli %get3A_46, %mul3A_48 : vector<16xi32>
      %get3A_50 = arith.index_cast %mul3A_16 : i32 to index
      %get3A_51 = tpu.vector_load %arg11[%get3A_50] {strides = array<i32>} : memref<5120xi32, #tpu.memory_space<vmem>>, vector<16xi32>,
      %get3A_52 = vector.shape_cast %get3A_51 : vector<16xi32> to vector<16xi32>
      %add3A_53 = arith.addi %mul3A_49, %get3A_52 : vector<16xi32>
      %swap3A_54 = arith.index_cast %mul3A_16 : i32 to index
      %swap3A_55 = tpu.vector_load %arg21[%swap3A_54] {strides = array<i32>} : memref<5120xi32, #tpu.memory_space<vmem>>, vector<16xi32>,
      %swap3A_56 = vector.shape_cast %swap3A_55 : vector<16xi32> to vector<16xi32>
      %swap3A_57 = vector.shape_cast %add3A_53 : vector<16xi32> to vector<16xi32>
      tpu.vector_store %arg21[%swap3A_54], %swap3A_57 {strides = array<i32>} : memref<5120xi32, #tpu.memory_space<vmem>>, vector<16xi32>,
      %swap3A_58 = arith.index_cast %mul3A_16 : i32 to index
      %swap3A_59 = tpu.vector_load %arg22[%swap3A_58] {strides = array<i32>} : memref<5120xi32, #tpu.memory_space<vmem>>, vector<16xi32>,
      %swap3A_60 = vector.shape_cast %swap3A_59 : vector<16xi32> to vector<16xi32>
      %swap3A_61 = vector.shape_cast %get3A_46 : vector<16xi32> to vector<16xi32>
      tpu.vector_store %arg22[%swap3A_58], %swap3A_61 {strides = array<i32>} : memref<5120xi32, #tpu.memory_space<vmem>>, vector<16xi32>,
    }
    %scan3A_13 = arith.constant 320 : i32
    "tpu.region"() ({
      %run_scoped3A = tpu.sem_alloc : memref<!tpu.dma_semaphore, #tpu.memory_space<semaphore_mem>>
      %dma_start3A = tpu.memref_slice %arg8[%mul3A_2] : memref<163840xf32, #tpu.memory_space<hbm>> -> memref<5120xf32, #tpu.memory_space<hbm>>
      %dma_start3A_14 = tpu.memref_slice %arg8[%mul3A_2] : memref<163840xf32, #tpu.memory_space<hbm>> -> memref<5120xf32, #tpu.memory_space<hbm>>
      tpu.enqueue_dma source(%arg20 : memref<5120xf32, #tpu.memory_space<vmem>>) target(%dma_start3A_14 : memref<5120xf32, #tpu.memory_space<hbm>>) target_semaphore(%run_scoped3A : memref<!tpu.dma_semaphore, #tpu.memory_space<semaphore_mem>>)
      %dma_wait3A = tpu.memref_slice %arg8[%mul3A_2] : memref<163840xf32, #tpu.memory_space<hbm>> -> memref<5120xf32, #tpu.memory_space<hbm>>
      %dma_wait3A_15 = tpu.memref_slice %arg8[%mul3A_2] : memref<163840xf32, #tpu.memory_space<hbm>> -> memref<5120xf32, #tpu.memory_space<hbm>>
      tpu.wait_dma2 semaphore(%run_scoped3A : memref<!tpu.dma_semaphore, #tpu.memory_space<semaphore_mem>>) src(%arg20 : memref<5120xf32, #tpu.memory_space<vmem>>) dst(%dma_wait3A_15 : memref<5120xf32, #tpu.memory_space<hbm>>)
      tpu.yield
    }) : () -> ()
    "tpu.region"() ({
      %run_scoped3A = tpu.sem_alloc : memref<!tpu.dma_semaphore, #tpu.memory_space<semaphore_mem>>
      %dma_start3A = tpu.memref_slice %arg9[%mul3A_2] : memref<163840xi32, #tpu.memory_space<hbm>> -> memref<5120xi32, #tpu.memory_space<hbm>>
      %dma_start3A_14 = tpu.memref_slice %arg9[%mul3A_2] : memref<163840xi32, #tpu.memory_space<hbm>> -> memref<5120xi32, #tpu.memory_space<hbm>>
      tpu.enqueue_dma source(%arg21 : memref<5120xi32, #tpu.memory_space<vmem>>) target(%dma_start3A_14 : memref<5120xi32, #tpu.memory_space<hbm>>) target_semaphore(%run_scoped3A : memref<!tpu.dma_semaphore, #tpu.memory_space<semaphore_mem>>)
      %dma_wait3A = tpu.memref_slice %arg9[%mul3A_2] : memref<163840xi32, #tpu.memory_space<hbm>> -> memref<5120xi32, #tpu.memory_space<hbm>>
      %dma_wait3A_15 = tpu.memref_slice %arg9[%mul3A_2] : memref<163840xi32, #tpu.memory_space<hbm>> -> memref<5120xi32, #tpu.memory_space<hbm>>
      tpu.wait_dma2 semaphore(%run_scoped3A : memref<!tpu.dma_semaphore, #tpu.memory_space<semaphore_mem>>) src(%arg21 : memref<5120xi32, #tpu.memory_space<vmem>>) dst(%dma_wait3A_15 : memref<5120xi32, #tpu.memory_space<hbm>>)
      tpu.yield
    }) : () -> ()
    "tpu.region"() ({
      %run_scoped3A = tpu.sem_alloc : memref<!tpu.dma_semaphore, #tpu.memory_space<semaphore_mem>>
      %dma_start3A = tpu.memref_slice %arg10[%mul3A_2] : memref<163840xi32, #tpu.memory_space<hbm>> -> memref<5120xi32, #tpu.memory_space<hbm>>
      %dma_start3A_14 = tpu.memref_slice %arg10[%mul3A_2] : memref<163840xi32, #tpu.memory_space<hbm>> -> memref<5120xi32, #tpu.memory_space<hbm>>
      tpu.enqueue_dma source(%arg22 : memref<5120xi32, #tpu.memory_space<vmem>>) target(%dma_start3A_14 : memref<5120xi32, #tpu.memory_space<hbm>>) target_semaphore(%run_scoped3A : memref<!tpu.dma_semaphore, #tpu.memory_space<semaphore_mem>>)
      %dma_wait3A = tpu.memref_slice %arg10[%mul3A_2] : memref<163840xi32, #tpu.memory_space<hbm>> -> memref<5120xi32, #tpu.memory_space<hbm>>
      %dma_wait3A_15 = tpu.memref_slice %arg10[%mul3A_2] : memref<163840xi32, #tpu.memory_space<hbm>> -> memref<5120xi32, #tpu.memory_space<hbm>>
      tpu.wait_dma2 semaphore(%run_scoped3A : memref<!tpu.dma_semaphore, #tpu.memory_space<semaphore_mem>>) src(%arg22 : memref<5120xi32, #tpu.memory_space<vmem>>) dst(%dma_wait3A_15 : memref<5120xi32, #tpu.memory_space<hbm>>)
      tpu.yield
    }) : () -> ()
    return
  }
}

#map = affine_map<(d0, d1) -> (0, 0)>
#map1 = affine_map<(d0, d1) -> (0)>
#map2 = affine_map<(d0, d1) -> (0, 0, 0)>
module attributes {stable_mosaic.version = 14 : i64} {
  func.func @_gs_body(%arg0: i32, %arg1: i32, %arg2: memref<20000x128xf32, #tpu.memory_space<hbm>>, %arg3: memref<163840x128xf32, #tpu.memory_space<hbm>>, %arg4: memref<163840xi32, #tpu.memory_space<hbm>>, %arg5: memref<2560x64xi32, #tpu.memory_space<hbm>>, %arg6: memref<10240x128xf32, #tpu.memory_space<hbm>>, %arg7: memref<2x10240x128xf32, #tpu.memory_space<hbm>>, %arg8: memref<5120xi32, #tpu.memory_space<vmem>>, %arg9: memref<80x64xi32, #tpu.memory_space<vmem>>, %arg10: memref<64x128xf32, #tpu.memory_space<vmem>>, %arg11: memref<64x128xf32, #tpu.memory_space<vmem>>, %arg12: memref<64x128xf32, #tpu.memory_space<vmem>>, %arg13: memref<64x128xf32, #tpu.memory_space<vmem>>, %arg14: memref<10240x128xf32, #tpu.memory_space<vmem_shared>>, %arg15: memref<!tpu.dma_semaphore, #tpu.memory_space<semaphore_mem>>, %arg16: memref<!tpu.dma_semaphore, #tpu.memory_space<semaphore_mem>>, %arg17: memref<!tpu.dma_semaphore, #tpu.memory_space<semaphore_mem>>, %arg18: memref<!tpu.dma_semaphore, #tpu.memory_space<semaphore_mem>>) attributes {dimension_semantics = [#tpu.dimension_semantics<core_parallel>, #tpu.dimension_semantics<subcore_parallel>], iteration_bounds = array<i64: 2, 16>, scalar_prefetch = 0 : i64, scratch_operands = 11 : i64, tpu.core_type = #tpu.core_type<sc_vector_subcore>, window_params = [{transform_indices = #map}, {transform_indices = #map}, {transform_indices = #map1}, {transform_indices = #map}, {transform_indices = #map}, {transform_indices = #map2}]} {
    %mul3A = arith.constant 2 : i32
    %mul3A_0 = arith.muli %arg1, %mul3A : i32
    %add3A = arith.addi %mul3A_0, %arg0 : i32
    %mul3A_1 = arith.constant 80 : i32
    %mul3A_2 = arith.muli %add3A, %mul3A_1 : i32
    %mul3A_3 = arith.constant 640 : i32
    %mul3A_4 = arith.muli %arg1, %mul3A_3 : i32
    "tpu.region"() ({
      %run_scoped3A = tpu.sem_alloc : memref<!tpu.dma_semaphore, #tpu.memory_space<semaphore_mem>>
      %dma_start3A_25 = arith.constant 0 : i32
      %dma_start3A_26 = tpu.memref_slice %arg14[%mul3A_4, %dma_start3A_25] : memref<10240x128xf32, #tpu.memory_space<vmem_shared>> -> memref<640x128xf32, #tpu.memory_space<vmem_shared>>
      %dma_start3A_27 = arith.constant 0 : i32
      %dma_start3A_28 = tpu.memref_slice %arg6[%mul3A_4, %dma_start3A_27] : memref<10240x128xf32, #tpu.memory_space<hbm>> -> memref<640x128xf32, #tpu.memory_space<hbm>>
      tpu.enqueue_dma source(%dma_start3A_28 : memref<640x128xf32, #tpu.memory_space<hbm>>) target(%dma_start3A_26 : memref<640x128xf32, #tpu.memory_space<vmem_shared>>) target_semaphore(%run_scoped3A : memref<!tpu.dma_semaphore, #tpu.memory_space<semaphore_mem>>)
      %dma_wait3A = arith.constant 0 : i32
      %dma_wait3A_29 = tpu.memref_slice %arg14[%mul3A_4, %dma_wait3A] : memref<10240x128xf32, #tpu.memory_space<vmem_shared>> -> memref<640x128xf32, #tpu.memory_space<vmem_shared>>
      %dma_wait3A_30 = arith.constant 0 : i32
      %dma_wait3A_31 = tpu.memref_slice %arg6[%mul3A_4, %dma_wait3A_30] : memref<10240x128xf32, #tpu.memory_space<hbm>> -> memref<640x128xf32, #tpu.memory_space<hbm>>
      tpu.wait_dma2 semaphore(%run_scoped3A : memref<!tpu.dma_semaphore, #tpu.memory_space<semaphore_mem>>) src(%dma_wait3A_31 : memref<640x128xf32, #tpu.memory_space<hbm>>) dst(%dma_wait3A_29 : memref<640x128xf32, #tpu.memory_space<vmem_shared>>)
      tpu.yield
    }) : () -> ()
    %mul3A_5 = arith.constant 5120 : i32
    %mul3A_6 = arith.muli %add3A, %mul3A_5 : i32
    "tpu.region"() ({
      %run_scoped3A = tpu.sem_alloc : memref<!tpu.dma_semaphore, #tpu.memory_space<semaphore_mem>>
      %dma_start3A_25 = tpu.memref_slice %arg4[%mul3A_6] : memref<163840xi32, #tpu.memory_space<hbm>> -> memref<5120xi32, #tpu.memory_space<hbm>>
      %dma_start3A_26 = tpu.memref_slice %arg4[%mul3A_6] : memref<163840xi32, #tpu.memory_space<hbm>> -> memref<5120xi32, #tpu.memory_space<hbm>>
      tpu.enqueue_dma source(%dma_start3A_26 : memref<5120xi32, #tpu.memory_space<hbm>>) target(%arg8 : memref<5120xi32, #tpu.memory_space<vmem>>) target_semaphore(%run_scoped3A : memref<!tpu.dma_semaphore, #tpu.memory_space<semaphore_mem>>)
      %dma_wait3A = tpu.memref_slice %arg4[%mul3A_6] : memref<163840xi32, #tpu.memory_space<hbm>> -> memref<5120xi32, #tpu.memory_space<hbm>>
      %dma_wait3A_27 = tpu.memref_slice %arg4[%mul3A_6] : memref<163840xi32, #tpu.memory_space<hbm>> -> memref<5120xi32, #tpu.memory_space<hbm>>
      tpu.wait_dma2 semaphore(%run_scoped3A : memref<!tpu.dma_semaphore, #tpu.memory_space<semaphore_mem>>) src(%dma_wait3A_27 : memref<5120xi32, #tpu.memory_space<hbm>>) dst(%arg8 : memref<5120xi32, #tpu.memory_space<vmem>>)
      tpu.yield
    }) : () -> ()
    "tpu.region"() ({
      %run_scoped3A = tpu.sem_alloc : memref<!tpu.dma_semaphore, #tpu.memory_space<semaphore_mem>>
      %dma_start3A_25 = arith.constant 0 : i32
      %dma_start3A_26 = tpu.memref_slice %arg5[%mul3A_2, %dma_start3A_25] : memref<2560x64xi32, #tpu.memory_space<hbm>> -> memref<80x64xi32, #tpu.memory_space<hbm>>
      %dma_start3A_27 = arith.constant 0 : i32
      %dma_start3A_28 = tpu.memref_slice %arg5[%mul3A_2, %dma_start3A_27] : memref<2560x64xi32, #tpu.memory_space<hbm>> -> memref<80x64xi32, #tpu.memory_space<hbm>>
      tpu.enqueue_dma source(%dma_start3A_28 : memref<80x64xi32, #tpu.memory_space<hbm>>) target(%arg9 : memref<80x64xi32, #tpu.memory_space<vmem>>) target_semaphore(%run_scoped3A : memref<!tpu.dma_semaphore, #tpu.memory_space<semaphore_mem>>)
      %dma_wait3A = arith.constant 0 : i32
      %dma_wait3A_29 = tpu.memref_slice %arg5[%mul3A_2, %dma_wait3A] : memref<2560x64xi32, #tpu.memory_space<hbm>> -> memref<80x64xi32, #tpu.memory_space<hbm>>
      %dma_wait3A_30 = arith.constant 0 : i32
      %dma_wait3A_31 = tpu.memref_slice %arg5[%mul3A_2, %dma_wait3A_30] : memref<2560x64xi32, #tpu.memory_space<hbm>> -> memref<80x64xi32, #tpu.memory_space<hbm>>
      tpu.wait_dma2 semaphore(%run_scoped3A : memref<!tpu.dma_semaphore, #tpu.memory_space<semaphore_mem>>) src(%dma_wait3A_31 : memref<80x64xi32, #tpu.memory_space<hbm>>) dst(%arg9 : memref<80x64xi32, #tpu.memory_space<vmem>>)
      tpu.yield
    }) : () -> ()
    %barrier3A = arith.constant 0 : index
    tpu.barrier barrier_id(%barrier3A)
    %dma_start3A = arith.constant 0 : i32
    %dma_start3A_7 = tpu.memref_slice %arg8[%dma_start3A] : memref<5120xi32, #tpu.memory_space<vmem>> -> memref<64xi32, #tpu.memory_space<vmem>>
    %dma_start3A_8 = arith.constant 0 : i32
    %dma_start3A_9 = arith.constant 0 : i32
    %dma_start3A_10 = tpu.memref_slice %arg2[%dma_start3A_8, %dma_start3A_9] : memref<20000x128xf32, #tpu.memory_space<hbm>> -> memref<20000x128xf32, #tpu.memory_space<hbm>>
    tpu.enqueue_indirect_dma source(%dma_start3A_10 : memref<20000x128xf32, #tpu.memory_space<hbm>>) target(%arg10 : memref<64x128xf32, #tpu.memory_space<vmem>>) offsets(%dma_start3A_7 : memref<64xi32, #tpu.memory_space<vmem>>) semaphore(%arg15 : memref<!tpu.dma_semaphore, #tpu.memory_space<semaphore_mem>>)
    %add3A_11 = arith.constant 0 : i32
    %add3A_12 = arith.addi %mul3A_2, %add3A_11 : i32
    %mul3A_13 = arith.constant 64 : i32
    %mul3A_14 = arith.muli %add3A_12, %mul3A_13 : i32
    %dma_start3A_15 = arith.constant 0 : i32
    %dma_start3A_16 = tpu.memref_slice %arg3[%mul3A_14, %dma_start3A_15] : memref<163840x128xf32, #tpu.memory_space<hbm>> -> memref<64x128xf32, #tpu.memory_space<hbm>>
    %dma_start3A_17 = arith.constant 0 : i32
    %dma_start3A_18 = tpu.memref_slice %arg3[%mul3A_14, %dma_start3A_17] : memref<163840x128xf32, #tpu.memory_space<hbm>> -> memref<64x128xf32, #tpu.memory_space<hbm>>
    tpu.enqueue_dma source(%dma_start3A_18 : memref<64x128xf32, #tpu.memory_space<hbm>>) target(%arg12 : memref<64x128xf32, #tpu.memory_space<vmem>>) target_semaphore(%arg17 : memref<!tpu.dma_semaphore, #tpu.memory_space<semaphore_mem>>)
    %scan3A = arith.constant 0 : i32
    %scan3A_19 = arith.constant 0 : i32
    %scan3A_20 = arith.constant 40 : i32
    %scan3A_21 = arith.addi %scan3A_19, %scan3A_20 : i32
    %scan3A_22 = arith.constant 1 : i32
    scf.for %scan3A_25 = %scan3A_19 to %scan3A_21 step %scan3A_22  : i32 {
      %mul3A_26 = arith.constant 2 : i32
      %mul3A_27 = arith.muli %mul3A_26, %scan3A_25 : i32
      %add3A_28 = arith.constant 1 : i32
      %add3A_29 = arith.addi %mul3A_27, %add3A_28 : i32
      %mul3A_30 = arith.constant 64 : i32
      %mul3A_31 = arith.muli %add3A_29, %mul3A_30 : i32
      %dma_start3A_32 = tpu.memref_slice %arg8[%mul3A_31] : memref<5120xi32, #tpu.memory_space<vmem>> -> memref<64xi32, #tpu.memory_space<vmem>>
      %dma_start3A_33 = arith.constant 0 : i32
      %dma_start3A_34 = arith.constant 0 : i32
      %dma_start3A_35 = tpu.memref_slice %arg2[%dma_start3A_33, %dma_start3A_34] : memref<20000x128xf32, #tpu.memory_space<hbm>> -> memref<20000x128xf32, #tpu.memory_space<hbm>>
      tpu.enqueue_indirect_dma source(%dma_start3A_35 : memref<20000x128xf32, #tpu.memory_space<hbm>>) target(%arg11 : memref<64x128xf32, #tpu.memory_space<vmem>>) offsets(%dma_start3A_32 : memref<64xi32, #tpu.memory_space<vmem>>) semaphore(%arg16 : memref<!tpu.dma_semaphore, #tpu.memory_space<semaphore_mem>>)
      %add3A_36 = arith.addi %mul3A_2, %add3A_29 : i32
      %mul3A_37 = arith.constant 64 : i32
      %mul3A_38 = arith.muli %add3A_36, %mul3A_37 : i32
      %dma_start3A_39 = arith.constant 0 : i32
      %dma_start3A_40 = tpu.memref_slice %arg3[%mul3A_38, %dma_start3A_39] : memref<163840x128xf32, #tpu.memory_space<hbm>> -> memref<64x128xf32, #tpu.memory_space<hbm>>
      %dma_start3A_41 = arith.constant 0 : i32
      %dma_start3A_42 = tpu.memref_slice %arg3[%mul3A_38, %dma_start3A_41] : memref<163840x128xf32, #tpu.memory_space<hbm>> -> memref<64x128xf32, #tpu.memory_space<hbm>>
      tpu.enqueue_dma source(%dma_start3A_42 : memref<64x128xf32, #tpu.memory_space<hbm>>) target(%arg13 : memref<64x128xf32, #tpu.memory_space<vmem>>) target_semaphore(%arg18 : memref<!tpu.dma_semaphore, #tpu.memory_space<semaphore_mem>>)
      %dma_wait3A = arith.constant 0 : i32
      %dma_wait3A_43 = tpu.memref_slice %arg8[%dma_wait3A] : memref<5120xi32, #tpu.memory_space<vmem>> -> memref<64xi32, #tpu.memory_space<vmem>>
      %dma_wait3A_44 = arith.constant 0 : i32
      %dma_wait3A_45 = arith.constant 0 : i32
      %dma_wait3A_46 = tpu.memref_slice %arg2[%dma_wait3A_44, %dma_wait3A_45] : memref<20000x128xf32, #tpu.memory_space<hbm>> -> memref<20000x128xf32, #tpu.memory_space<hbm>>
      tpu.wait_indirect_dma semaphore(%arg15 : memref<!tpu.dma_semaphore, #tpu.memory_space<semaphore_mem>>) src(%dma_wait3A_46 : memref<20000x128xf32, #tpu.memory_space<hbm>>) dst(%arg10 : memref<64x128xf32, #tpu.memory_space<vmem>>)
      %mul3A_47 = arith.constant 64 : i32
      %mul3A_48 = arith.muli %mul3A_2, %mul3A_47 : i32
      %dma_wait3A_49 = arith.constant 0 : i32
      %dma_wait3A_50 = tpu.memref_slice %arg3[%mul3A_48, %dma_wait3A_49] : memref<163840x128xf32, #tpu.memory_space<hbm>> -> memref<64x128xf32, #tpu.memory_space<hbm>>
      %dma_wait3A_51 = arith.constant 0 : i32
      %dma_wait3A_52 = tpu.memref_slice %arg3[%mul3A_48, %dma_wait3A_51] : memref<163840x128xf32, #tpu.memory_space<hbm>> -> memref<64x128xf32, #tpu.memory_space<hbm>>
      tpu.wait_dma2 semaphore(%arg17 : memref<!tpu.dma_semaphore, #tpu.memory_space<semaphore_mem>>) src(%dma_wait3A_52 : memref<64x128xf32, #tpu.memory_space<hbm>>) dst(%arg12 : memref<64x128xf32, #tpu.memory_space<vmem>>)
      %scan3A_53 = arith.constant 0 : i32
      %scan3A_54 = arith.constant 0 : i32
      %scan3A_55 = arith.constant 64 : i32
      %scan3A_56 = arith.addi %scan3A_54, %scan3A_55 : i32
      %scan3A_57 = arith.constant 1 : i32
      scf.for %scan3A_84 = %scan3A_54 to %scan3A_56 step %scan3A_57  : i32 {
        %get3A = arith.index_cast %scan3A_84 : i32 to index
        %get3A_85 = arith.constant 0 : index
        %get3A_86 = tpu.vector_load %arg10[%get3A, %get3A_85] {strides = array<i32>} : memref<64x128xf32, #tpu.memory_space<vmem>>, vector<1x16xf32>,
        %get3A_87 = vector.shape_cast %get3A_86 : vector<1x16xf32> to vector<16xf32>
        %get3A_88 = arith.index_cast %scan3A_84 : i32 to index
        %get3A_89 = arith.constant 0 : index
        %get3A_90 = tpu.vector_load %arg12[%get3A_88, %get3A_89] {strides = array<i32>} : memref<64x128xf32, #tpu.memory_space<vmem>>, vector<1x16xf32>,
        %get3A_91 = vector.shape_cast %get3A_90 : vector<1x16xf32> to vector<16xf32>
        %mul3A_92 = arith.mulf %get3A_87, %get3A_91 : vector<16xf32>
        %swap3A = arith.index_cast %scan3A_84 : i32 to index
        %swap3A_93 = arith.constant 0 : index
        %swap3A_94 = tpu.vector_load %arg10[%swap3A, %swap3A_93] {strides = array<i32>} : memref<64x128xf32, #tpu.memory_space<vmem>>, vector<1x16xf32>,
        %swap3A_95 = vector.shape_cast %swap3A_94 : vector<1x16xf32> to vector<16xf32>
        %swap3A_96 = vector.shape_cast %mul3A_92 : vector<16xf32> to vector<1x16xf32>
        tpu.vector_store %arg10[%swap3A, %swap3A_93], %swap3A_96 {strides = array<i32>} : memref<64x128xf32, #tpu.memory_space<vmem>>, vector<1x16xf32>,
        %get3A_97 = arith.index_cast %scan3A_84 : i32 to index
        %get3A_98 = arith.constant 16 : index
        %get3A_99 = tpu.vector_load %arg10[%get3A_97, %get3A_98] {strides = array<i32>} : memref<64x128xf32, #tpu.memory_space<vmem>>, vector<1x16xf32>,
        %get3A_100 = vector.shape_cast %get3A_99 : vector<1x16xf32> to vector<16xf32>
        %get3A_101 = arith.index_cast %scan3A_84 : i32 to index
        %get3A_102 = arith.constant 16 : index
        %get3A_103 = tpu.vector_load %arg12[%get3A_101, %get3A_102] {strides = array<i32>} : memref<64x128xf32, #tpu.memory_space<vmem>>, vector<1x16xf32>,
        %get3A_104 = vector.shape_cast %get3A_103 : vector<1x16xf32> to vector<16xf32>
        %mul3A_105 = arith.mulf %get3A_100, %get3A_104 : vector<16xf32>
        %swap3A_106 = arith.index_cast %scan3A_84 : i32 to index
        %swap3A_107 = arith.constant 16 : index
        %swap3A_108 = tpu.vector_load %arg10[%swap3A_106, %swap3A_107] {strides = array<i32>} : memref<64x128xf32, #tpu.memory_space<vmem>>, vector<1x16xf32>,
        %swap3A_109 = vector.shape_cast %swap3A_108 : vector<1x16xf32> to vector<16xf32>
        %swap3A_110 = vector.shape_cast %mul3A_105 : vector<16xf32> to vector<1x16xf32>
        tpu.vector_store %arg10[%swap3A_106, %swap3A_107], %swap3A_110 {strides = array<i32>} : memref<64x128xf32, #tpu.memory_space<vmem>>, vector<1x16xf32>,
        %get3A_111 = arith.index_cast %scan3A_84 : i32 to index
        %get3A_112 = arith.constant 32 : index
        %get3A_113 = tpu.vector_load %arg10[%get3A_111, %get3A_112] {strides = array<i32>} : memref<64x128xf32, #tpu.memory_space<vmem>>, vector<1x16xf32>,
        %get3A_114 = vector.shape_cast %get3A_113 : vector<1x16xf32> to vector<16xf32>
        %get3A_115 = arith.index_cast %scan3A_84 : i32 to index
        %get3A_116 = arith.constant 32 : index
        %get3A_117 = tpu.vector_load %arg12[%get3A_115, %get3A_116] {strides = array<i32>} : memref<64x128xf32, #tpu.memory_space<vmem>>, vector<1x16xf32>,
        %get3A_118 = vector.shape_cast %get3A_117 : vector<1x16xf32> to vector<16xf32>
        %mul3A_119 = arith.mulf %get3A_114, %get3A_118 : vector<16xf32>
        %swap3A_120 = arith.index_cast %scan3A_84 : i32 to index
        %swap3A_121 = arith.constant 32 : index
        %swap3A_122 = tpu.vector_load %arg10[%swap3A_120, %swap3A_121] {strides = array<i32>} : memref<64x128xf32, #tpu.memory_space<vmem>>, vector<1x16xf32>,
        %swap3A_123 = vector.shape_cast %swap3A_122 : vector<1x16xf32> to vector<16xf32>
        %swap3A_124 = vector.shape_cast %mul3A_119 : vector<16xf32> to vector<1x16xf32>
        tpu.vector_store %arg10[%swap3A_120, %swap3A_121], %swap3A_124 {strides = array<i32>} : memref<64x128xf32, #tpu.memory_space<vmem>>, vector<1x16xf32>,
        %get3A_125 = arith.index_cast %scan3A_84 : i32 to index
        %get3A_126 = arith.constant 48 : index
        %get3A_127 = tpu.vector_load %arg10[%get3A_125, %get3A_126] {strides = array<i32>} : memref<64x128xf32, #tpu.memory_space<vmem>>, vector<1x16xf32>,
        %get3A_128 = vector.shape_cast %get3A_127 : vector<1x16xf32> to vector<16xf32>
        %get3A_129 = arith.index_cast %scan3A_84 : i32 to index
        %get3A_130 = arith.constant 48 : index
        %get3A_131 = tpu.vector_load %arg12[%get3A_129, %get3A_130] {strides = array<i32>} : memref<64x128xf32, #tpu.memory_space<vmem>>, vector<1x16xf32>,
        %get3A_132 = vector.shape_cast %get3A_131 : vector<1x16xf32> to vector<16xf32>
        %mul3A_133 = arith.mulf %get3A_128, %get3A_132 : vector<16xf32>
        %swap3A_134 = arith.index_cast %scan3A_84 : i32 to index
        %swap3A_135 = arith.constant 48 : index
        %swap3A_136 = tpu.vector_load %arg10[%swap3A_134, %swap3A_135] {strides = array<i32>} : memref<64x128xf32, #tpu.memory_space<vmem>>, vector<1x16xf32>,
        %swap3A_137 = vector.shape_cast %swap3A_136 : vector<1x16xf32> to vector<16xf32>
        %swap3A_138 = vector.shape_cast %mul3A_133 : vector<16xf32> to vector<1x16xf32>
        tpu.vector_store %arg10[%swap3A_134, %swap3A_135], %swap3A_138 {strides = array<i32>} : memref<64x128xf32, #tpu.memory_space<vmem>>, vector<1x16xf32>,
        %get3A_139 = arith.index_cast %scan3A_84 : i32 to index
        %get3A_140 = arith.constant 64 : index
        %get3A_141 = tpu.vector_load %arg10[%get3A_139, %get3A_140] {strides = array<i32>} : memref<64x128xf32, #tpu.memory_space<vmem>>, vector<1x16xf32>,
        %get3A_142 = vector.shape_cast %get3A_141 : vector<1x16xf32> to vector<16xf32>
        %get3A_143 = arith.index_cast %scan3A_84 : i32 to index
        %get3A_144 = arith.constant 64 : index
        %get3A_145 = tpu.vector_load %arg12[%get3A_143, %get3A_144] {strides = array<i32>} : memref<64x128xf32, #tpu.memory_space<vmem>>, vector<1x16xf32>,
        %get3A_146 = vector.shape_cast %get3A_145 : vector<1x16xf32> to vector<16xf32>
        %mul3A_147 = arith.mulf %get3A_142, %get3A_146 : vector<16xf32>
        %swap3A_148 = arith.index_cast %scan3A_84 : i32 to index
        %swap3A_149 = arith.constant 64 : index
        %swap3A_150 = tpu.vector_load %arg10[%swap3A_148, %swap3A_149] {strides = array<i32>} : memref<64x128xf32, #tpu.memory_space<vmem>>, vector<1x16xf32>,
        %swap3A_151 = vector.shape_cast %swap3A_150 : vector<1x16xf32> to vector<16xf32>
        %swap3A_152 = vector.shape_cast %mul3A_147 : vector<16xf32> to vector<1x16xf32>
        tpu.vector_store %arg10[%swap3A_148, %swap3A_149], %swap3A_152 {strides = array<i32>} : memref<64x128xf32, #tpu.memory_space<vmem>>, vector<1x16xf32>,
        %get3A_153 = arith.index_cast %scan3A_84 : i32 to index
        %get3A_154 = arith.constant 80 : index
        %get3A_155 = tpu.vector_load %arg10[%get3A_153, %get3A_154] {strides = array<i32>} : memref<64x128xf32, #tpu.memory_space<vmem>>, vector<1x16xf32>,
        %get3A_156 = vector.shape_cast %get3A_155 : vector<1x16xf32> to vector<16xf32>
        %get3A_157 = arith.index_cast %scan3A_84 : i32 to index
        %get3A_158 = arith.constant 80 : index
        %get3A_159 = tpu.vector_load %arg12[%get3A_157, %get3A_158] {strides = array<i32>} : memref<64x128xf32, #tpu.memory_space<vmem>>, vector<1x16xf32>,
        %get3A_160 = vector.shape_cast %get3A_159 : vector<1x16xf32> to vector<16xf32>
        %mul3A_161 = arith.mulf %get3A_156, %get3A_160 : vector<16xf32>
        %swap3A_162 = arith.index_cast %scan3A_84 : i32 to index
        %swap3A_163 = arith.constant 80 : index
        %swap3A_164 = tpu.vector_load %arg10[%swap3A_162, %swap3A_163] {strides = array<i32>} : memref<64x128xf32, #tpu.memory_space<vmem>>, vector<1x16xf32>,
        %swap3A_165 = vector.shape_cast %swap3A_164 : vector<1x16xf32> to vector<16xf32>
        %swap3A_166 = vector.shape_cast %mul3A_161 : vector<16xf32> to vector<1x16xf32>
        tpu.vector_store %arg10[%swap3A_162, %swap3A_163], %swap3A_166 {strides = array<i32>} : memref<64x128xf32, #tpu.memory_space<vmem>>, vector<1x16xf32>,
        %get3A_167 = arith.index_cast %scan3A_84 : i32 to index
        %get3A_168 = arith.constant 96 : index
        %get3A_169 = tpu.vector_load %arg10[%get3A_167, %get3A_168] {strides = array<i32>} : memref<64x128xf32, #tpu.memory_space<vmem>>, vector<1x16xf32>,
        %get3A_170 = vector.shape_cast %get3A_169 : vector<1x16xf32> to vector<16xf32>
        %get3A_171 = arith.index_cast %scan3A_84 : i32 to index
        %get3A_172 = arith.constant 96 : index
        %get3A_173 = tpu.vector_load %arg12[%get3A_171, %get3A_172] {strides = array<i32>} : memref<64x128xf32, #tpu.memory_space<vmem>>, vector<1x16xf32>,
        %get3A_174 = vector.shape_cast %get3A_173 : vector<1x16xf32> to vector<16xf32>
        %mul3A_175 = arith.mulf %get3A_170, %get3A_174 : vector<16xf32>
        %swap3A_176 = arith.index_cast %scan3A_84 : i32 to index
        %swap3A_177 = arith.constant 96 : index
        %swap3A_178 = tpu.vector_load %arg10[%swap3A_176, %swap3A_177] {strides = array<i32>} : memref<64x128xf32, #tpu.memory_space<vmem>>, vector<1x16xf32>,
        %swap3A_179 = vector.shape_cast %swap3A_178 : vector<1x16xf32> to vector<16xf32>
        %swap3A_180 = vector.shape_cast %mul3A_175 : vector<16xf32> to vector<1x16xf32>
        tpu.vector_store %arg10[%swap3A_176, %swap3A_177], %swap3A_180 {strides = array<i32>} : memref<64x128xf32, #tpu.memory_space<vmem>>, vector<1x16xf32>,
        %get3A_181 = arith.index_cast %scan3A_84 : i32 to index
        %get3A_182 = arith.constant 112 : index
        %get3A_183 = tpu.vector_load %arg10[%get3A_181, %get3A_182] {strides = array<i32>} : memref<64x128xf32, #tpu.memory_space<vmem>>, vector<1x16xf32>,
        %get3A_184 = vector.shape_cast %get3A_183 : vector<1x16xf32> to vector<16xf32>
        %get3A_185 = arith.index_cast %scan3A_84 : i32 to index
        %get3A_186 = arith.constant 112 : index
        %get3A_187 = tpu.vector_load %arg12[%get3A_185, %get3A_186] {strides = array<i32>} : memref<64x128xf32, #tpu.memory_space<vmem>>, vector<1x16xf32>,
        %get3A_188 = vector.shape_cast %get3A_187 : vector<1x16xf32> to vector<16xf32>
        %mul3A_189 = arith.mulf %get3A_184, %get3A_188 : vector<16xf32>
        %swap3A_190 = arith.index_cast %scan3A_84 : i32 to index
        %swap3A_191 = arith.constant 112 : index
        %swap3A_192 = tpu.vector_load %arg10[%swap3A_190, %swap3A_191] {strides = array<i32>} : memref<64x128xf32, #tpu.memory_space<vmem>>, vector<1x16xf32>,
        %swap3A_193 = vector.shape_cast %swap3A_192 : vector<1x16xf32> to vector<16xf32>
        %swap3A_194 = vector.shape_cast %mul3A_189 : vector<16xf32> to vector<1x16xf32>
        tpu.vector_store %arg10[%swap3A_190, %swap3A_191], %swap3A_194 {strides = array<i32>} : memref<64x128xf32, #tpu.memory_space<vmem>>, vector<1x16xf32>,
      }
      %scan3A_58 = arith.constant 64 : i32
      "tpu.region"() ({
        %run_scoped3A = tpu.sem_alloc : memref<!tpu.dma_semaphore, #tpu.memory_space<semaphore_mem>>
        %dma_start3A_84 = arith.constant 0 : i32
        %dma_start3A_85 = tpu.memref_slice %arg9[%mul3A_27, %dma_start3A_84] : memref<80x64xi32, #tpu.memory_space<vmem>> -> memref<1x64xi32, #tpu.memory_space<vmem>>
        %dma_start3A_86 = tpu.memref_squeeze %dma_start3A_85 : memref<1x64xi32, #tpu.memory_space<vmem>> -> memref<64xi32, #tpu.memory_space<vmem>>
        %dma_start3A_87 = arith.constant 0 : i32
        %dma_start3A_88 = arith.constant 0 : i32
        %dma_start3A_89 = tpu.memref_slice %arg14[%dma_start3A_87, %dma_start3A_88] : memref<10240x128xf32, #tpu.memory_space<vmem_shared>> -> memref<10240x128xf32, #tpu.memory_space<vmem_shared>>
        tpu.enqueue_indirect_dma source(%arg10 : memref<64x128xf32, #tpu.memory_space<vmem>>) target(%dma_start3A_89 : memref<10240x128xf32, #tpu.memory_space<vmem_shared>>) offsets(%dma_start3A_86 : memref<64xi32, #tpu.memory_space<vmem>>) semaphore(%run_scoped3A : memref<!tpu.dma_semaphore, #tpu.memory_space<semaphore_mem>>) {add = true}
        %dma_wait3A_90 = arith.constant 0 : i32
        %dma_wait3A_91 = tpu.memref_slice %arg9[%mul3A_27, %dma_wait3A_90] : memref<80x64xi32, #tpu.memory_space<vmem>> -> memref<1x64xi32, #tpu.memory_space<vmem>>
        %dma_wait3A_92 = tpu.memref_squeeze %dma_wait3A_91 : memref<1x64xi32, #tpu.memory_space<vmem>> -> memref<64xi32, #tpu.memory_space<vmem>>
        %dma_wait3A_93 = arith.constant 0 : i32
        %dma_wait3A_94 = arith.constant 0 : i32
        %dma_wait3A_95 = tpu.memref_slice %arg14[%dma_wait3A_93, %dma_wait3A_94] : memref<10240x128xf32, #tpu.memory_space<vmem_shared>> -> memref<10240x128xf32, #tpu.memory_space<vmem_shared>>
        tpu.wait_indirect_dma semaphore(%run_scoped3A : memref<!tpu.dma_semaphore, #tpu.memory_space<semaphore_mem>>) src(%arg10 : memref<64x128xf32, #tpu.memory_space<vmem>>) dst(%dma_wait3A_95 : memref<10240x128xf32, #tpu.memory_space<vmem_shared>>)
        tpu.yield
      }) : () -> ()
      %add3A_59 = arith.constant 2 : i32
      %add3A_60 = arith.addi %mul3A_27, %add3A_59 : i32
      %lt3A = arith.constant 80 : i32
      %lt3A_61 = arith.cmpi slt, %add3A_60, %lt3A : i32
      %convert_element_type3A = arith.extui %lt3A_61 : i1 to i32
      %cond3A = arith.constant 0 : i32
      %cond3A_62 = arith.cmpi ne, %convert_element_type3A, %cond3A : i32
      scf.if %cond3A_62 {
        %add3A_84 = arith.constant 2 : i32
        %add3A_85 = arith.addi %mul3A_27, %add3A_84 : i32
        %mul3A_86 = arith.constant 64 : i32
        %mul3A_87 = arith.muli %add3A_85, %mul3A_86 : i32
        %dma_start3A_88 = tpu.memref_slice %arg8[%mul3A_87] : memref<5120xi32, #tpu.memory_space<vmem>> -> memref<64xi32, #tpu.memory_space<vmem>>
        %dma_start3A_89 = arith.constant 0 : i32
        %dma_start3A_90 = arith.constant 0 : i32
        %dma_start3A_91 = tpu.memref_slice %arg2[%dma_start3A_89, %dma_start3A_90] : memref<20000x128xf32, #tpu.memory_space<hbm>> -> memref<20000x128xf32, #tpu.memory_space<hbm>>
        tpu.enqueue_indirect_dma source(%dma_start3A_91 : memref<20000x128xf32, #tpu.memory_space<hbm>>) target(%arg10 : memref<64x128xf32, #tpu.memory_space<vmem>>) offsets(%dma_start3A_88 : memref<64xi32, #tpu.memory_space<vmem>>) semaphore(%arg15 : memref<!tpu.dma_semaphore, #tpu.memory_space<semaphore_mem>>)
        %add3A_92 = arith.addi %mul3A_2, %add3A_85 : i32
        %mul3A_93 = arith.constant 64 : i32
        %mul3A_94 = arith.muli %add3A_92, %mul3A_93 : i32
        %dma_start3A_95 = arith.constant 0 : i32
        %dma_start3A_96 = tpu.memref_slice %arg3[%mul3A_94, %dma_start3A_95] : memref<163840x128xf32, #tpu.memory_space<hbm>> -> memref<64x128xf32, #tpu.memory_space<hbm>>
        %dma_start3A_97 = arith.constant 0 : i32
        %dma_start3A_98 = tpu.memref_slice %arg3[%mul3A_94, %dma_start3A_97] : memref<163840x128xf32, #tpu.memory_space<hbm>> -> memref<64x128xf32, #tpu.memory_space<hbm>>
        tpu.enqueue_dma source(%dma_start3A_98 : memref<64x128xf32, #tpu.memory_space<hbm>>) target(%arg12 : memref<64x128xf32, #tpu.memory_space<vmem>>) target_semaphore(%arg17 : memref<!tpu.dma_semaphore, #tpu.memory_space<semaphore_mem>>)
      } else {
      }
      %add3A_63 = arith.constant 1 : i32
      %add3A_64 = arith.addi %mul3A_27, %add3A_63 : i32
      %dma_wait3A_65 = arith.constant 0 : i32
      %dma_wait3A_66 = tpu.memref_slice %arg8[%dma_wait3A_65] : memref<5120xi32, #tpu.memory_space<vmem>> -> memref<64xi32, #tpu.memory_space<vmem>>
      %dma_wait3A_67 = arith.constant 0 : i32
      %dma_wait3A_68 = arith.constant 0 : i32
      %dma_wait3A_69 = tpu.memref_slice %arg2[%dma_wait3A_67, %dma_wait3A_68] : memref<20000x128xf32, #tpu.memory_space<hbm>> -> memref<20000x128xf32, #tpu.memory_space<hbm>>
      tpu.wait_indirect_dma semaphore(%arg16 : memref<!tpu.dma_semaphore, #tpu.memory_space<semaphore_mem>>) src(%dma_wait3A_69 : memref<20000x128xf32, #tpu.memory_space<hbm>>) dst(%arg11 : memref<64x128xf32, #tpu.memory_space<vmem>>)
      %mul3A_70 = arith.constant 64 : i32
      %mul3A_71 = arith.muli %mul3A_2, %mul3A_70 : i32
      %dma_wait3A_72 = arith.constant 0 : i32
      %dma_wait3A_73 = tpu.memref_slice %arg3[%mul3A_71, %dma_wait3A_72] : memref<163840x128xf32, #tpu.memory_space<hbm>> -> memref<64x128xf32, #tpu.memory_space<hbm>>
      %dma_wait3A_74 = arith.constant 0 : i32
      %dma_wait3A_75 = tpu.memref_slice %arg3[%mul3A_71, %dma_wait3A_74] : memref<163840x128xf32, #tpu.memory_space<hbm>> -> memref<64x128xf32, #tpu.memory_space<hbm>>
      tpu.wait_dma2 semaphore(%arg18 : memref<!tpu.dma_semaphore, #tpu.memory_space<semaphore_mem>>) src(%dma_wait3A_75 : memref<64x128xf32, #tpu.memory_space<hbm>>) dst(%arg13 : memref<64x128xf32, #tpu.memory_space<vmem>>)
      %add3A_76 = arith.constant 1 : i32
      %add3A_77 = arith.addi %mul3A_27, %add3A_76 : i32
      %scan3A_78 = arith.constant 0 : i32
      %scan3A_79 = arith.constant 0 : i32
      %scan3A_80 = arith.constant 64 : i32
      %scan3A_81 = arith.addi %scan3A_79, %scan3A_80 : i32
      %scan3A_82 = arith.constant 1 : i32
      scf.for %scan3A_84 = %scan3A_79 to %scan3A_81 step %scan3A_82  : i32 {
        %get3A = arith.index_cast %scan3A_84 : i32 to index
        %get3A_85 = arith.constant 0 : index
        %get3A_86 = tpu.vector_load %arg11[%get3A, %get3A_85] {strides = array<i32>} : memref<64x128xf32, #tpu.memory_space<vmem>>, vector<1x16xf32>,
        %get3A_87 = vector.shape_cast %get3A_86 : vector<1x16xf32> to vector<16xf32>
        %get3A_88 = arith.index_cast %scan3A_84 : i32 to index
        %get3A_89 = arith.constant 0 : index
        %get3A_90 = tpu.vector_load %arg13[%get3A_88, %get3A_89] {strides = array<i32>} : memref<64x128xf32, #tpu.memory_space<vmem>>, vector<1x16xf32>,
        %get3A_91 = vector.shape_cast %get3A_90 : vector<1x16xf32> to vector<16xf32>
        %mul3A_92 = arith.mulf %get3A_87, %get3A_91 : vector<16xf32>
        %swap3A = arith.index_cast %scan3A_84 : i32 to index
        %swap3A_93 = arith.constant 0 : index
        %swap3A_94 = tpu.vector_load %arg11[%swap3A, %swap3A_93] {strides = array<i32>} : memref<64x128xf32, #tpu.memory_space<vmem>>, vector<1x16xf32>,
        %swap3A_95 = vector.shape_cast %swap3A_94 : vector<1x16xf32> to vector<16xf32>
        %swap3A_96 = vector.shape_cast %mul3A_92 : vector<16xf32> to vector<1x16xf32>
        tpu.vector_store %arg11[%swap3A, %swap3A_93], %swap3A_96 {strides = array<i32>} : memref<64x128xf32, #tpu.memory_space<vmem>>, vector<1x16xf32>,
        %get3A_97 = arith.index_cast %scan3A_84 : i32 to index
        %get3A_98 = arith.constant 16 : index
        %get3A_99 = tpu.vector_load %arg11[%get3A_97, %get3A_98] {strides = array<i32>} : memref<64x128xf32, #tpu.memory_space<vmem>>, vector<1x16xf32>,
        %get3A_100 = vector.shape_cast %get3A_99 : vector<1x16xf32> to vector<16xf32>
        %get3A_101 = arith.index_cast %scan3A_84 : i32 to index
        %get3A_102 = arith.constant 16 : index
        %get3A_103 = tpu.vector_load %arg13[%get3A_101, %get3A_102] {strides = array<i32>} : memref<64x128xf32, #tpu.memory_space<vmem>>, vector<1x16xf32>,
        %get3A_104 = vector.shape_cast %get3A_103 : vector<1x16xf32> to vector<16xf32>
        %mul3A_105 = arith.mulf %get3A_100, %get3A_104 : vector<16xf32>
        %swap3A_106 = arith.index_cast %scan3A_84 : i32 to index
        %swap3A_107 = arith.constant 16 : index
        %swap3A_108 = tpu.vector_load %arg11[%swap3A_106, %swap3A_107] {strides = array<i32>} : memref<64x128xf32, #tpu.memory_space<vmem>>, vector<1x16xf32>,
        %swap3A_109 = vector.shape_cast %swap3A_108 : vector<1x16xf32> to vector<16xf32>
        %swap3A_110 = vector.shape_cast %mul3A_105 : vector<16xf32> to vector<1x16xf32>
        tpu.vector_store %arg11[%swap3A_106, %swap3A_107], %swap3A_110 {strides = array<i32>} : memref<64x128xf32, #tpu.memory_space<vmem>>, vector<1x16xf32>,
        %get3A_111 = arith.index_cast %scan3A_84 : i32 to index
        %get3A_112 = arith.constant 32 : index
        %get3A_113 = tpu.vector_load %arg11[%get3A_111, %get3A_112] {strides = array<i32>} : memref<64x128xf32, #tpu.memory_space<vmem>>, vector<1x16xf32>,
        %get3A_114 = vector.shape_cast %get3A_113 : vector<1x16xf32> to vector<16xf32>
        %get3A_115 = arith.index_cast %scan3A_84 : i32 to index
        %get3A_116 = arith.constant 32 : index
        %get3A_117 = tpu.vector_load %arg13[%get3A_115, %get3A_116] {strides = array<i32>} : memref<64x128xf32, #tpu.memory_space<vmem>>, vector<1x16xf32>,
        %get3A_118 = vector.shape_cast %get3A_117 : vector<1x16xf32> to vector<16xf32>
        %mul3A_119 = arith.mulf %get3A_114, %get3A_118 : vector<16xf32>
        %swap3A_120 = arith.index_cast %scan3A_84 : i32 to index
        %swap3A_121 = arith.constant 32 : index
        %swap3A_122 = tpu.vector_load %arg11[%swap3A_120, %swap3A_121] {strides = array<i32>} : memref<64x128xf32, #tpu.memory_space<vmem>>, vector<1x16xf32>,
        %swap3A_123 = vector.shape_cast %swap3A_122 : vector<1x16xf32> to vector<16xf32>
        %swap3A_124 = vector.shape_cast %mul3A_119 : vector<16xf32> to vector<1x16xf32>
        tpu.vector_store %arg11[%swap3A_120, %swap3A_121], %swap3A_124 {strides = array<i32>} : memref<64x128xf32, #tpu.memory_space<vmem>>, vector<1x16xf32>,
        %get3A_125 = arith.index_cast %scan3A_84 : i32 to index
        %get3A_126 = arith.constant 48 : index
        %get3A_127 = tpu.vector_load %arg11[%get3A_125, %get3A_126] {strides = array<i32>} : memref<64x128xf32, #tpu.memory_space<vmem>>, vector<1x16xf32>,
        %get3A_128 = vector.shape_cast %get3A_127 : vector<1x16xf32> to vector<16xf32>
        %get3A_129 = arith.index_cast %scan3A_84 : i32 to index
        %get3A_130 = arith.constant 48 : index
        %get3A_131 = tpu.vector_load %arg13[%get3A_129, %get3A_130] {strides = array<i32>} : memref<64x128xf32, #tpu.memory_space<vmem>>, vector<1x16xf32>,
        %get3A_132 = vector.shape_cast %get3A_131 : vector<1x16xf32> to vector<16xf32>
        %mul3A_133 = arith.mulf %get3A_128, %get3A_132 : vector<16xf32>
        %swap3A_134 = arith.index_cast %scan3A_84 : i32 to index
        %swap3A_135 = arith.constant 48 : index
        %swap3A_136 = tpu.vector_load %arg11[%swap3A_134, %swap3A_135] {strides = array<i32>} : memref<64x128xf32, #tpu.memory_space<vmem>>, vector<1x16xf32>,
        %swap3A_137 = vector.shape_cast %swap3A_136 : vector<1x16xf32> to vector<16xf32>
        %swap3A_138 = vector.shape_cast %mul3A_133 : vector<16xf32> to vector<1x16xf32>
        tpu.vector_store %arg11[%swap3A_134, %swap3A_135], %swap3A_138 {strides = array<i32>} : memref<64x128xf32, #tpu.memory_space<vmem>>, vector<1x16xf32>,
        %get3A_139 = arith.index_cast %scan3A_84 : i32 to index
        %get3A_140 = arith.constant 64 : index
        %get3A_141 = tpu.vector_load %arg11[%get3A_139, %get3A_140] {strides = array<i32>} : memref<64x128xf32, #tpu.memory_space<vmem>>, vector<1x16xf32>,
        %get3A_142 = vector.shape_cast %get3A_141 : vector<1x16xf32> to vector<16xf32>
        %get3A_143 = arith.index_cast %scan3A_84 : i32 to index
        %get3A_144 = arith.constant 64 : index
        %get3A_145 = tpu.vector_load %arg13[%get3A_143, %get3A_144] {strides = array<i32>} : memref<64x128xf32, #tpu.memory_space<vmem>>, vector<1x16xf32>,
        %get3A_146 = vector.shape_cast %get3A_145 : vector<1x16xf32> to vector<16xf32>
        %mul3A_147 = arith.mulf %get3A_142, %get3A_146 : vector<16xf32>
        %swap3A_148 = arith.index_cast %scan3A_84 : i32 to index
        %swap3A_149 = arith.constant 64 : index
        %swap3A_150 = tpu.vector_load %arg11[%swap3A_148, %swap3A_149] {strides = array<i32>} : memref<64x128xf32, #tpu.memory_space<vmem>>, vector<1x16xf32>,
        %swap3A_151 = vector.shape_cast %swap3A_150 : vector<1x16xf32> to vector<16xf32>
        %swap3A_152 = vector.shape_cast %mul3A_147 : vector<16xf32> to vector<1x16xf32>
        tpu.vector_store %arg11[%swap3A_148, %swap3A_149], %swap3A_152 {strides = array<i32>} : memref<64x128xf32, #tpu.memory_space<vmem>>, vector<1x16xf32>,
        %get3A_153 = arith.index_cast %scan3A_84 : i32 to index
        %get3A_154 = arith.constant 80 : index
        %get3A_155 = tpu.vector_load %arg11[%get3A_153, %get3A_154] {strides = array<i32>} : memref<64x128xf32, #tpu.memory_space<vmem>>, vector<1x16xf32>,
        %get3A_156 = vector.shape_cast %get3A_155 : vector<1x16xf32> to vector<16xf32>
        %get3A_157 = arith.index_cast %scan3A_84 : i32 to index
        %get3A_158 = arith.constant 80 : index
        %get3A_159 = tpu.vector_load %arg13[%get3A_157, %get3A_158] {strides = array<i32>} : memref<64x128xf32, #tpu.memory_space<vmem>>, vector<1x16xf32>,
        %get3A_160 = vector.shape_cast %get3A_159 : vector<1x16xf32> to vector<16xf32>
        %mul3A_161 = arith.mulf %get3A_156, %get3A_160 : vector<16xf32>
        %swap3A_162 = arith.index_cast %scan3A_84 : i32 to index
        %swap3A_163 = arith.constant 80 : index
        %swap3A_164 = tpu.vector_load %arg11[%swap3A_162, %swap3A_163] {strides = array<i32>} : memref<64x128xf32, #tpu.memory_space<vmem>>, vector<1x16xf32>,
        %swap3A_165 = vector.shape_cast %swap3A_164 : vector<1x16xf32> to vector<16xf32>
        %swap3A_166 = vector.shape_cast %mul3A_161 : vector<16xf32> to vector<1x16xf32>
        tpu.vector_store %arg11[%swap3A_162, %swap3A_163], %swap3A_166 {strides = array<i32>} : memref<64x128xf32, #tpu.memory_space<vmem>>, vector<1x16xf32>,
        %get3A_167 = arith.index_cast %scan3A_84 : i32 to index
        %get3A_168 = arith.constant 96 : index
        %get3A_169 = tpu.vector_load %arg11[%get3A_167, %get3A_168] {strides = array<i32>} : memref<64x128xf32, #tpu.memory_space<vmem>>, vector<1x16xf32>,
        %get3A_170 = vector.shape_cast %get3A_169 : vector<1x16xf32> to vector<16xf32>
        %get3A_171 = arith.index_cast %scan3A_84 : i32 to index
        %get3A_172 = arith.constant 96 : index
        %get3A_173 = tpu.vector_load %arg13[%get3A_171, %get3A_172] {strides = array<i32>} : memref<64x128xf32, #tpu.memory_space<vmem>>, vector<1x16xf32>,
        %get3A_174 = vector.shape_cast %get3A_173 : vector<1x16xf32> to vector<16xf32>
        %mul3A_175 = arith.mulf %get3A_170, %get3A_174 : vector<16xf32>
        %swap3A_176 = arith.index_cast %scan3A_84 : i32 to index
        %swap3A_177 = arith.constant 96 : index
        %swap3A_178 = tpu.vector_load %arg11[%swap3A_176, %swap3A_177] {strides = array<i32>} : memref<64x128xf32, #tpu.memory_space<vmem>>, vector<1x16xf32>,
        %swap3A_179 = vector.shape_cast %swap3A_178 : vector<1x16xf32> to vector<16xf32>
        %swap3A_180 = vector.shape_cast %mul3A_175 : vector<16xf32> to vector<1x16xf32>
        tpu.vector_store %arg11[%swap3A_176, %swap3A_177], %swap3A_180 {strides = array<i32>} : memref<64x128xf32, #tpu.memory_space<vmem>>, vector<1x16xf32>,
        %get3A_181 = arith.index_cast %scan3A_84 : i32 to index
        %get3A_182 = arith.constant 112 : index
        %get3A_183 = tpu.vector_load %arg11[%get3A_181, %get3A_182] {strides = array<i32>} : memref<64x128xf32, #tpu.memory_space<vmem>>, vector<1x16xf32>,
        %get3A_184 = vector.shape_cast %get3A_183 : vector<1x16xf32> to vector<16xf32>
        %get3A_185 = arith.index_cast %scan3A_84 : i32 to index
        %get3A_186 = arith.constant 112 : index
        %get3A_187 = tpu.vector_load %arg13[%get3A_185, %get3A_186] {strides = array<i32>} : memref<64x128xf32, #tpu.memory_space<vmem>>, vector<1x16xf32>,
        %get3A_188 = vector.shape_cast %get3A_187 : vector<1x16xf32> to vector<16xf32>
        %mul3A_189 = arith.mulf %get3A_184, %get3A_188 : vector<16xf32>
        %swap3A_190 = arith.index_cast %scan3A_84 : i32 to index
        %swap3A_191 = arith.constant 112 : index
        %swap3A_192 = tpu.vector_load %arg11[%swap3A_190, %swap3A_191] {strides = array<i32>} : memref<64x128xf32, #tpu.memory_space<vmem>>, vector<1x16xf32>,
        %swap3A_193 = vector.shape_cast %swap3A_192 : vector<1x16xf32> to vector<16xf32>
        %swap3A_194 = vector.shape_cast %mul3A_189 : vector<16xf32> to vector<1x16xf32>
        tpu.vector_store %arg11[%swap3A_190, %swap3A_191], %swap3A_194 {strides = array<i32>} : memref<64x128xf32, #tpu.memory_space<vmem>>, vector<1x16xf32>,
      }
      %scan3A_83 = arith.constant 64 : i32
      "tpu.region"() ({
        %run_scoped3A = tpu.sem_alloc : memref<!tpu.dma_semaphore, #tpu.memory_space<semaphore_mem>>
        %dma_start3A_84 = arith.constant 0 : i32
        %dma_start3A_85 = tpu.memref_slice %arg9[%add3A_77, %dma_start3A_84] : memref<80x64xi32, #tpu.memory_space<vmem>> -> memref<1x64xi32, #tpu.memory_space<vmem>>
        %dma_start3A_86 = tpu.memref_squeeze %dma_start3A_85 : memref<1x64xi32, #tpu.memory_space<vmem>> -> memref<64xi32, #tpu.memory_space<vmem>>
        %dma_start3A_87 = arith.constant 0 : i32
        %dma_start3A_88 = arith.constant 0 : i32
        %dma_start3A_89 = tpu.memref_slice %arg14[%dma_start3A_87, %dma_start3A_88] : memref<10240x128xf32, #tpu.memory_space<vmem_shared>> -> memref<10240x128xf32, #tpu.memory_space<vmem_shared>>
        tpu.enqueue_indirect_dma source(%arg11 : memref<64x128xf32, #tpu.memory_space<vmem>>) target(%dma_start3A_89 : memref<10240x128xf32, #tpu.memory_space<vmem_shared>>) offsets(%dma_start3A_86 : memref<64xi32, #tpu.memory_space<vmem>>) semaphore(%run_scoped3A : memref<!tpu.dma_semaphore, #tpu.memory_space<semaphore_mem>>) {add = true}
        %dma_wait3A_90 = arith.constant 0 : i32
        %dma_wait3A_91 = tpu.memref_slice %arg9[%add3A_77, %dma_wait3A_90] : memref<80x64xi32, #tpu.memory_space<vmem>> -> memref<1x64xi32, #tpu.memory_space<vmem>>
        %dma_wait3A_92 = tpu.memref_squeeze %dma_wait3A_91 : memref<1x64xi32, #tpu.memory_space<vmem>> -> memref<64xi32, #tpu.memory_space<vmem>>
        %dma_wait3A_93 = arith.constant 0 : i32
        %dma_wait3A_94 = arith.constant 0 : i32
        %dma_wait3A_95 = tpu.memref_slice %arg14[%dma_wait3A_93, %dma_wait3A_94] : memref<10240x128xf32, #tpu.memory_space<vmem_shared>> -> memref<10240x128xf32, #tpu.memory_space<vmem_shared>>
        tpu.wait_indirect_dma semaphore(%run_scoped3A : memref<!tpu.dma_semaphore, #tpu.memory_space<semaphore_mem>>) src(%arg11 : memref<64x128xf32, #tpu.memory_space<vmem>>) dst(%dma_wait3A_95 : memref<10240x128xf32, #tpu.memory_space<vmem_shared>>)
        tpu.yield
      }) : () -> ()
    }
    %scan3A_23 = arith.constant 40 : i32
    %barrier3A_24 = arith.constant 0 : index
    tpu.barrier barrier_id(%barrier3A_24)
    "tpu.region"() ({
      %run_scoped3A = tpu.sem_alloc : memref<!tpu.dma_semaphore, #tpu.memory_space<semaphore_mem>>
      %dma_start3A_25 = arith.constant 0 : i32
      %dma_start3A_26 = tpu.memref_slice %arg7[%arg0, %mul3A_4, %dma_start3A_25] : memref<2x10240x128xf32, #tpu.memory_space<hbm>> -> memref<1x640x128xf32, #tpu.memory_space<hbm>>
      %dma_start3A_27 = tpu.memref_squeeze %dma_start3A_26 : memref<1x640x128xf32, #tpu.memory_space<hbm>> -> memref<640x128xf32, #tpu.memory_space<hbm>>
      %dma_start3A_28 = arith.constant 0 : i32
      %dma_start3A_29 = tpu.memref_slice %arg14[%mul3A_4, %dma_start3A_28] : memref<10240x128xf32, #tpu.memory_space<vmem_shared>> -> memref<640x128xf32, #tpu.memory_space<vmem_shared>>
      tpu.enqueue_dma source(%dma_start3A_29 : memref<640x128xf32, #tpu.memory_space<vmem_shared>>) target(%dma_start3A_27 : memref<640x128xf32, #tpu.memory_space<hbm>>) target_semaphore(%run_scoped3A : memref<!tpu.dma_semaphore, #tpu.memory_space<semaphore_mem>>)
      %dma_wait3A = arith.constant 0 : i32
      %dma_wait3A_30 = tpu.memref_slice %arg7[%arg0, %mul3A_4, %dma_wait3A] : memref<2x10240x128xf32, #tpu.memory_space<hbm>> -> memref<1x640x128xf32, #tpu.memory_space<hbm>>
      %dma_wait3A_31 = tpu.memref_squeeze %dma_wait3A_30 : memref<1x640x128xf32, #tpu.memory_space<hbm>> -> memref<640x128xf32, #tpu.memory_space<hbm>>
      %dma_wait3A_32 = arith.constant 0 : i32
      %dma_wait3A_33 = tpu.memref_slice %arg14[%mul3A_4, %dma_wait3A_32] : memref<10240x128xf32, #tpu.memory_space<vmem_shared>> -> memref<640x128xf32, #tpu.memory_space<vmem_shared>>
      tpu.wait_dma2 semaphore(%run_scoped3A : memref<!tpu.dma_semaphore, #tpu.memory_space<semaphore_mem>>) src(%dma_wait3A_33 : memref<640x128xf32, #tpu.memory_space<vmem_shared>>) dst(%dma_wait3A_31 : memref<640x128xf32, #tpu.memory_space<hbm>>)
      tpu.yield
    }) : () -> ()
    return
  }
}

module attributes {stable_mosaic.version = 14 : i64} {
  func.func @_x0_kernel(%arg0: i32, %arg1: memref<1x1x1000xi32, #tpu.memory_space<vmem>>, %arg2: memref<2x128xf32, #tpu.memory_space<vmem>>, %arg3: memref<2x1000x128xf32, #tpu.memory_space<vmem>>) attributes {dimension_semantics = [#tpu.dimension_semantics<arbitrary>], iteration_bounds = array<i64: 10>, scalar_prefetch = 0 : i64, scratch_operands = 0 : i64, tpu.core_type = #tpu.core_type<tc>, window_params = [{transform_indices = @transform_0, window_bounds = array<i64: 1, 1, 1000>}, {pipeline_mode = #tpu.pipeline_mode<synchronous>, transform_indices = @transform_1, window_bounds = array<i64: 2, 128>}, {transform_indices = @transform_2, window_bounds = array<i64: 2, 1000, 128>}]} {
    %get3A = arith.constant 0 : index
    %get3A_0 = arith.constant 0 : index
    %get3A_1 = arith.constant 0 : index
    %get3A_2 = vector.load %arg1[%get3A, %get3A_0, %get3A_1] : memref<1x1x1000xi32, #tpu.memory_space<vmem>>, vector<1x1x1000xi32>
    %get3A_3 = vector.shape_cast %get3A_2 : vector<1x1x1000xi32> to vector<1000xi32>
    %broadcast_in_dim3A = vector.shape_cast %get3A_3 : vector<1000xi32> to vector<1000x1xi32>
    %eq3A = arith.constant 0 : i32
    %eq3A_4 = vector.broadcast %eq3A : i32 to vector<1000x1xi32>
    %eq3A_5 = arith.cmpi eq, %broadcast_in_dim3A, %eq3A_4 : vector<1000x1xi32>
    %get3A_6 = arith.constant 0 : index
    %get3A_7 = arith.constant 0 : index
    %get3A_8 = vector.load %arg2[%get3A_6, %get3A_7] : memref<2x128xf32, #tpu.memory_space<vmem>>, vector<1x128xf32>
    %get3A_9 = arith.constant 1 : index
    %get3A_10 = arith.constant 0 : index
    %get3A_11 = vector.load %arg2[%get3A_9, %get3A_10] : memref<2x128xf32, #tpu.memory_space<vmem>>, vector<1x128xf32>
    %broadcast_in_dim3A_12 = vector.shape_cast %eq3A_5 : vector<1000x1xi1> to vector<1000x1xi1>
    %broadcast_in_dim3A_13 = vector.broadcast %broadcast_in_dim3A_12 : vector<1000x1xi1> to vector<1000x128xi1>
    %broadcast_in_dim3A_14 = vector.shape_cast %get3A_8 : vector<1x128xf32> to vector<1x128xf32>
    %broadcast_in_dim3A_15 = vector.broadcast %broadcast_in_dim3A_14 : vector<1x128xf32> to vector<1000x128xf32>
    %broadcast_in_dim3A_16 = vector.shape_cast %get3A_11 : vector<1x128xf32> to vector<1x128xf32>
    %broadcast_in_dim3A_17 = vector.broadcast %broadcast_in_dim3A_16 : vector<1x128xf32> to vector<1000x128xf32>
    %select_n3A = arith.select %broadcast_in_dim3A_13, %broadcast_in_dim3A_15, %broadcast_in_dim3A_17 : vector<1000x128xi1>, vector<1000x128xf32>
    %swap3A = arith.constant 0 : index
    %swap3A_18 = arith.constant 0 : index
    %swap3A_19 = arith.constant 0 : index
    %swap3A_20 = vector.load %arg3[%swap3A, %swap3A_18, %swap3A_19] : memref<2x1000x128xf32, #tpu.memory_space<vmem>>, vector<1x1000x128xf32>
    %swap3A_21 = vector.shape_cast %swap3A_20 : vector<1x1000x128xf32> to vector<1000x128xf32>
    %swap3A_22 = vector.shape_cast %select_n3A : vector<1000x128xf32> to vector<1x1000x128xf32>
    tpu.vector_store %arg3[%swap3A, %swap3A_18, %swap3A_19], %swap3A_22 {strides = array<i32>} : memref<2x1000x128xf32, #tpu.memory_space<vmem>>, vector<1x1000x128xf32>,
    %broadcast_in_dim3A_23 = arith.constant 0.000000e+00 : f32
    %broadcast_in_dim3A_24 = vector.broadcast %broadcast_in_dim3A_23 : f32 to vector<1000x128xf32>
    %swap3A_25 = arith.constant 1 : index
    %swap3A_26 = arith.constant 0 : index
    %swap3A_27 = arith.constant 0 : index
    %swap3A_28 = vector.load %arg3[%swap3A_25, %swap3A_26, %swap3A_27] : memref<2x1000x128xf32, #tpu.memory_space<vmem>>, vector<1x1000x128xf32>
    %swap3A_29 = vector.shape_cast %swap3A_28 : vector<1x1000x128xf32> to vector<1000x128xf32>
    %swap3A_30 = vector.shape_cast %broadcast_in_dim3A_24 : vector<1000x128xf32> to vector<1x1000x128xf32>
    tpu.vector_store %arg3[%swap3A_25, %swap3A_26, %swap3A_27], %swap3A_30 {strides = array<i32>} : memref<2x1000x128xf32, #tpu.memory_space<vmem>>, vector<1x1000x128xf32>,
    return
  }
  func.func @transform_0(%arg0: i32) -> (i32, i32, i32) {
    %c0_i32 = arith.constant 0 : i32
    %c0_i32_0 = arith.constant 0 : i32
    %c0_i32_1 = arith.constant 0 : i32
    return %arg0, %c0_i32, %c0_i32_0 : i32, i32, i32
  }
  func.func @transform_1(%arg0: i32) -> (i32, i32) {
    %c0_i32 = arith.constant 0 : i32
    %c0_i32_0 = arith.constant 0 : i32
    %c0_i32_1 = arith.constant 0 : i32
    return %c0_i32, %c0_i32_0 : i32, i32
  }
  func.func @transform_2(%arg0: i32) -> (i32, i32, i32) {
    %c0_i32 = arith.constant 0 : i32
    %c0_i32_0 = arith.constant 0 : i32
    %c0_i32_1 = arith.constant 0 : i32
    return %c0_i32, %arg0, %c0_i32_0 : i32, i32, i32
  }
}

module attributes {stable_mosaic.version = 14 : i64} {
  func.func @_phi_kernel(%arg0: i32, %arg1: memref<2x1000x128xf32, #tpu.memory_space<vmem>>, %arg2: memref<128x128xf32, #tpu.memory_space<vmem>>, %arg3: memref<1x128xf32, #tpu.memory_space<vmem>>, %arg4: memref<128x128xf32, #tpu.memory_space<vmem>>, %arg5: memref<1x128xf32, #tpu.memory_space<vmem>>, %arg6: memref<128x128xf32, #tpu.memory_space<vmem>>, %arg7: memref<1x128xf32, #tpu.memory_space<vmem>>, %arg8: memref<128x128xf32, #tpu.memory_space<vmem>>, %arg9: memref<1x128xf32, #tpu.memory_space<vmem>>, %arg10: memref<2x1000x128xf32, #tpu.memory_space<vmem>>) attributes {dimension_semantics = [#tpu.dimension_semantics<arbitrary>], iteration_bounds = array<i64: 10>, scalar_prefetch = 0 : i64, scratch_operands = 0 : i64, tpu.core_type = #tpu.core_type<tc>, window_params = [{transform_indices = @transform_0, window_bounds = array<i64: 2, 1000, 128>}, {pipeline_mode = #tpu.pipeline_mode<synchronous>, transform_indices = @transform_1, window_bounds = array<i64: 128, 128>}, {pipeline_mode = #tpu.pipeline_mode<synchronous>, transform_indices = @transform_2, window_bounds = array<i64: 1, 128>}, {pipeline_mode = #tpu.pipeline_mode<synchronous>, transform_indices = @transform_3, window_bounds = array<i64: 128, 128>}, {pipeline_mode = #tpu.pipeline_mode<synchronous>, transform_indices = @transform_4, window_bounds = array<i64: 1, 128>}, {pipeline_mode = #tpu.pipeline_mode<synchronous>, transform_indices = @transform_5, window_bounds = array<i64: 128, 128>}, {pipeline_mode = #tpu.pipeline_mode<synchronous>, transform_indices = @transform_6, window_bounds = array<i64: 1, 128>}, {pipeline_mode = #tpu.pipeline_mode<synchronous>, transform_indices = @transform_7, window_bounds = array<i64: 128, 128>}, {pipeline_mode = #tpu.pipeline_mode<synchronous>, transform_indices = @transform_8, window_bounds = array<i64: 1, 128>}, {transform_indices = @transform_9, window_bounds = array<i64: 2, 1000, 128>}]} {
    %get3A = arith.constant 0 : index
    %get3A_0 = arith.constant 0 : index
    %get3A_1 = arith.constant 0 : index
    %get3A_2 = vector.load %arg1[%get3A, %get3A_0, %get3A_1] : memref<2x1000x128xf32, #tpu.memory_space<vmem>>, vector<1x1000x128xf32>
    %get3A_3 = vector.shape_cast %get3A_2 : vector<1x1000x128xf32> to vector<1000x128xf32>
    %get3A_4 = arith.constant 1 : index
    %get3A_5 = arith.constant 0 : index
    %get3A_6 = arith.constant 0 : index
    %get3A_7 = vector.load %arg1[%get3A_4, %get3A_5, %get3A_6] : memref<2x1000x128xf32, #tpu.memory_space<vmem>>, vector<1x1000x128xf32>
    %get3A_8 = vector.shape_cast %get3A_7 : vector<1x1000x128xf32> to vector<1000x128xf32>
    %add3A = arith.addf %get3A_3, %get3A_8 : vector<1000x128xf32>
    %get3A_9 = arith.constant 0 : index
    %get3A_10 = arith.constant 0 : index
    %get3A_11 = vector.load %arg2[%get3A_9, %get3A_10] : memref<128x128xf32, #tpu.memory_space<vmem>>, vector<128x128xf32>
    %dot_general3A = arith.constant dense<0.000000e+00> : vector<1000x128xf32>
    %dot_general3A_12 = tpu.matmul %add3A, %get3A_11, %dot_general3A {dimension_numbers = #tpu.dot_dimension_numbers<[1], [0], [0], [1], [0, 0, 1, 1], [], []>, transpose_lhs_hint = false} : vector<1000x128xf32>, vector<128x128xf32>, vector<1000x128xf32> -> vector<1000x128xf32>
    %get3A_13 = arith.constant 0 : index
    %get3A_14 = arith.constant 0 : index
    %get3A_15 = vector.load %arg3[%get3A_13, %get3A_14] : memref<1x128xf32, #tpu.memory_space<vmem>>, vector<1x128xf32>
    %add3A_16 = vector.broadcast %get3A_15 : vector<1x128xf32> to vector<1000x128xf32>
    %add3A_17 = arith.addf %dot_general3A_12, %add3A_16 : vector<1000x128xf32>
    %logistic3A = arith.negf %add3A_17 : vector<1000x128xf32>
    %logistic3A_18 = math.exp %logistic3A : vector<1000x128xf32>
    %logistic3A_19 = arith.constant 1.000000e+00 : f32
    %logistic3A_20 = vector.broadcast %logistic3A_19 : f32 to vector<1000x128xf32>
    %logistic3A_21 = arith.addf %logistic3A_20, %logistic3A_18 : vector<1000x128xf32>
    %logistic3A_22 = arith.divf %logistic3A_20, %logistic3A_21 : vector<1000x128xf32>
    %mul3A = arith.mulf %add3A_17, %logistic3A_22 : vector<1000x128xf32>
    %get3A_23 = arith.constant 0 : index
    %get3A_24 = arith.constant 0 : index
    %get3A_25 = vector.load %arg4[%get3A_23, %get3A_24] : memref<128x128xf32, #tpu.memory_space<vmem>>, vector<128x128xf32>
    %dot_general3A_26 = arith.constant dense<0.000000e+00> : vector<1000x128xf32>
    %dot_general3A_27 = tpu.matmul %mul3A, %get3A_25, %dot_general3A_26 {dimension_numbers = #tpu.dot_dimension_numbers<[1], [0], [0], [1], [0, 0, 1, 1], [], []>, transpose_lhs_hint = false} : vector<1000x128xf32>, vector<128x128xf32>, vector<1000x128xf32> -> vector<1000x128xf32>
    %get3A_28 = arith.constant 0 : index
    %get3A_29 = arith.constant 0 : index
    %get3A_30 = vector.load %arg5[%get3A_28, %get3A_29] : memref<1x128xf32, #tpu.memory_space<vmem>>, vector<1x128xf32>
    %add3A_31 = vector.broadcast %get3A_30 : vector<1x128xf32> to vector<1000x128xf32>
    %add3A_32 = arith.addf %dot_general3A_27, %add3A_31 : vector<1000x128xf32>
    %get3A_33 = arith.constant 0 : index
    %get3A_34 = arith.constant 0 : index
    %get3A_35 = vector.load %arg6[%get3A_33, %get3A_34] : memref<128x128xf32, #tpu.memory_space<vmem>>, vector<128x128xf32>
    %dot_general3A_36 = arith.constant dense<0.000000e+00> : vector<1000x128xf32>
    %dot_general3A_37 = tpu.matmul %add3A, %get3A_35, %dot_general3A_36 {dimension_numbers = #tpu.dot_dimension_numbers<[1], [0], [0], [1], [0, 0, 1, 1], [], []>, transpose_lhs_hint = false} : vector<1000x128xf32>, vector<128x128xf32>, vector<1000x128xf32> -> vector<1000x128xf32>
    %get3A_38 = arith.constant 0 : index
    %get3A_39 = arith.constant 0 : index
    %get3A_40 = vector.load %arg7[%get3A_38, %get3A_39] : memref<1x128xf32, #tpu.memory_space<vmem>>, vector<1x128xf32>
    %add3A_41 = vector.broadcast %get3A_40 : vector<1x128xf32> to vector<1000x128xf32>
    %add3A_42 = arith.addf %dot_general3A_37, %add3A_41 : vector<1000x128xf32>
    %logistic3A_43 = arith.negf %add3A_42 : vector<1000x128xf32>
    %logistic3A_44 = math.exp %logistic3A_43 : vector<1000x128xf32>
    %logistic3A_45 = arith.constant 1.000000e+00 : f32
    %logistic3A_46 = vector.broadcast %logistic3A_45 : f32 to vector<1000x128xf32>
    %logistic3A_47 = arith.addf %logistic3A_46, %logistic3A_44 : vector<1000x128xf32>
    %logistic3A_48 = arith.divf %logistic3A_46, %logistic3A_47 : vector<1000x128xf32>
    %mul3A_49 = arith.mulf %add3A_42, %logistic3A_48 : vector<1000x128xf32>
    %get3A_50 = arith.constant 0 : index
    %get3A_51 = arith.constant 0 : index
    %get3A_52 = vector.load %arg8[%get3A_50, %get3A_51] : memref<128x128xf32, #tpu.memory_space<vmem>>, vector<128x128xf32>
    %dot_general3A_53 = arith.constant dense<0.000000e+00> : vector<1000x128xf32>
    %dot_general3A_54 = tpu.matmul %mul3A_49, %get3A_52, %dot_general3A_53 {dimension_numbers = #tpu.dot_dimension_numbers<[1], [0], [0], [1], [0, 0, 1, 1], [], []>, transpose_lhs_hint = false} : vector<1000x128xf32>, vector<128x128xf32>, vector<1000x128xf32> -> vector<1000x128xf32>
    %get3A_55 = arith.constant 0 : index
    %get3A_56 = arith.constant 0 : index
    %get3A_57 = vector.load %arg9[%get3A_55, %get3A_56] : memref<1x128xf32, #tpu.memory_space<vmem>>, vector<1x128xf32>
    %add3A_58 = vector.broadcast %get3A_57 : vector<1x128xf32> to vector<1000x128xf32>
    %add3A_59 = arith.addf %dot_general3A_54, %add3A_58 : vector<1000x128xf32>
    %swap3A = arith.constant 0 : index
    %swap3A_60 = arith.constant 0 : index
    %swap3A_61 = arith.constant 0 : index
    %swap3A_62 = vector.load %arg10[%swap3A, %swap3A_60, %swap3A_61] : memref<2x1000x128xf32, #tpu.memory_space<vmem>>, vector<1x1000x128xf32>
    %swap3A_63 = vector.shape_cast %swap3A_62 : vector<1x1000x128xf32> to vector<1000x128xf32>
    %swap3A_64 = vector.shape_cast %add3A_32 : vector<1000x128xf32> to vector<1x1000x128xf32>
    tpu.vector_store %arg10[%swap3A, %swap3A_60, %swap3A_61], %swap3A_64 {strides = array<i32>} : memref<2x1000x128xf32, #tpu.memory_space<vmem>>, vector<1x1000x128xf32>,
    %swap3A_65 = arith.constant 1 : index
    %swap3A_66 = arith.constant 0 : index
    %swap3A_67 = arith.constant 0 : index
    %swap3A_68 = vector.load %arg10[%swap3A_65, %swap3A_66, %swap3A_67] : memref<2x1000x128xf32, #tpu.memory_space<vmem>>, vector<1x1000x128xf32>
    %swap3A_69 = vector.shape_cast %swap3A_68 : vector<1x1000x128xf32> to vector<1000x128xf32>
    %swap3A_70 = vector.shape_cast %add3A_59 : vector<1000x128xf32> to vector<1x1000x128xf32>
    tpu.vector_store %arg10[%swap3A_65, %swap3A_66, %swap3A_67], %swap3A_70 {strides = array<i32>} : memref<2x1000x128xf32, #tpu.memory_space<vmem>>, vector<1x1000x128xf32>,
    return
  }
  func.func @transform_0(%arg0: i32) -> (i32, i32, i32) {
    %c0_i32 = arith.constant 0 : i32
    %c0_i32_0 = arith.constant 0 : i32
    %c0_i32_1 = arith.constant 0 : i32
    return %c0_i32, %arg0, %c0_i32_0 : i32, i32, i32
  }
  func.func @transform_1(%arg0: i32) -> (i32, i32) {
    %c0_i32 = arith.constant 0 : i32
    %c0_i32_0 = arith.constant 0 : i32
    %c0_i32_1 = arith.constant 0 : i32
    return %c0_i32, %c0_i32_0 : i32, i32
  }
  func.func @transform_2(%arg0: i32) -> (i32, i32) {
    %c0_i32 = arith.constant 0 : i32
    %c0_i32_0 = arith.constant 0 : i32
    %c0_i32_1 = arith.constant 0 : i32
    return %c0_i32, %c0_i32_0 : i32, i32
  }
  func.func @transform_3(%arg0: i32) -> (i32, i32) {
    %c0_i32 = arith.constant 0 : i32
    %c0_i32_0 = arith.constant 0 : i32
    %c0_i32_1 = arith.constant 0 : i32
    return %c0_i32, %c0_i32_0 : i32, i32
  }
  func.func @transform_4(%arg0: i32) -> (i32, i32) {
    %c0_i32 = arith.constant 0 : i32
    %c0_i32_0 = arith.constant 0 : i32
    %c0_i32_1 = arith.constant 0 : i32
    return %c0_i32, %c0_i32_0 : i32, i32
  }
  func.func @transform_5(%arg0: i32) -> (i32, i32) {
    %c0_i32 = arith.constant 0 : i32
    %c0_i32_0 = arith.constant 0 : i32
    %c0_i32_1 = arith.constant 0 : i32
    return %c0_i32, %c0_i32_0 : i32, i32
  }
  func.func @transform_6(%arg0: i32) -> (i32, i32) {
    %c0_i32 = arith.constant 0 : i32
    %c0_i32_0 = arith.constant 0 : i32
    %c0_i32_1 = arith.constant 0 : i32
    return %c0_i32, %c0_i32_0 : i32, i32
  }
  func.func @transform_7(%arg0: i32) -> (i32, i32) {
    %c0_i32 = arith.constant 0 : i32
    %c0_i32_0 = arith.constant 0 : i32
    %c0_i32_1 = arith.constant 0 : i32
    return %c0_i32, %c0_i32_0 : i32, i32
  }
  func.func @transform_8(%arg0: i32) -> (i32, i32) {
    %c0_i32 = arith.constant 0 : i32
    %c0_i32_0 = arith.constant 0 : i32
    %c0_i32_1 = arith.constant 0 : i32
    return %c0_i32, %c0_i32_0 : i32, i32
  }
  func.func @transform_9(%arg0: i32) -> (i32, i32, i32) {
    %c0_i32 = arith.constant 0 : i32
    %c0_i32_0 = arith.constant 0 : i32
    %c0_i32_1 = arith.constant 0 : i32
    return %c0_i32, %arg0, %c0_i32_0 : i32, i32, i32
  }
}

module attributes {stable_mosaic.version = 14 : i64} {
  func.func @_filt_kernel(%arg0: i32, %arg1: memref<1x1x2048xf32, #tpu.memory_space<vmem>>, %arg2: memref<1x1x2048xi32, #tpu.memory_space<vmem>>, %arg3: memref<128x128xf32, #tpu.memory_space<vmem>>, %arg4: memref<1x128xf32, #tpu.memory_space<vmem>>, %arg5: memref<128x128xf32, #tpu.memory_space<vmem>>, %arg6: memref<1x128xf32, #tpu.memory_space<vmem>>, %arg7: memref<2048x128xf32, #tpu.memory_space<vmem>>) attributes {dimension_semantics = [#tpu.dimension_semantics<arbitrary>], iteration_bounds = array<i64: 80>, scalar_prefetch = 0 : i64, scratch_operands = 0 : i64, tpu.core_type = #tpu.core_type<tc>, window_params = [{transform_indices = @transform_0, window_bounds = array<i64: 1, 1, 2048>}, {transform_indices = @transform_1, window_bounds = array<i64: 1, 1, 2048>}, {pipeline_mode = #tpu.pipeline_mode<synchronous>, transform_indices = @transform_2, window_bounds = array<i64: 128, 128>}, {pipeline_mode = #tpu.pipeline_mode<synchronous>, transform_indices = @transform_3, window_bounds = array<i64: 1, 128>}, {pipeline_mode = #tpu.pipeline_mode<synchronous>, transform_indices = @transform_4, window_bounds = array<i64: 128, 128>}, {pipeline_mode = #tpu.pipeline_mode<synchronous>, transform_indices = @transform_5, window_bounds = array<i64: 1, 128>}, {transform_indices = @transform_6, window_bounds = array<i64: 2048, 128>}]} {
    %get3A = arith.constant 0 : index
    %get3A_0 = arith.constant 0 : index
    %get3A_1 = arith.constant 0 : index
    %get3A_2 = vector.load %arg1[%get3A, %get3A_0, %get3A_1] : memref<1x1x2048xf32, #tpu.memory_space<vmem>>, vector<1x1x2048xf32>
    %get3A_3 = vector.shape_cast %get3A_2 : vector<1x1x2048xf32> to vector<2048xf32>
    %sqrt3A = math.sqrt %get3A_3 : vector<2048xf32>
    %le3A = arith.constant 9.99999997E-7 : f32
    %le3A_4 = vector.broadcast %le3A : f32 to vector<2048xf32>
    %le3A_5 = arith.cmpf ole, %sqrt3A, %le3A_4 : vector<2048xf32>
    %jit3A = arith.constant 9.99999997E-7 : f32
    %broadcast_in_dim3A = vector.broadcast %jit3A : f32 to vector<2048xf32>
    %select_n3A = arith.select %le3A_5, %broadcast_in_dim3A, %sqrt3A : vector<2048xi1>, vector<2048xf32>
    %mul3A = arith.constant 2.000000e-01 : f32
    %mul3A_6 = vector.broadcast %mul3A : f32 to vector<2048xf32>
    %mul3A_7 = arith.mulf %select_n3A, %mul3A_6 : vector<2048xf32>
    %mul3A_8 = arith.mulf %mul3A_7, %mul3A_7 : vector<2048xf32>
    %mul3A_9 = arith.mulf %mul3A_8, %mul3A_8 : vector<2048xf32>
    %mul3A_10 = arith.mulf %mul3A_9, %mul3A_7 : vector<2048xf32>
    %mul3A_11 = arith.constant 2.100000e+01 : f32
    %mul3A_12 = vector.broadcast %mul3A_11 : f32 to vector<2048xf32>
    %mul3A_13 = arith.mulf %mul3A_12, %mul3A_10 : vector<2048xf32>
    %sub3A = arith.constant 1.000000e+00 : f32
    %sub3A_14 = vector.broadcast %sub3A : f32 to vector<2048xf32>
    %sub3A_15 = arith.subf %sub3A_14, %mul3A_13 : vector<2048xf32>
    %mul3A_16 = arith.constant 3.500000e+01 : f32
    %mul3A_17 = vector.broadcast %mul3A_16 : f32 to vector<2048xf32>
    %mul3A_18 = arith.mulf %mul3A_17, %mul3A_10 : vector<2048xf32>
    %mul3A_19 = arith.mulf %mul3A_18, %mul3A_7 : vector<2048xf32>
    %add3A = arith.addf %sub3A_15, %mul3A_19 : vector<2048xf32>
    %mul3A_20 = arith.constant 1.500000e+01 : f32
    %mul3A_21 = vector.broadcast %mul3A_20 : f32 to vector<2048xf32>
    %mul3A_22 = arith.mulf %mul3A_21, %mul3A_10 : vector<2048xf32>
    %mul3A_23 = arith.mulf %mul3A_22, %mul3A_8 : vector<2048xf32>
    %sub3A_24 = arith.subf %add3A, %mul3A_23 : vector<2048xf32>
    %lt3A = arith.constant 1.000000e+00 : f32
    %lt3A_25 = vector.broadcast %lt3A : f32 to vector<2048xf32>
    %lt3A_26 = arith.cmpf olt, %mul3A_7, %lt3A_25 : vector<2048xf32>
    %jit3A_27 = arith.constant 0.000000e+00 : f32
    %broadcast_in_dim3A_28 = vector.broadcast %jit3A_27 : f32 to vector<2048xf32>
    %select_n3A_29 = arith.select %lt3A_26, %sub3A_24, %broadcast_in_dim3A_28 : vector<2048xi1>, vector<2048xf32>
    %iota3A = tpu.iota {dimensions = array<i32: 1>} : vector<1x128xi32>
    %convert_element_type3A = arith.sitofp %iota3A : vector<1x128xi32> to vector<1x128xf32>
    %mul3A_30 = arith.constant 0.00787401571 : f32
    %mul3A_31 = vector.broadcast %mul3A_30 : f32 to vector<1x128xf32>
    %mul3A_32 = arith.mulf %convert_element_type3A, %mul3A_31 : vector<1x128xf32>
    %broadcast_in_dim3A_33 = vector.shape_cast %mul3A_7 : vector<2048xf32> to vector<2048x1xf32>
    %sub3A_34 = vector.broadcast %broadcast_in_dim3A_33 : vector<2048x1xf32> to vector<2048x128xf32>
    %sub3A_35 = vector.broadcast %mul3A_32 : vector<1x128xf32> to vector<2048x128xf32>
    %sub3A_36 = arith.subf %sub3A_34, %sub3A_35 : vector<2048x128xf32>
    %mul3A_37 = arith.mulf %sub3A_36, %sub3A_36 : vector<2048x128xf32>
    %mul3A_38 = arith.constant -8.064500e+03 : f32
    %mul3A_39 = vector.broadcast %mul3A_38 : f32 to vector<2048x128xf32>
    %mul3A_40 = arith.mulf %mul3A_39, %mul3A_37 : vector<2048x128xf32>
    %exp3A = math.exp %mul3A_40 : vector<2048x128xf32>
    %broadcast_in_dim3A_41 = vector.shape_cast %select_n3A_29 : vector<2048xf32> to vector<2048x1xf32>
    %mul3A_42 = vector.broadcast %broadcast_in_dim3A_41 : vector<2048x1xf32> to vector<2048x128xf32>
    %mul3A_43 = arith.mulf %exp3A, %mul3A_42 : vector<2048x128xf32>
    %get3A_44 = arith.constant 0 : index
    %get3A_45 = arith.constant 0 : index
    %get3A_46 = vector.load %arg3[%get3A_44, %get3A_45] : memref<128x128xf32, #tpu.memory_space<vmem>>, vector<128x128xf32>
    %dot_general3A = arith.constant dense<0.000000e+00> : vector<2048x128xf32>
    %dot_general3A_47 = tpu.matmul %mul3A_43, %get3A_46, %dot_general3A {dimension_numbers = #tpu.dot_dimension_numbers<[1], [0], [0], [1], [0, 0, 1, 1], [], []>, transpose_lhs_hint = false} : vector<2048x128xf32>, vector<128x128xf32>, vector<2048x128xf32> -> vector<2048x128xf32>
    %get3A_48 = arith.constant 0 : index
    %get3A_49 = arith.constant 0 : index
    %get3A_50 = vector.load %arg4[%get3A_48, %get3A_49] : memref<1x128xf32, #tpu.memory_space<vmem>>, vector<1x128xf32>
    %add3A_51 = vector.broadcast %get3A_50 : vector<1x128xf32> to vector<2048x128xf32>
    %add3A_52 = arith.addf %dot_general3A_47, %add3A_51 : vector<2048x128xf32>
    %get3A_53 = arith.constant 0 : index
    %get3A_54 = arith.constant 0 : index
    %get3A_55 = vector.load %arg5[%get3A_53, %get3A_54] : memref<128x128xf32, #tpu.memory_space<vmem>>, vector<128x128xf32>
    %dot_general3A_56 = arith.constant dense<0.000000e+00> : vector<2048x128xf32>
    %dot_general3A_57 = tpu.matmul %mul3A_43, %get3A_55, %dot_general3A_56 {dimension_numbers = #tpu.dot_dimension_numbers<[1], [0], [0], [1], [0, 0, 1, 1], [], []>, transpose_lhs_hint = false} : vector<2048x128xf32>, vector<128x128xf32>, vector<2048x128xf32> -> vector<2048x128xf32>
    %get3A_58 = arith.constant 0 : index
    %get3A_59 = arith.constant 0 : index
    %get3A_60 = vector.load %arg6[%get3A_58, %get3A_59] : memref<1x128xf32, #tpu.memory_space<vmem>>, vector<1x128xf32>
    %add3A_61 = vector.broadcast %get3A_60 : vector<1x128xf32> to vector<2048x128xf32>
    %add3A_62 = arith.addf %dot_general3A_57, %add3A_61 : vector<2048x128xf32>
    %get3A_63 = arith.constant 0 : index
    %get3A_64 = arith.constant 0 : index
    %get3A_65 = arith.constant 0 : index
    %get3A_66 = vector.load %arg2[%get3A_63, %get3A_64, %get3A_65] : memref<1x1x2048xi32, #tpu.memory_space<vmem>>, vector<1x1x2048xi32>
    %get3A_67 = vector.shape_cast %get3A_66 : vector<1x1x2048xi32> to vector<2048xi32>
    %broadcast_in_dim3A_68 = vector.shape_cast %get3A_67 : vector<2048xi32> to vector<2048x1xi32>
    %eq3A = arith.constant 0 : i32
    %eq3A_69 = vector.broadcast %eq3A : i32 to vector<2048x1xi32>
    %eq3A_70 = arith.cmpi eq, %broadcast_in_dim3A_68, %eq3A_69 : vector<2048x1xi32>
    %broadcast_in_dim3A_71 = vector.shape_cast %eq3A_70 : vector<2048x1xi1> to vector<2048x1xi1>
    %broadcast_in_dim3A_72 = vector.broadcast %broadcast_in_dim3A_71 : vector<2048x1xi1> to vector<2048x128xi1>
    %select_n3A_73 = arith.select %broadcast_in_dim3A_72, %add3A_52, %add3A_62 : vector<2048x128xi1>, vector<2048x128xf32>
    %swap3A = arith.constant 0 : index
    %swap3A_74 = arith.constant 0 : index
    %swap3A_75 = vector.load %arg7[%swap3A, %swap3A_74] : memref<2048x128xf32, #tpu.memory_space<vmem>>, vector<2048x128xf32>
    tpu.vector_store %arg7[%swap3A, %swap3A_74], %select_n3A_73 {strides = array<i32>} : memref<2048x128xf32, #tpu.memory_space<vmem>>, vector<2048x128xf32>,
    return
  }
  func.func @transform_0(%arg0: i32) -> (i32, i32, i32) {
    %c0_i32 = arith.constant 0 : i32
    %c0_i32_0 = arith.constant 0 : i32
    %c0_i32_1 = arith.constant 0 : i32
    return %arg0, %c0_i32, %c0_i32_0 : i32, i32, i32
  }
  func.func @transform_1(%arg0: i32) -> (i32, i32, i32) {
    %c0_i32 = arith.constant 0 : i32
    %c0_i32_0 = arith.constant 0 : i32
    %c0_i32_1 = arith.constant 0 : i32
    return %arg0, %c0_i32, %c0_i32_0 : i32, i32, i32
  }
  func.func @transform_2(%arg0: i32) -> (i32, i32) {
    %c0_i32 = arith.constant 0 : i32
    %c0_i32_0 = arith.constant 0 : i32
    %c0_i32_1 = arith.constant 0 : i32
    return %c0_i32, %c0_i32_0 : i32, i32
  }
  func.func @transform_3(%arg0: i32) -> (i32, i32) {
    %c0_i32 = arith.constant 0 : i32
    %c0_i32_0 = arith.constant 0 : i32
    %c0_i32_1 = arith.constant 0 : i32
    return %c0_i32, %c0_i32_0 : i32, i32
  }
  func.func @transform_4(%arg0: i32) -> (i32, i32) {
    %c0_i32 = arith.constant 0 : i32
    %c0_i32_0 = arith.constant 0 : i32
    %c0_i32_1 = arith.constant 0 : i32
    return %c0_i32, %c0_i32_0 : i32, i32
  }
  func.func @transform_5(%arg0: i32) -> (i32, i32) {
    %c0_i32 = arith.constant 0 : i32
    %c0_i32_0 = arith.constant 0 : i32
    %c0_i32_1 = arith.constant 0 : i32
    return %c0_i32, %c0_i32_0 : i32, i32
  }
  func.func @transform_6(%arg0: i32) -> (i32, i32) {
    %c0_i32 = arith.constant 0 : i32
    %c0_i32_0 = arith.constant 0 : i32
    return %arg0, %c0_i32 : i32, i32
  }
}

module attributes {stable_mosaic.version = 14 : i64} {
  func.func @_out_kernel(%arg0: i32, %arg1: memref<2x1000x128xf32, #tpu.memory_space<vmem>>, %arg2: memref<128x64xf32, #tpu.memory_space<vmem>>, %arg3: memref<1x64xf32, #tpu.memory_space<vmem>>, %arg4: memref<64x1xf32, #tpu.memory_space<vmem>>, %arg5: memref<1x1xf32, #tpu.memory_space<vmem>>, %arg6: memref<1x1x1000xi32, #tpu.memory_space<vmem>>, %arg7: memref<1x16xf32, #tpu.memory_space<vmem>>) attributes {dimension_semantics = [#tpu.dimension_semantics<arbitrary>], iteration_bounds = array<i64: 10>, scalar_prefetch = 0 : i64, scratch_operands = 0 : i64, tpu.core_type = #tpu.core_type<tc>, window_params = [{transform_indices = @transform_0, window_bounds = array<i64: 2, 1000, 128>}, {pipeline_mode = #tpu.pipeline_mode<synchronous>, transform_indices = @transform_1, window_bounds = array<i64: 128, 64>}, {pipeline_mode = #tpu.pipeline_mode<synchronous>, transform_indices = @transform_2, window_bounds = array<i64: 1, 64>}, {pipeline_mode = #tpu.pipeline_mode<synchronous>, transform_indices = @transform_3, window_bounds = array<i64: 64, 1>}, {pipeline_mode = #tpu.pipeline_mode<synchronous>, transform_indices = @transform_4, window_bounds = array<i64: 1, 1>}, {transform_indices = @transform_5, window_bounds = array<i64: 1, 1, 1000>}, {pipeline_mode = #tpu.pipeline_mode<synchronous>, transform_indices = @transform_6, window_bounds = array<i64: 1, 16>}]} {
    %get3A = arith.constant 0 : index
    %get3A_0 = arith.constant 0 : index
    %get3A_1 = arith.constant 0 : index
    %get3A_2 = vector.load %arg1[%get3A, %get3A_0, %get3A_1] : memref<2x1000x128xf32, #tpu.memory_space<vmem>>, vector<1x1000x128xf32>
    %get3A_3 = vector.shape_cast %get3A_2 : vector<1x1000x128xf32> to vector<1000x128xf32>
    %get3A_4 = arith.constant 1 : index
    %get3A_5 = arith.constant 0 : index
    %get3A_6 = arith.constant 0 : index
    %get3A_7 = vector.load %arg1[%get3A_4, %get3A_5, %get3A_6] : memref<2x1000x128xf32, #tpu.memory_space<vmem>>, vector<1x1000x128xf32>
    %get3A_8 = vector.shape_cast %get3A_7 : vector<1x1000x128xf32> to vector<1000x128xf32>
    %add3A = arith.addf %get3A_3, %get3A_8 : vector<1000x128xf32>
    %get3A_9 = arith.constant 0 : index
    %get3A_10 = arith.constant 0 : index
    %get3A_11 = vector.load %arg2[%get3A_9, %get3A_10] : memref<128x64xf32, #tpu.memory_space<vmem>>, vector<128x64xf32>
    %dot_general3A = arith.constant dense<0.000000e+00> : vector<1000x64xf32>
    %dot_general3A_12 = tpu.matmul %add3A, %get3A_11, %dot_general3A {dimension_numbers = #tpu.dot_dimension_numbers<[1], [0], [0], [1], [0, 0, 1, 1], [], []>, transpose_lhs_hint = false} : vector<1000x128xf32>, vector<128x64xf32>, vector<1000x64xf32> -> vector<1000x64xf32>
    %get3A_13 = arith.constant 0 : index
    %get3A_14 = arith.constant 0 : index
    %get3A_15 = vector.load %arg3[%get3A_13, %get3A_14] : memref<1x64xf32, #tpu.memory_space<vmem>>, vector<1x64xf32>
    %add3A_16 = vector.broadcast %get3A_15 : vector<1x64xf32> to vector<1000x64xf32>
    %add3A_17 = arith.addf %dot_general3A_12, %add3A_16 : vector<1000x64xf32>
    %logistic3A = arith.negf %add3A_17 : vector<1000x64xf32>
    %logistic3A_18 = math.exp %logistic3A : vector<1000x64xf32>
    %logistic3A_19 = arith.constant 1.000000e+00 : f32
    %logistic3A_20 = vector.broadcast %logistic3A_19 : f32 to vector<1000x64xf32>
    %logistic3A_21 = arith.addf %logistic3A_20, %logistic3A_18 : vector<1000x64xf32>
    %logistic3A_22 = arith.divf %logistic3A_20, %logistic3A_21 : vector<1000x64xf32>
    %mul3A = arith.mulf %add3A_17, %logistic3A_22 : vector<1000x64xf32>
    %mul3A_23 = arith.constant 1.66666663 : f32
    %mul3A_24 = vector.broadcast %mul3A_23 : f32 to vector<1000x64xf32>
    %mul3A_25 = arith.mulf %mul3A, %mul3A_24 : vector<1000x64xf32>
    %get3A_26 = arith.constant 0 : index
    %get3A_27 = arith.constant 0 : index
    %get3A_28 = vector.load %arg4[%get3A_26, %get3A_27] : memref<64x1xf32, #tpu.memory_space<vmem>>, vector<64x1xf32>
    %dot_general3A_29 = arith.constant dense<0.000000e+00> : vector<1000x1xf32>
    %dot_general3A_30 = tpu.matmul %mul3A_25, %get3A_28, %dot_general3A_29 {dimension_numbers = #tpu.dot_dimension_numbers<[1], [0], [0], [1], [0, 0, 1, 1], [], []>, transpose_lhs_hint = false} : vector<1000x64xf32>, vector<64x1xf32>, vector<1000x1xf32> -> vector<1000x1xf32>
    %get3A_31 = arith.constant 0 : index
    %get3A_32 = arith.constant 0 : index
    %get3A_33 = vector.load %arg5[%get3A_31, %get3A_32] : memref<1x1xf32, #tpu.memory_space<vmem>>, vector<1x1xf32>
    %add3A_34 = vector.broadcast %get3A_33 : vector<1x1xf32> to vector<1000x1xf32>
    %add3A_35 = arith.addf %dot_general3A_30, %add3A_34 : vector<1000x1xf32>
    %get3A_36 = arith.constant 0 : index
    %get3A_37 = arith.constant 0 : index
    %get3A_38 = arith.constant 0 : index
    %get3A_39 = vector.load %arg6[%get3A_36, %get3A_37, %get3A_38] : memref<1x1x1000xi32, #tpu.memory_space<vmem>>, vector<1x1x1000xi32>
    %get3A_40 = vector.shape_cast %get3A_39 : vector<1x1x1000xi32> to vector<1000xi32>
    %broadcast_in_dim3A = vector.shape_cast %get3A_40 : vector<1000xi32> to vector<1000x1xi32>
    %iota3A = tpu.iota {dimensions = array<i32: 1>} : vector<1x16xi32>
    %eq3A = vector.broadcast %broadcast_in_dim3A : vector<1000x1xi32> to vector<1000x16xi32>
    %eq3A_41 = vector.broadcast %iota3A : vector<1x16xi32> to vector<1000x16xi32>
    %eq3A_42 = arith.cmpi eq, %eq3A, %eq3A_41 : vector<1000x16xi32>
    %convert_element_type3A = arith.extui %eq3A_42 : vector<1000x16xi1> to vector<1000x16xi32>
    %convert_element_type3A_43 = arith.sitofp %convert_element_type3A : vector<1000x16xi32> to vector<1000x16xf32>
    %dot_general3A_44 = arith.constant dense<0.000000e+00> : vector<1x16xf32>
    %dot_general3A_45 = tpu.matmul %add3A_35, %convert_element_type3A_43, %dot_general3A_44 {dimension_numbers = #tpu.dot_dimension_numbers<[0], [0], [1], [1], [0, 1, 1, 1], [], []>, transpose_lhs_hint = false} : vector<1000x1xf32>, vector<1000x16xf32>, vector<1x16xf32> -> vector<1x16xf32>
    %eq3A_46 = arith.constant 0 : i32
    %eq3A_47 = arith.cmpi eq, %arg0, %eq3A_46 : i32
    %convert_element_type3A_48 = arith.extui %eq3A_47 : i1 to i32
    %cond3A = arith.constant 0 : i32
    %cond3A_49 = arith.cmpi ne, %convert_element_type3A_48, %cond3A : i32
    scf.if %cond3A_49 {
      %swap3A = arith.constant 0 : index
      %swap3A_54 = arith.constant 0 : index
      %swap3A_55 = vector.load %arg7[%swap3A, %swap3A_54] : memref<1x16xf32, #tpu.memory_space<vmem>>, vector<1x16xf32>
      tpu.vector_store %arg7[%swap3A, %swap3A_54], %dot_general3A_45 {strides = array<i32>} : memref<1x16xf32, #tpu.memory_space<vmem>>, vector<1x16xf32>,
    } else {
    }
    %ne3A = arith.constant 0 : i32
    %ne3A_50 = arith.cmpi ne, %arg0, %ne3A : i32
    %convert_element_type3A_51 = arith.extui %ne3A_50 : i1 to i32
    %cond3A_52 = arith.constant 0 : i32
    %cond3A_53 = arith.cmpi ne, %convert_element_type3A_51, %cond3A_52 : i32
    scf.if %cond3A_53 {
      %get3A_54 = arith.constant 0 : index
      %get3A_55 = arith.constant 0 : index
      %get3A_56 = vector.load %arg7[%get3A_54, %get3A_55] : memref<1x16xf32, #tpu.memory_space<vmem>>, vector<1x16xf32>
      %add3A_57 = arith.addf %get3A_56, %dot_general3A_45 : vector<1x16xf32>
      %swap3A = arith.constant 0 : index
      %swap3A_58 = arith.constant 0 : index
      %swap3A_59 = vector.load %arg7[%swap3A, %swap3A_58] : memref<1x16xf32, #tpu.memory_space<vmem>>, vector<1x16xf32>
      tpu.vector_store %arg7[%swap3A, %swap3A_58], %add3A_57 {strides = array<i32>} : memref<1x16xf32, #tpu.memory_space<vmem>>, vector<1x16xf32>,
    } else {
    }
    return
  }
  func.func @transform_0(%arg0: i32) -> (i32, i32, i32) {
    %c0_i32 = arith.constant 0 : i32
    %c0_i32_0 = arith.constant 0 : i32
    %c0_i32_1 = arith.constant 0 : i32
    return %c0_i32, %arg0, %c0_i32_0 : i32, i32, i32
  }
  func.func @transform_1(%arg0: i32) -> (i32, i32) {
    %c0_i32 = arith.constant 0 : i32
    %c0_i32_0 = arith.constant 0 : i32
    %c0_i32_1 = arith.constant 0 : i32
    return %c0_i32, %c0_i32_0 : i32, i32
  }
  func.func @transform_2(%arg0: i32) -> (i32, i32) {
    %c0_i32 = arith.constant 0 : i32
    %c0_i32_0 = arith.constant 0 : i32
    %c0_i32_1 = arith.constant 0 : i32
    return %c0_i32, %c0_i32_0 : i32, i32
  }
  func.func @transform_3(%arg0: i32) -> (i32, i32) {
    %c0_i32 = arith.constant 0 : i32
    %c0_i32_0 = arith.constant 0 : i32
    %c0_i32_1 = arith.constant 0 : i32
    return %c0_i32, %c0_i32_0 : i32, i32
  }
  func.func @transform_4(%arg0: i32) -> (i32, i32) {
    %c0_i32 = arith.constant 0 : i32
    %c0_i32_0 = arith.constant 0 : i32
    %c0_i32_1 = arith.constant 0 : i32
    return %c0_i32, %c0_i32_0 : i32, i32
  }
  func.func @transform_5(%arg0: i32) -> (i32, i32, i32) {
    %c0_i32 = arith.constant 0 : i32
    %c0_i32_0 = arith.constant 0 : i32
    %c0_i32_1 = arith.constant 0 : i32
    return %arg0, %c0_i32, %c0_i32_0 : i32, i32, i32
  }
  func.func @transform_6(%arg0: i32) -> (i32, i32) {
    %c0_i32 = arith.constant 0 : i32
    %c0_i32_0 = arith.constant 0 : i32
    %c0_i32_1 = arith.constant 0 : i32
    return %c0_i32, %c0_i32_0 : i32, i32
  }
}

</mosaic_0001>

<sc_bundles>
// kernel: kernel.11.cloned.1.call-start
scs
__scs_entry_jumppad:
0x0: {  	(pc) =	sbr.rel $0x88, $3  }
0x1: {  	(tag) =	ssettag $0x0;
	lr =	simm.s32 $0x1  }
0x2: {  	[smem:$0x3F92] =	sst lr;
	_ =	strace $0xD0000000  }
0x3: {  	_ = 	snop  }
0x4: {  	_ = 	snop  }
0x5: {  	_ = 	snop  }
0x6: {  	_ = 	snop  }
0x7: {  	_ = 	snop  }
__scs_overlays_trampoline_lowered:
0x8: {  	[smem:$0x3FA1] =	sst s0  }
0x9: {  	[smem:$0x3FA2] =	sst s1  }
0xa: {  	[smem:$0x3FA3] =	sst s2  }
0xb: {  	[smem:$0x3FA4] =	sst s3  }
0xc: {  	[smem:$0x3FA5] =	sst s4  }
0xd: {  	[smem:$0x3FA6] =	sst s5  }
0xe: {  	[smem:$0x3FA7] =	sst s6  }
0xf: {  	[smem:$0x3FA8] =	sst s7  }
0x10: {  	[smem:$0x3FA9] =	sst s8  }
0x11: {  	[smem:$0x3FAA] =	sst s9;
	s0 =	simm.s32 @!p0 $0x0  }
0x12: {  	s1 =	sld [smem:$0x3F90];
	s0 =	simm.s32 @p0 $0x1  }
0x13: {  	[smem:$0x3FAB] =	sst s0;
	s0 =	simm.s32 @!p1 $0x0  }
0x14: {  	s2 =	sld [smem:$0x3F8F];
	s0 =	simm.s32 @p1 $0x1  }
0x15: {  	[smem:$0x3FAC] =	sst s0;
	s0 =	simm.s32 @!p2 $0x0  }
0x16: {  	s3 =	sld [smem:$0x3FDB];
	s0 =	simm.s32 @p2 $0x1  }
0x17: {  	s4 =	simm.s32 $0x1BF5;
	[smem:$0x3FAE] =	sst s0  }
0x18: {  	s0 =	sld [smem:$0x3F91];
	_ =	swait.ge [sflag:s4], $0x0  }
0x19: {  	s7 =	sld [smem:$0x3F92]  }
0x1a: {  	s8 =	sadd.s32 $0xFFFFE003, lr  }
0x1b: {  	s9 =	sadd.s32 $0xFFFFFEF7, lr;
	s5 =	simm.s32 $0xFFFFFFFF;
	p2 =	slt.u32 s8, $0xFFFFF086  }
0x1c: {  	p1 =	slt.u32 s9, $0xF7A;
	s5 =	simm.s32 @!p2 $0x0  }
0x1d: {  	s5 =	simm.s32 @p1 $0x1;
	p0 =	seq.s32 s7, s2  }
0x1e: {  	s7 =	smul.u32 @!p0 $0xF7A, s2;
	p2 =	seq.s32 @!p0 s5, $0x0  }
0x1f: {  	s9 =	smul.u32 $0xF7A, s1;
	s8 =	simm.s32 @!p0 $0x1BF5;
	p2 =	por !p2, p0  }
0x20: {  	[sflag:s8] =	ssyncset.s32 @!p0 $0xFFFFF086;
	s6 =	sadd.s32 @!p0 s3, s7;
	s7 =	simm.s32 @!p0 $0x108  }
0x21: {  	s3 =	sadd.s32 s3, s9;
	s6 =	sadd.s32 @!p0 $0x88, s6;
	s7 =	simm.s32 @p2 $0x1082  }
0x22: {  	[simem:s7], [sflag:s8] =	dma.local @!p0 [hbm:s6], $0xF7A  }
0x23: {  	s9 =	sor.u32 $0xD0000000, s2;
	s6 =	simm.s32 $0x108;
	_ =	swait.ge @!p0 [sflag:s8], $0x0  }
0x24: {  	s3 =	sadd.s32 $0x88, s3;
	s6 =	simm.s32 @!p1 $0x1082;
	[sflag:s4] =	ssyncset.s32 $0xFFFFF086  }
0x25: {  	[simem:s6], [sflag:s4] =	dma.local [hbm:s3], $0xF7A  }
0x26: {  	[smem:$0x3F92] =	sst s1;
	(tag) =	ssettag s2;
	_ =	strace s9  }
0x27: {  	s1 =	sld [smem:$0x3FA2]  }
0x28: {  	s2 =	sld [smem:$0x3FA3]  }
0x29: {  	s4 =	sld [smem:$0x3FA5]  }
0x2a: {  	p0 =	seq.s32 s5, $0x0;
	s5 =	sld [smem:$0x3FA6]  }
0x2b: {  	s6 =	sld [smem:$0x3FA7]  }
0x2c: {  	s7 =	sld [smem:$0x3FA8]  }
0x2d: {  	s3 =	simm.s32 $0x108;
	s8 =	sld [smem:$0x3FA9]  }
0x2e: {  	s3 =	simm.s32 @!p0 $0x1082;
	s9 =	sld [smem:$0x3FAA]  }
0x2f: {  	lr =	sadd.s32 s0, s3;
	s0 =	sld [smem:$0x3FA1]  }
0x30: {  	s3 =	sld [smem:$0x3FA4]  }
0x31: {  	[smem:$0x3FAD] =	sst s10  }
0x32: {  	s10 =	sld [smem:$0x3FAB];
	_ =	sdelay $0x3  }
0x33: {  	p0 =	seq.s32 s10, $0x1;
	s10 =	sld [smem:$0x3FAD];
	_ =	sdelay $0x3  }
0x34: {  	[smem:$0x3FAD] =	sst s10  }
0x35: {  	s10 =	sld [smem:$0x3FAC];
	_ =	sdelay $0x3  }
0x36: {  	p1 =	seq.s32 s10, $0x1;
	s10 =	sld [smem:$0x3FAD];
	_ =	sdelay $0x3  }
0x37: {  	[smem:$0x3FAD] =	sst s10  }
0x38: {  	s10 =	sld [smem:$0x3FAE]  }
0x39: {  	_ = 	snop;
	(pc) =	sbr.ind lr, $3  }
0x3a: {  	_ = 	snop  }
0x3b: {  	_ = 	snop  }
0x3c: {  	p2 =	seq.s32 s10, $0x1;
	s10 =	sld [smem:$0x3FAD]  }
0x3d: {  	_ =	shalt  }
0x3e: {  	_ =	shalt  }
0x3f: {  	_ =	shalt  }
0x40: {  	_ =	shalt  }
0x41: {  	_ =	shalt  }
0x42: {  	_ =	shalt  }
0x43: {  	_ =	shalt  }
0x44: {  	_ =	shalt  }
0x45: {  	_ =	shalt  }
0x46: {  	_ =	shalt  }
0x47: {  	_ =	shalt  }
0x48: {  	_ =	shalt  }
0x49: {  	_ =	shalt  }
0x4a: {  	_ =	shalt  }
0x4b: {  	_ =	shalt  }
0x4c: {  	_ =	shalt  }
0x4d: {  	_ =	shalt  }
0x4e: {  	_ =	shalt  }
0x4f: {  	_ =	shalt  }
0x50: {  	_ =	shalt  }
0x51: {  	_ =	shalt  }
0x52: {  	_ =	shalt  }
0x53: {  	_ =	shalt  }
0x54: {  	_ =	shalt  }
0x55: {  	_ =	shalt  }
0x56: {  	_ =	shalt  }
0x57: {  	_ =	shalt  }
0x58: {  	_ =	shalt  }
0x59: {  	_ =	shalt  }
0x5a: {  	_ =	shalt  }
0x5b: {  	_ =	shalt  }
0x5c: {  	_ =	shalt  }
0x5d: {  	_ =	shalt  }
0x5e: {  	_ =	shalt  }
0x5f: {  	_ =	shalt  }
0x60: {  	_ =	shalt  }
0x61: {  	_ =	shalt  }
0x62: {  	_ =	shalt  }
0x63: {  	_ =	shalt  }
0x64: {  	_ =	shalt  }
0x65: {  	_ =	shalt  }
0x66: {  	_ =	shalt  }
0x67: {  	_ =	shalt  }
0x68: {  	_ =	shalt  }
0x69: {  	_ =	shalt  }
0x6a: {  	_ =	shalt  }
0x6b: {  	_ =	shalt  }
0x6c: {  	_ =	shalt  }
0x6d: {  	_ =	shalt  }
0x6e: {  	_ =	shalt  }
0x6f: {  	_ =	shalt  }
0x70: {  	_ =	shalt  }
0x71: {  	_ =	shalt  }
0x72: {  	_ =	shalt  }
0x73: {  	_ =	shalt  }
0x74: {  	_ =	shalt  }
0x75: {  	_ =	shalt  }
0x76: {  	_ =	shalt  }
0x77: {  	_ =	shalt  }
0x78: {  	_ =	shalt  }
0x79: {  	_ =	shalt  }
0x7a: {  	_ =	shalt  }
0x7b: {  	_ =	shalt  }
0x7c: {  	_ =	shalt  }
0x7d: {  	_ =	shalt  }
0x7e: {  	_ =	shalt  }
0x7f: {  	_ =	shalt  }
0x80: {  	_ =	shalt  }
0x81: {  	_ =	shalt  }
0x82: {  	_ =	shalt  }
0x83: {  	_ =	shalt  }
0x84: {  	_ =	shalt  }
0x85: {  	_ =	shalt  }
0x86: {  	_ =	shalt  }
0x87: {  	_ =	shalt  }
.Lfunc_end0:
.L_simem_size_0:
called_computation_lowered:
.L_overlay_start_0:
0x88: {  	s2 =	sld [smem:$0x3FD9]  }
0x89: {  	s3 =	sld [smem:$0x3FFE];
	_ =	sdelay $0x1  }
0x8a: {  	s1 =	srdreg.scid  }
0x8b: {  	s0 =	sand.u32 $0x1, s1  }
0x8c: {  	s17 =	sshll.u32 s0, $0xA;
	s2 =	sadd.s32 s3, s2  }
0x8d: {  	s2 =	sadd.s32 s2, s17  }
0x8e: {  	[smem:$0x3FB9] =	sst s2  }
0x8f: {  	_ = 	snop  }
0x90: {  	s2 =	sld [smem:$0x3FBD];
	(tm) =	ssettm $0x1  }
0x91: {  	s18 =	sld [smem:$0x3FFB];
	_ =	sdelay $0x3  }
0x92: {  	_ =	strace s18  }
0x93: {  	s3 =	sld [smem:$0x3FFC];
	_ =	sdelay $0x3  }
0x94: {  	_ =	strace s3  }
0x95: {  	s3 =	sld [smem:$0x3FFD];
	_ =	sdelay $0x3  }
0x96: {  	_ =	strace s3  }
0x97: {  	_ =	strace $0x8FFFFFFF  }
0x98: {  	s19 =	sld [smem:$0x3FDB];
	_ =	sdelay $0x1  }
0x99: {  	s4 =	simm.s32 $_scs_section_size  }
0x9a: {  	s5 =	simm.s32 $_size__tile_overlayer_lowered;
	s6 =	simm.s32 $_tile_overlayer_lowered  }
0x9b: {  	s22 =	simm.s32 $0x1BFF;
	s21 =	sshll.u32 s6, $0x1;
	s3 =	sadd.s32 s4, s19  }
0x9c: {  	s7 =	simm.s32 $0x0;
	s20 =	sshll.u32 s5, $0x1;
	s5 =	sadd.s32 s21, s3  }
0x9d: {  	[timem:s7], [sflag:s22] =	dma.local [hbm:s5], s20  }
0x9e: {  	_ =	swait.ge [sflag:s22], s20  }
0x9f: {  	s4 =	ssub.s32 $0x0, s20;
	[sflag:s22] =	ssyncset.done $0x0  }
0xa0: {  	[sflag:s22] =	ssyncadd.s32 s4;
	_ =	sdelay $0x1  }
0xa1: {  	s23 =	simm.s32 $0x1B8B  }
0xa2: {  	_ =	swait.ge [sflag:s23], $0x1  }
0xa3: {  	[sflag:s23] =	ssyncset.done $0x0  }
0xa4: {  	s25 =	simm.s32 $0x1B8E;
	s24 =	sld [smem:$0x3FFE];
	[sflag:s23] =	ssyncadd.s32 $0xFFFFFFFF  }
0xa5: {  	s26 =	simm.s32 $execute0_lowered;
	[smem:$0x3FD2] =	sst s25  }
0xa6: {  	s5 =	sshll.u32 s26, $0x1;
	_ =	strace $0x80000046;
	[dreg:$0x1] =	wrdreg $0xFFFFFFFF  }
0xa7: {  	s28 =	simm.s32 $_size_execute0_lowered;
	s3 =	sadd.s32 s3, s5;
	[dreg:$0x0] =	wrdreg $0x0  }
0xa8: {  	s5 =	sshll.u32 s28, $0x1;
	[dreg:$0x2] =	wrdreg s3  }
0xa9: {  	[dreg:$0x3] =	wrdreg s5  }
0xaa: {  	[dreg:$0x4] =	wrdreg $0xC0  }
0xab: {  	_ =	task [dreg:s7], $0x5FFFF  }
0xac: {  	[dreg:$0x1] =	wrdreg $0xFFFFFFFF  }
0xad: {  	[dreg:$0x0] =	wrdreg $0x60  }
0xae: {  	[dreg:$0x2] =	wrdreg s24  }
0xaf: {  	[dreg:$0x3] =	wrdreg s2  }
0xb0: {  	[dreg:$0x4] =	wrdreg $0x9  }
0xb1: {  	_ =	task.clear_ibuf [dreg:s7], $0x5FFFF;
	_ =	strace $0x90000046  }
0xb2: {  	s29 =	simm.s32 $0x9;
	_ =	strace $0x80000048  }
0xb3: {  	_ =	swait.ge [sflag:s29], $0x1  }
0xb4: {  	[sflag:s29] =	ssyncadd.s32 $0xFFFFFFFF  }
0xb5: {  	_ =	strace $0x90000048  }
0xb6: {  	_ =	sfence  }
0xb7: {  	s30 =	sld [smem:$0x0];
	_ =	sdelay $0x2  }
0xb8: {  	s31 =	sshll.u32 s1, $0xD;
	s1 =	sshrl.u32 s1, $0x2  }
0xb9: {  	s3 =	sand.u32 $0x4000, s31;
	s1 =	sadd.s32 s1, s30  }
0xba: {  	s0 =	sor.u32 s3, s0;
	s1 =	sshll.u32 s1, $0x11  }
0xbb: {  	s0 =	sor.u32 s1, s0  }
0xbc: {  	s0 =	sadd.s32 $0x8F2B, s0  }
0xbd: {  	[sflag:s0] =	ssyncadd.remote.s32 $0x1  }
0xbe: {  	_ =	sfence.sel $0xFFFF  }
0xbf: {  	[dreg:$0x0] =	wrdreg $0xFFFFFFFF;
	(pc) =	sbr.abs _section_cstart, $3  }
0xc0: {  	[dreg:$0x1] =	wrdreg $0xFFFFFFFF  }
0xc1: {  	_ =	task.clear_ibuf [dreg:s7], $0x2FFFF;
	_ =	strace $0x9FFFFFFF  }
0xc2: {  	(tm) =	ssettm $0x7FFFFFFF  }
0xc3: {  	_ =	shalt  }
tec
execute0_lowered:
.L_overlay_start_1:
0x0: {  	(tag) =	ssettag $0x1  }
0x1: {  	s7 =	rddreg [dreg:$0x0]  }
0x2: {  	s2 =	rddreg [dreg:$0x1]  }
0x3: {  	s0 =	rddreg [dreg:$0x2]  }
0x4: {  	s4 =	srdreg.scid;
	s1 =	stileid.u32;
	s3 =	simm.s32 $0x0  }
0x5: {  	s13 =	simm.s32 $0x2;
	s14 =	simm.s32 $0x1400;
	s15 =	simm.s32 $0x80  }
0x6: {  	s16 =	simm.s32 $0x1;
	s17 =	simm.s32 $0xB400;
	s18 =	simm.s32 $0xC800  }
0x7: {  	s19 =	simm.s32 $0xDC00;
	s6 =	sand.u32 $0x1, s4;
	s30 =	sshll.u32 s1, $0x1  }
0x8: {  	s20 =	simm.s32 $0x0;
	[smem:$0x7FF] =	sst s3;
	s4 =	sor.u32 s6, s30  }
0x9: {  	s5 =	sadd.s32 $0x8400, s7;
	s9 =	ssub.s32 $0x2, s6;
	s8 =	smul.u32 $0x280, s4  }
0xa: {  	_ =	strace $0x80000047;
	s6 =	sadd.s32 $0x7E00, s7;
	s31 =	sshrl.u32 s9, $0x1  }
0xb: {  	s4 =	sadd.s32 $0x8A00, s7;
	s12 =	ssub.s32 s9, s31;
	s11 =	sadd.s32 s8, s7  }
0xc: {  	s12 =	smax.u32 s12, $0x1;
	s7 =	sadd.s32 $0x9000, s11;
	s8 =	sadd.s32 $0x2E00, s11  }
0xd: {  	s9 =	sadd.s32 $0xE000, s11;
	s10 =	sadd.s32 $0x18000, s11;
	s11 =	sadd.s32 $0x13000, s11  }
.LBB2_1:
0xe: {  	[tilespmem:s3], [sflag:$0x2] =	stream.linear.gather [hbm4b:s7+s3], $0x1400, $0x38;
	[tilespmem:$0xF000] =	vst v63  }
0xf: {  	_ =	swait.ge [sflag:s13], $0x1400  }
0x10: {  	[sflag:s13] =	ssyncset.done $0x0  }
0x11: {  	[sflag:s13] =	ssyncadd.s32 $0xFFFFEC00  }
0x12: {  	[tilespmem:s14], [sflag:$0x2] =	stream.linear.gather [hbm4b:s8+s3], $0x1400, $0x38;
	[tilespmem:$0xF000] =	vst v63  }
0x13: {  	_ =	swait.ge [sflag:s13], $0x1400  }
0x14: {  	[sflag:s13] =	ssyncset.done $0x0  }
0x15: {  	s21 =	simm.s32 $0x0;
	s22 =	simm.s32 $0x2800;
	[sflag:s13] =	ssyncadd.s32 $0xFFFFEC00  }
0x16: {  	[tilespmem:s22], [sflag:$0x1] =	stream.indirect.gather [hbm4b:s4+s15], $0x1, s21, s15, $0xb8;
	[tilespmem:$0xF000] =	vst v63  }
0x17: {  	s24 =	simm.s32 $0x3C00  }
0x18: {  	[tilespmem:s24], [sflag:$0x1] =	stream.indirect.gather [hbm4b:s5+s15], $0x1, s21, s15, $0xb8;
	[tilespmem:$0xF000] =	vst v63  }
0x19: {  	s25 =	simm.s32 $0x5000  }
0x1a: {  	[tilespmem:s25], [sflag:$0x1] =	stream.indirect.gather [hbm4b:s6+s15], $0x1, s21, s15, $0xb8;
	[tilespmem:$0xF000] =	vst v63  }
0x1b: {  	s26 =	simm.s32 $0x6400;
	s28 =	simm.s32 $0x1400  }
0x1c: {  	[tilespmem:s26], [sflag:$0x1] =	stream.indirect.gather [hbm4b:s4+s15], $0x1, s28, s15, $0xb8;
	[tilespmem:$0xF000] =	vst v63  }
0x1d: {  	s29 =	simm.s32 $0x7800  }
0x1e: {  	[tilespmem:s29], [sflag:$0x1] =	stream.indirect.gather [hbm4b:s5+s15], $0x1, s28, s15, $0xb8;
	[tilespmem:$0xF000] =	vst v63  }
0x1f: {  	s30 =	simm.s32 $0x8C00  }
0x20: {  	[tilespmem:s30], [sflag:$0x1] =	stream.indirect.gather [hbm4b:s6+s15], $0x1, s28, s15, $0xb8;
	[tilespmem:$0xF000] =	vst v63  }
0x21: {  	s31 =	simm.s32 $0xA000  }
0x22: {  	[tilespmem:s31], [sflag:$0x1] =	stream.indirect.gather [hbm4b:s2+s15], $0x1, s28, s15, $0xb8;
	[tilespmem:$0xF000] =	vst v63  }
0x23: {  	_ =	swait.ge [sflag:s16], $0x80  }
0x24: {  	[sflag:s16] =	ssyncset.done $0x0  }
0x25: {  	[sflag:s16] =	ssyncadd.s32 $0xFFFFFF80  }
0x26: {  	_ =	swait.ge [sflag:s16], $0x80  }
0x27: {  	[sflag:s16] =	ssyncset.done $0x0  }
0x28: {  	[sflag:s16] =	ssyncadd.s32 $0xFFFFFF80  }
0x29: {  	_ =	swait.ge [sflag:s16], $0x80  }
0x2a: {  	[sflag:s16] =	ssyncset.done $0x0  }
0x2b: {  	[sflag:s16] =	ssyncadd.s32 $0xFFFFFF80  }
0x2c: {  	_ =	swait.ge [sflag:s16], $0x80  }
0x2d: {  	[sflag:s16] =	ssyncset.done $0x0  }
0x2e: {  	[sflag:s16] =	ssyncadd.s32 $0xFFFFFF80  }
0x2f: {  	_ =	swait.ge [sflag:s16], $0x80  }
0x30: {  	[sflag:s16] =	ssyncset.done $0x0  }
0x31: {  	[sflag:s16] =	ssyncadd.s32 $0xFFFFFF80  }
0x32: {  	_ =	swait.ge [sflag:s16], $0x80  }
0x33: {  	[sflag:s16] =	ssyncset.done $0x0  }
0x34: {  	[sflag:s16] =	ssyncadd.s32 $0xFFFFFF80  }
0x35: {  	_ =	swait.ge [sflag:s16], $0x80  }
0x36: {  	s23 =	simm.s32 $0x80;
	s24 =	simm.s32 $0x400;
	[sflag:s16] =	ssyncset.done $0x0  }
.LBB2_2:
0x37: {  	s25 =	sadd.s32 $0x2800, s23  }
0x38: {  	[sflag:s16] =	ssyncadd.s32 $0xFFFFFF80;
	s22 =	smov.u32 s24;
	s21 =	sadd.s32 $0x200, s24  }
0x39: {  	[tilespmem:s25], [sflag:$0x1] =	stream.indirect.gather [hbm4b:s4+s15], $0x1, s23, s15, $0xb8;
	[tilespmem:$0xF000] =	vst v63  }
0x3a: {  	p0 =	sne.s32 s24, $0x4E00;
	s24 =	sadd.s32 $0x3C00, s23  }
0x3b: {  	[tilespmem:s24], [sflag:$0x1] =	stream.indirect.gather [hbm4b:s5+s15], $0x1, s23, s15, $0xb8;
	[tilespmem:$0xF000] =	vst v63  }
0x3c: {  	s24 =	sadd.s32 $0x5000, s23  }
0x3d: {  	[tilespmem:s24], [sflag:$0x1] =	stream.indirect.gather [hbm4b:s6+s15], $0x1, s23, s15, $0xb8;
	[tilespmem:$0xF000] =	vst v63  }
0x3e: {  	s25 =	sadd.s32 $0x1400, s23;
	s24 =	sadd.s32 $0x6400, s23  }
0x3f: {  	[tilespmem:s24], [sflag:$0x1] =	stream.indirect.gather [hbm4b:s4+s15], $0x1, s25, s15, $0xb8;
	[tilespmem:$0xF000] =	vst v63  }
0x40: {  	s24 =	sadd.s32 $0x7800, s23  }
0x41: {  	[tilespmem:s24], [sflag:$0x1] =	stream.indirect.gather [hbm4b:s5+s15], $0x1, s25, s15, $0xb8;
	[tilespmem:$0xF000] =	vst v63  }
0x42: {  	s24 =	sadd.s32 $0x8C00, s23  }
0x43: {  	[tilespmem:s24], [sflag:$0x1] =	stream.indirect.gather [hbm4b:s6+s15], $0x1, s25, s15, $0xb8;
	[tilespmem:$0xF000] =	vst v63  }
0x44: {  	s23 =	sadd.s32 $0xA000, s23  }
0x45: {  	[tilespmem:s23], [sflag:$0x1] =	stream.indirect.gather [hbm4b:s2+s15], $0x1, s25, s15, $0xb8;
	[tilespmem:$0xF000] =	vst v63  }
0x46: {  	_ =	swait.ge [sflag:s16], $0x80  }
0x47: {  	[sflag:s16] =	ssyncset.done $0x0  }
0x48: {  	[sflag:s16] =	ssyncadd.s32 $0xFFFFFF80  }
0x49: {  	_ =	swait.ge [sflag:s16], $0x80  }
0x4a: {  	[sflag:s16] =	ssyncset.done $0x0  }
0x4b: {  	[sflag:s16] =	ssyncadd.s32 $0xFFFFFF80  }
0x4c: {  	_ =	swait.ge [sflag:s16], $0x80  }
0x4d: {  	[sflag:s16] =	ssyncset.done $0x0  }
0x4e: {  	[sflag:s16] =	ssyncadd.s32 $0xFFFFFF80  }
0x4f: {  	_ =	swait.ge [sflag:s16], $0x80  }
0x50: {  	[sflag:s16] =	ssyncset.done $0x0  }
0x51: {  	[sflag:s16] =	ssyncadd.s32 $0xFFFFFF80  }
0x52: {  	_ =	swait.ge [sflag:s16], $0x80  }
0x53: {  	[sflag:s16] =	ssyncset.done $0x0  }
0x54: {  	[sflag:s16] =	ssyncadd.s32 $0xFFFFFF80  }
.Ltmp0:
0x55: {  	_ =	swait.ge [sflag:s16], $0x80;
	(pc) =	sbr.rel @p0 .LBB2_2-.Ltmp0, $4  }
0x56: {  	[sflag:s16] =	ssyncset.done $0x0  }
0x57: {  	[sflag:s16] =	ssyncadd.s32 $0xFFFFFF80  }
0x58: {  	_ =	swait.ge [sflag:s16], $0x80  }
0x59: {  	s24 =	smov.u32 s21;
	s23 =	sshra.s32 s22, $0x2;
	[sflag:s16] =	ssyncset.done $0x0  }
0x5a: {  	s21 =	sadd.s32 $0x2800, s23;
	[sflag:s16] =	ssyncadd.s32 $0xFFFFFF80  }
0x5b: {  	[tilespmem:s21], [sflag:$0x1] =	stream.indirect.gather [hbm4b:s4+s15], $0x1, s23, s15, $0xb8;
	[tilespmem:$0xF000] =	vst v63  }
0x5c: {  	s25 =	sadd.s32 $0x3C00, s23  }
0x5d: {  	[tilespmem:s25], [sflag:$0x1] =	stream.indirect.gather [hbm4b:s5+s15], $0x1, s23, s15, $0xb8;
	[tilespmem:$0xF000] =	vst v63  }
0x5e: {  	s26 =	sadd.s32 $0x5000, s23  }
0x5f: {  	[tilespmem:s26], [sflag:$0x1] =	stream.indirect.gather [hbm4b:s6+s15], $0x1, s23, s15, $0xb8;
	[tilespmem:$0xF000] =	vst v63  }
0x60: {  	s28 =	sadd.s32 $0x6400, s23;
	s22 =	sadd.s32 $0x1400, s23  }
0x61: {  	[tilespmem:s28], [sflag:$0x1] =	stream.indirect.gather [hbm4b:s4+s15], $0x1, s22, s15, $0xb8;
	[tilespmem:$0xF000] =	vst v63  }
0x62: {  	s29 =	sadd.s32 $0x7800, s23  }
0x63: {  	[tilespmem:s29], [sflag:$0x1] =	stream.indirect.gather [hbm4b:s5+s15], $0x1, s22, s15, $0xb8;
	[tilespmem:$0xF000] =	vst v63  }
0x64: {  	s30 =	sadd.s32 $0x8C00, s23  }
0x65: {  	[tilespmem:s30], [sflag:$0x1] =	stream.indirect.gather [hbm4b:s6+s15], $0x1, s22, s15, $0xb8;
	[tilespmem:$0xF000] =	vst v63  }
0x66: {  	s31 =	sadd.s32 $0xA000, s23  }
0x67: {  	[tilespmem:s31], [sflag:$0x1] =	stream.indirect.gather [hbm4b:s2+s15], $0x1, s22, s15, $0xb8;
	[tilespmem:$0xF000] =	vst v63  }
0x68: {  	_ =	swait.ge [sflag:s16], $0x80  }
0x69: {  	[sflag:s16] =	ssyncset.done $0x0  }
0x6a: {  	[sflag:s16] =	ssyncadd.s32 $0xFFFFFF80  }
0x6b: {  	_ =	swait.ge [sflag:s16], $0x80  }
0x6c: {  	[sflag:s16] =	ssyncset.done $0x0  }
0x6d: {  	[sflag:s16] =	ssyncadd.s32 $0xFFFFFF80  }
0x6e: {  	_ =	swait.ge [sflag:s16], $0x80  }
0x6f: {  	[sflag:s16] =	ssyncset.done $0x0  }
0x70: {  	[sflag:s16] =	ssyncadd.s32 $0xFFFFFF80  }
0x71: {  	_ =	swait.ge [sflag:s16], $0x80  }
0x72: {  	[sflag:s16] =	ssyncset.done $0x0  }
0x73: {  	[sflag:s16] =	ssyncadd.s32 $0xFFFFFF80  }
0x74: {  	_ =	swait.ge [sflag:s16], $0x80  }
0x75: {  	[sflag:s16] =	ssyncset.done $0x0  }
0x76: {  	[sflag:s16] =	ssyncadd.s32 $0xFFFFFF80  }
0x77: {  	_ =	swait.ge [sflag:s16], $0x80  }
0x78: {  	[sflag:s16] =	ssyncset.done $0x0  }
0x79: {  	[sflag:s16] =	ssyncadd.s32 $0xFFFFFF80  }
0x7a: {  	_ =	swait.ge [sflag:s16], $0x80  }
0x7b: {  	[sflag:s16] =	ssyncset.done $0x0  }
0x7c: {  	s21 =	simm.s32 $0x0;
	[sflag:s16] =	ssyncadd.s32 $0xFFFFFF80  }
0x7d: {  	v2 =	vld [tilespmem:s21+$0x2800]  }
0x7e: {  	v3 =	vld [tilespmem:s21+$0x6400]  }
0x7f: {  	v5 =	vld [tilespmem:s21+$0x3C00]  }
0x80: {  	v6 =	vld [tilespmem:s21+$0x7800]  }
0x81: {  	v7 =	vld [tilespmem:s21+$0x5000]  }
0x82: {  	v8 =	vld [tilespmem:s21+$0x8C00]  }
0x83: {  	v4 =	vld [tilespmem:s21+$0xA000]  }
0x84: {  	s22 =	simm.s32 $0x10;
	v1 =	vld [tilespmem:s21+$0x0]  }
0x85: {  	v0 =	vld [tilespmem:s22+$0x2800];
	v9 =	vsub.f32 v2, v3;
	v10 =	vsub.f32 v5, v6  }
0x86: {  	v2 =	vld [tilespmem:s22+$0x6400]  }
0x87: {  	s23 =	simm.s32 $0x80;
	v3 =	vld [tilespmem:s22+$0x3C00];
	v5 =	vsub.f32 v7, v8;
	v6 =	vmul.f32 v9, v9;
	v7 =	vmul.f32 v10, v10  }
.LBB2_4:
0x88: {  	p0 =	sne.s32 s23, $0x4FC0;
	v8 =	vld [tilespmem:s22+$0x7800];
	v9 =	vmul.u32 $0x2710, v4;
	[tilespmem:s21+$0xDC00] =	vst v4  }
0x89: {  	v10 =	vld [tilespmem:s22+$0x5000];
	v6 =	vadd.f32 v7, v6;
	v5 =	vmul.f32 v5, v5  }
0x8a: {  	v7 =	vld [tilespmem:s22+$0x8C00];
	v1 =	vadd.s32 v1, v9  }
.Ltmp1:
0x8b: {  	v4 =	vld [tilespmem:s22+$0xA000];
	v5 =	vadd.f32 v5, v6;
	[tilespmem:s21+$0xC800] =	vst v1;
	(pc) =	sbr.rel @p0 .LBB2_4-.Ltmp1, $4  }
0x8c: {  	s24 =	sshra.s32 s23, $0x2;
	v1 =	vld [tilespmem:s22+$0x0]  }
0x8d: {  	v6 =	vsub.f32 v0, v2;
	v0 =	vld [tilespmem:s24+$0x2800];
	v8 =	vsub.f32 v3, v8;
	[tilespmem:s21+$0xB400] =	vst v5;
	s21 =	smov.u32 s22;
	s22 =	smov.u32 s24  }
0x8e: {  	v2 =	vld [tilespmem:s22+$0x6400]  }
0x8f: {  	s23 =	sadd.s32 $0x40, s23;
	v6 =	vmul.f32 v6, v6;
	v3 =	vld [tilespmem:s22+$0x3C00];
	v5 =	vsub.f32 v10, v7;
	v7 =	vmul.f32 v8, v8  }
0x90: {  	v8 =	vld [tilespmem:s22+$0x7800];
	[tilespmem:s21+$0xDC00] =	vst v4  }
0x91: {  	v9 =	vld [tilespmem:s22+$0x5000]  }
0x92: {  	v54 =	vmul.u32 $0x2710, v4;
	v10 =	vld [tilespmem:s22+$0x8C00];
	_ =	sdelay $0x1  }
0x93: {  	v55 =	vld [tilespmem:s22+$0xA000];
	v1 =	vadd.s32 v1, v54  }
0x94: {  	[tilespmem:s21+$0xC800] =	vst v1;
	v0 =	vsub.f32 v0, v2;
	v56 =	vsub.f32 v3, v8  }
0x95: {  	v57 =	vadd.f32 v7, v6;
	v58 =	vmul.f32 v5, v5;
	v59 =	vld [tilespmem:s22+$0x0]  }
0x96: {  	v0 =	vmul.f32 v0, v0;
	v60 =	vsub.f32 v9, v10;
	v1 =	vmul.f32 v56, v56  }
0x97: {  	v2 =	vadd.f32 v58, v57  }
0x98: {  	v61 =	vmul.u32 $0x2710, v55;
	v62 =	vmul.f32 v60, v60;
	v0 =	vadd.f32 v1, v0  }
0x99: {  	[tilespmem:s21+$0xB400] =	vst v2  }
0x9a: {  	[tilespmem:s22+$0xDC00] =	vst v55;
	v63 =	vadd.s32 v59, v61;
	v0 =	vadd.f32 v62, v0  }
0x9b: {  	[tilespmem:s22+$0xC800] =	vst v63  }
0x9c: {  	[tilespmem:s22+$0xB400] =	vst v0  }
0x9d: {  	[hbm4b:s9+s3] =	stream.linear.scatter [tilespmem:s17], [sflag:$0x2], $0x1400, $0x38;
	[tilespmem:$0xF000] =	vst v63  }
0x9e: {  	_ =	swait.ge [sflag:s13], $0x1400  }
0x9f: {  	[sflag:s13] =	ssyncset.done $0x0  }
0xa0: {  	[sflag:s13] =	ssyncadd.s32 $0xFFFFEC00  }
0xa1: {  	[hbm4b:s10+s3] =	stream.linear.scatter [tilespmem:s18], [sflag:$0x2], $0x1400, $0x38;
	[tilespmem:$0xF000] =	vst v63  }
0xa2: {  	s20 =	sadd.s32 $0x1, s20;
	_ =	swait.ge [sflag:s13], $0x1400  }
0xa3: {  	p0 =	sne.s32 s20, s12;
	[sflag:s13] =	ssyncset.done $0x0  }
.Ltmp2:
0xa4: {  	[sflag:s13] =	ssyncadd.s32 $0xFFFFEC00;
	(pc) =	sbr.rel @p0 .LBB2_1-.Ltmp2, $4  }
0xa5: {  	[hbm4b:s11+s3] =	stream.linear.scatter [tilespmem:s19], [sflag:$0x2], $0x1400, $0x38;
	[tilespmem:$0xF000] =	vst v63  }
0xa6: {  	_ =	swait.ge [sflag:s13], $0x1400  }
0xa7: {  	[sflag:s13] =	ssyncset.done $0x0  }
0xa8: {  	[sflag:s13] =	ssyncadd.s32 $0xFFFFEC00  }
0xa9: {  	_ =	sfence.sel $0x180000  }
0xaa: {  	[bflag:$0x0] =	sbarrier.arrive $0xFFFF  }
0xab: {  	p0 =	sne.s32 s1, $0x0;
	_ =	strace $0x90000047  }
0xac: {  	s0 =	sadd.s32 @!p0 $0x100000, s0;
	[bflag:$0x2] =	sbarrier.arrive $0xFFFF  }
0xad: {  	[sflag:s0] =	ssyncadd.tile.s32 @!p0 $0x1;
	_ =	shalt  }
.Lfunc_end2:
_tile_overlayer_lowered:
.L_overlay_start_2:
0xae: {  	(tag) =	ssettag $0x2  }
0xaf: {  	s0 =	rddreg [dreg:$0x0];
	s2 =	stileid.u32  }
0xb0: {  	s1 =	rddreg [dreg:$0x1];
	p0 =	sne.s32 s2, $0x0  }
0xb1: {  	s3 =	rddreg [dreg:$0x2];
	[bflag:$0x3] =	sbarrier.arrive $0xFFFF;
	s2 =	simm.s32 @!p0 $0x1C02  }
0xb2: {  	[timem:s3], [sflag:s2] =	dma.local @!p0 [hbm:s0], s1  }
0xb3: {  	s0 =	simm.s32 @!p0 $0x2  }
0xb4: {  	_ =	swait.ge @!p0 [sflag:s0], s1  }
0xb5: {  	s1 =	ssub.s32 @!p0 $0x0, s1;
	[sflag:s0] =	ssyncset.done @!p0 $0x0  }
0xb6: {  	[sflag:s0] =	ssyncadd.s32 @!p0 s1  }
0xb7: {  	[bflag:$0x3] =	sbarrier.arrive $0xFFFF  }
0xb8: {  	_ =	shalt  }

// kernel: kernel.14.cloned.1.call-start
scs
__scs_entry_jumppad:
0x0: {  	(pc) =	sbr.rel $0x88, $3  }
0x1: {  	(tag) =	ssettag $0x0;
	lr =	simm.s32 $0x1  }
0x2: {  	[smem:$0x3F92] =	sst lr;
	_ =	strace $0xD0000000  }
0x3: {  	_ = 	snop  }
0x4: {  	_ = 	snop  }
0x5: {  	_ = 	snop  }
0x6: {  	_ = 	snop  }
0x7: {  	_ = 	snop  }
__scs_overlays_trampoline_lowered:
0x8: {  	[smem:$0x3FA1] =	sst s0  }
0x9: {  	[smem:$0x3FA2] =	sst s1  }
0xa: {  	[smem:$0x3FA3] =	sst s2  }
0xb: {  	[smem:$0x3FA4] =	sst s3  }
0xc: {  	[smem:$0x3FA5] =	sst s4  }
0xd: {  	[smem:$0x3FA6] =	sst s5  }
0xe: {  	[smem:$0x3FA7] =	sst s6  }
0xf: {  	[smem:$0x3FA8] =	sst s7  }
0x10: {  	[smem:$0x3FA9] =	sst s8  }
0x11: {  	[smem:$0x3FAA] =	sst s9;
	s0 =	simm.s32 @!p0 $0x0  }
0x12: {  	s1 =	sld [smem:$0x3F90];
	s0 =	simm.s32 @p0 $0x1  }
0x13: {  	[smem:$0x3FAB] =	sst s0;
	s0 =	simm.s32 @!p1 $0x0  }
0x14: {  	s2 =	sld [smem:$0x3F8F];
	s0 =	simm.s32 @p1 $0x1  }
0x15: {  	[smem:$0x3FAC] =	sst s0;
	s0 =	simm.s32 @!p2 $0x0  }
0x16: {  	s3 =	sld [smem:$0x3FDB];
	s0 =	simm.s32 @p2 $0x1  }
0x17: {  	s4 =	simm.s32 $0x1BF5;
	[smem:$0x3FAE] =	sst s0  }
0x18: {  	s0 =	sld [smem:$0x3F91];
	_ =	swait.ge [sflag:s4], $0x0  }
0x19: {  	s7 =	sld [smem:$0x3F92]  }
0x1a: {  	s8 =	sadd.s32 $0xFFFFE003, lr  }
0x1b: {  	s9 =	sadd.s32 $0xFFFFFEF7, lr;
	s5 =	simm.s32 $0xFFFFFFFF;
	p2 =	slt.u32 s8, $0xFFFFF086  }
0x1c: {  	p1 =	slt.u32 s9, $0xF7A;
	s5 =	simm.s32 @!p2 $0x0  }
0x1d: {  	s5 =	simm.s32 @p1 $0x1;
	p0 =	seq.s32 s7, s2  }
0x1e: {  	s7 =	smul.u32 @!p0 $0xF7A, s2;
	p2 =	seq.s32 @!p0 s5, $0x0  }
0x1f: {  	s9 =	smul.u32 $0xF7A, s1;
	s8 =	simm.s32 @!p0 $0x1BF5;
	p2 =	por !p2, p0  }
0x20: {  	[sflag:s8] =	ssyncset.s32 @!p0 $0xFFFFF086;
	s6 =	sadd.s32 @!p0 s3, s7;
	s7 =	simm.s32 @!p0 $0x108  }
0x21: {  	s3 =	sadd.s32 s3, s9;
	s6 =	sadd.s32 @!p0 $0x88, s6;
	s7 =	simm.s32 @p2 $0x1082  }
0x22: {  	[simem:s7], [sflag:s8] =	dma.local @!p0 [hbm:s6], $0xF7A  }
0x23: {  	s9 =	sor.u32 $0xD0000000, s2;
	s6 =	simm.s32 $0x108;
	_ =	swait.ge @!p0 [sflag:s8], $0x0  }
0x24: {  	s3 =	sadd.s32 $0x88, s3;
	s6 =	simm.s32 @!p1 $0x1082;
	[sflag:s4] =	ssyncset.s32 $0xFFFFF086  }
0x25: {  	[simem:s6], [sflag:s4] =	dma.local [hbm:s3], $0xF7A  }
0x26: {  	[smem:$0x3F92] =	sst s1;
	(tag) =	ssettag s2;
	_ =	strace s9  }
0x27: {  	s1 =	sld [smem:$0x3FA2]  }
0x28: {  	s2 =	sld [smem:$0x3FA3]  }
0x29: {  	s4 =	sld [smem:$0x3FA5]  }
0x2a: {  	p0 =	seq.s32 s5, $0x0;
	s5 =	sld [smem:$0x3FA6]  }
0x2b: {  	s6 =	sld [smem:$0x3FA7]  }
0x2c: {  	s7 =	sld [smem:$0x3FA8]  }
0x2d: {  	s3 =	simm.s32 $0x108;
	s8 =	sld [smem:$0x3FA9]  }
0x2e: {  	s3 =	simm.s32 @!p0 $0x1082;
	s9 =	sld [smem:$0x3FAA]  }
0x2f: {  	lr =	sadd.s32 s0, s3;
	s0 =	sld [smem:$0x3FA1]  }
0x30: {  	s3 =	sld [smem:$0x3FA4]  }
0x31: {  	[smem:$0x3FAD] =	sst s10  }
0x32: {  	s10 =	sld [smem:$0x3FAB];
	_ =	sdelay $0x3  }
0x33: {  	p0 =	seq.s32 s10, $0x1;
	s10 =	sld [smem:$0x3FAD];
	_ =	sdelay $0x3  }
0x34: {  	[smem:$0x3FAD] =	sst s10  }
0x35: {  	s10 =	sld [smem:$0x3FAC];
	_ =	sdelay $0x3  }
0x36: {  	p1 =	seq.s32 s10, $0x1;
	s10 =	sld [smem:$0x3FAD];
	_ =	sdelay $0x3  }
0x37: {  	[smem:$0x3FAD] =	sst s10  }
0x38: {  	s10 =	sld [smem:$0x3FAE]  }
0x39: {  	_ = 	snop;
	(pc) =	sbr.ind lr, $3  }
0x3a: {  	_ = 	snop  }
0x3b: {  	_ = 	snop  }
0x3c: {  	p2 =	seq.s32 s10, $0x1;
	s10 =	sld [smem:$0x3FAD]  }
0x3d: {  	_ =	shalt  }
0x3e: {  	_ =	shalt  }
0x3f: {  	_ =	shalt  }
0x40: {  	_ =	shalt  }
0x41: {  	_ =	shalt  }
0x42: {  	_ =	shalt  }
0x43: {  	_ =	shalt  }
0x44: {  	_ =	shalt  }
0x45: {  	_ =	shalt  }
0x46: {  	_ =	shalt  }
0x47: {  	_ =	shalt  }
0x48: {  	_ =	shalt  }
0x49: {  	_ =	shalt  }
0x4a: {  	_ =	shalt  }
0x4b: {  	_ =	shalt  }
0x4c: {  	_ =	shalt  }
0x4d: {  	_ =	shalt  }
0x4e: {  	_ =	shalt  }
0x4f: {  	_ =	shalt  }
0x50: {  	_ =	shalt  }
0x51: {  	_ =	shalt  }
0x52: {  	_ =	shalt  }
0x53: {  	_ =	shalt  }
0x54: {  	_ =	shalt  }
0x55: {  	_ =	shalt  }
0x56: {  	_ =	shalt  }
0x57: {  	_ =	shalt  }
0x58: {  	_ =	shalt  }
0x59: {  	_ =	shalt  }
0x5a: {  	_ =	shalt  }
0x5b: {  	_ =	shalt  }
0x5c: {  	_ =	shalt  }
0x5d: {  	_ =	shalt  }
0x5e: {  	_ =	shalt  }
0x5f: {  	_ =	shalt  }
0x60: {  	_ =	shalt  }
0x61: {  	_ =	shalt  }
0x62: {  	_ =	shalt  }
0x63: {  	_ =	shalt  }
0x64: {  	_ =	shalt  }
0x65: {  	_ =	shalt  }
0x66: {  	_ =	shalt  }
0x67: {  	_ =	shalt  }
0x68: {  	_ =	shalt  }
0x69: {  	_ =	shalt  }
0x6a: {  	_ =	shalt  }
0x6b: {  	_ =	shalt  }
0x6c: {  	_ =	shalt  }
0x6d: {  	_ =	shalt  }
0x6e: {  	_ =	shalt  }
0x6f: {  	_ =	shalt  }
0x70: {  	_ =	shalt  }
0x71: {  	_ =	shalt  }
0x72: {  	_ =	shalt  }
0x73: {  	_ =	shalt  }
0x74: {  	_ =	shalt  }
0x75: {  	_ =	shalt  }
0x76: {  	_ =	shalt  }
0x77: {  	_ =	shalt  }
0x78: {  	_ =	shalt  }
0x79: {  	_ =	shalt  }
0x7a: {  	_ =	shalt  }
0x7b: {  	_ =	shalt  }
0x7c: {  	_ =	shalt  }
0x7d: {  	_ =	shalt  }
0x7e: {  	_ =	shalt  }
0x7f: {  	_ =	shalt  }
0x80: {  	_ =	shalt  }
0x81: {  	_ =	shalt  }
0x82: {  	_ =	shalt  }
0x83: {  	_ =	shalt  }
0x84: {  	_ =	shalt  }
0x85: {  	_ =	shalt  }
0x86: {  	_ =	shalt  }
0x87: {  	_ =	shalt  }
.Lfunc_end0:
.L_simem_size_0:
called_computation.1_lowered:
.L_overlay_start_0:
0x88: {  	s2 =	sld [smem:$0x3FD9]  }
0x89: {  	s3 =	sld [smem:$0x3FFE];
	_ =	sdelay $0x1  }
0x8a: {  	s1 =	srdreg.scid  }
0x8b: {  	s0 =	sand.u32 $0x1, s1  }
0x8c: {  	s16 =	sshll.u32 s0, $0xA;
	s2 =	sadd.s32 s3, s2  }
0x8d: {  	s2 =	sadd.s32 s2, s16  }
0x8e: {  	[smem:$0x3FB9] =	sst s2  }
0x8f: {  	_ = 	snop  }
0x90: {  	(tm) =	ssettm $0x1  }
0x91: {  	s17 =	sld [smem:$0x3FFB];
	_ =	sdelay $0x3  }
0x92: {  	_ =	strace s17  }
0x93: {  	s2 =	sld [smem:$0x3FFC];
	_ =	sdelay $0x3  }
0x94: {  	_ =	strace s2  }
0x95: {  	s2 =	sld [smem:$0x3FFD];
	_ =	sdelay $0x3  }
0x96: {  	_ =	strace s2  }
0x97: {  	_ =	strace $0x8FFFFFFF  }
0x98: {  	s18 =	sld [smem:$0x3FDB];
	_ =	sdelay $0x1  }
0x99: {  	s19 =	simm.s32 $_scs_section_size  }
0x9a: {  	s4 =	simm.s32 $_size__tile_overlayer_lowered;
	s5 =	simm.s32 $_tile_overlayer_lowered  }
0x9b: {  	s22 =	simm.s32 $0x1BFF;
	s21 =	sshll.u32 s5, $0x1;
	s2 =	sadd.s32 s19, s18  }
0x9c: {  	s6 =	simm.s32 $0x0;
	s20 =	sshll.u32 s4, $0x1;
	s4 =	sadd.s32 s21, s2  }
0x9d: {  	[timem:s6], [sflag:s22] =	dma.local [hbm:s4], s20  }
0x9e: {  	_ =	swait.ge [sflag:s22], s20  }
0x9f: {  	s3 =	ssub.s32 $0x0, s20;
	[sflag:s22] =	ssyncset.done $0x0  }
0xa0: {  	[sflag:s22] =	ssyncadd.s32 s3;
	_ =	sdelay $0x1  }
0xa1: {  	s23 =	simm.s32 $0x1B8B  }
0xa2: {  	_ =	swait.ge [sflag:s23], $0x1  }
0xa3: {  	[sflag:s23] =	ssyncset.done $0x0  }
0xa4: {  	s25 =	simm.s32 $0x1B8E;
	s24 =	sld [smem:$0x3FFE];
	[sflag:s23] =	ssyncadd.s32 $0xFFFFFFFF  }
0xa5: {  	s26 =	simm.s32 $execute0_lowered;
	[smem:$0x3FD2] =	sst s25  }
0xa6: {  	s4 =	sshll.u32 s26, $0x1;
	_ =	strace $0x80000049;
	[dreg:$0x1] =	wrdreg $0xFFFFFFFF  }
0xa7: {  	s28 =	simm.s32 $_size_execute0_lowered;
	s2 =	sadd.s32 s2, s4;
	[dreg:$0x0] =	wrdreg $0x0  }
0xa8: {  	s4 =	sshll.u32 s28, $0x1;
	[dreg:$0x2] =	wrdreg s2  }
0xa9: {  	[dreg:$0x3] =	wrdreg s4  }
0xaa: {  	[dreg:$0x4] =	wrdreg $0xC0  }
0xab: {  	_ =	task [dreg:s6], $0x5FFFF  }
0xac: {  	[dreg:$0x1] =	wrdreg $0xFFFFFFFF  }
0xad: {  	[dreg:$0x0] =	wrdreg $0x60  }
0xae: {  	[dreg:$0x2] =	wrdreg s24  }
0xaf: {  	[dreg:$0x3] =	wrdreg $0xBC000  }
0xb0: {  	[dreg:$0x4] =	wrdreg $0x9  }
0xb1: {  	_ =	task.clear_ibuf [dreg:s6], $0x5FFFF;
	_ =	strace $0x90000049  }
0xb2: {  	s29 =	simm.s32 $0x9;
	_ =	strace $0x8000004B  }
0xb3: {  	_ =	swait.ge [sflag:s29], $0x1  }
0xb4: {  	[sflag:s29] =	ssyncadd.s32 $0xFFFFFFFF  }
0xb5: {  	_ =	strace $0x9000004B  }
0xb6: {  	_ =	sfence  }
0xb7: {  	s30 =	sld [smem:$0x0];
	_ =	sdelay $0x2  }
0xb8: {  	s31 =	sshll.u32 s1, $0xD;
	s1 =	sshrl.u32 s1, $0x2  }
0xb9: {  	s3 =	sand.u32 $0x4000, s31;
	s1 =	sadd.s32 s1, s30  }
0xba: {  	s0 =	sor.u32 s3, s0;
	s1 =	sshll.u32 s1, $0x11  }
0xbb: {  	s0 =	sor.u32 s1, s0  }
0xbc: {  	s0 =	sadd.s32 $0x8F2B, s0  }
0xbd: {  	[sflag:s0] =	ssyncadd.remote.s32 $0x1  }
0xbe: {  	_ =	sfence.sel $0xFFFF  }
0xbf: {  	[dreg:$0x0] =	wrdreg $0xFFFFFFFF;
	(pc) =	sbr.abs _section_cstart, $3  }
0xc0: {  	[dreg:$0x1] =	wrdreg $0xFFFFFFFF  }
0xc1: {  	_ =	task.clear_ibuf [dreg:s6], $0x2FFFF;
	_ =	strace $0x9FFFFFFF  }
0xc2: {  	(tm) =	ssettm $0x7FFFFFFF  }
0xc3: {  	_ =	shalt  }
tec
execute0_lowered:
.L_overlay_start_1:
0x0: {  	(tag) =	ssettag $0x1  }
0x1: {  	s1 =	srdreg.scid;
	s6 =	rddreg [dreg:$0x0]  }
0x2: {  	s0 =	stileid.u32;
	s2 =	rddreg [dreg:$0x1]  }
0x3: {  	s16 =	simm.s32 $0x1400;
	s17 =	simm.s32 $0x40;
	s18 =	simm.s32 $0x3C00  }
0x4: {  	s19 =	simm.s32 $0x7C00;
	s20 =	simm.s32 $0x5C00;
	s21 =	simm.s32 $0x9C00  }
0x5: {  	s22 =	simm.s32 $0x1;
	s23 =	simm.s32 $0x3;
	s1 =	sand.u32 $0x1, s1  }
0x6: {  	s3 =	sshll.u32 s0, $0x1;
	s10 =	smul.u32 $0x14000, s0;
	s4 =	sadd.s32 $0x29600, s6  }
0x7: {  	s5 =	sadd.s32 $0x77800, s6;
	s28 =	smul.u32 $0x50000, s0;
	s30 =	sshll.u32 s0, $0x6  }
0x8: {  	s7 =	sor.u32 s1, s3;
	s3 =	simm.s32 $0x0;
	s11 =	smul.u32 $0x140000, s1  }
0x9: {  	s1 =	ssub.s32 $0x2, s1;
	s8 =	smul.u32 $0x280, s7;
	[smem:$0x7FF] =	sst s3  }
0xa: {  	s9 =	smul.u32 $0x500, s7;
	s24 =	sshrl.u32 s10, $0x3;
	s26 =	sshrl.u32 s1, $0x1  }
0xb: {  	s29 =	sshrl.u32 s28, $0x2;
	s31 =	smul.u32 $0x14000, s7;
	_ =	strace $0x8000004A  }
0xc: {  	s25 =	sadd.s32 s10, s11;
	s1 =	ssub.s32 s1, s26;
	s15 =	sadd.s32 s29, s2  }
0xd: {  	s26 =	simm.s32 $0x0;
	s12 =	sadd.s32 s8, s6;
	s13 =	sadd.s32 s9, s6  }
0xe: {  	s8 =	sadd.s32 s24, s6;
	s9 =	sshrl.u32 s25, $0x3;
	s11 =	sadd.s32 s5, s31  }
0xf: {  	s24 =	simm.s32 $0x2;
	s25 =	simm.s32 $0x4;
	s14 =	sadd.s32 s9, s6  }
0x10: {  	s6 =	smul.u32 $0x50, s7;
	s7 =	sadd.s32 $0x2F7800, s8;
	s8 =	sor.u32 $0x1C05, s30  }
0x11: {  	s9 =	sadd.s32 $0x18000, s12;
	s10 =	sadd.s32 $0x1D000, s13;
	s13 =	smax.u32 s1, $0x1  }
0x12: {  	s12 =	sadd.s32 $0x31F800, s14;
	s14 =	sshrl.u32 s15, $0x3;
	s15 =	simm.s32 $0x5  }
.LBB2_1:
0x13: {  	[spmem:s14], [sflag:s8] =	dma.local [hbm:s7], $0x2800  }
0x14: {  	_ =	swait.ge [sflag:s15], $0x2800  }
0x15: {  	[sflag:s15] =	ssyncset.done $0x0  }
0x16: {  	[sflag:s15] =	ssyncadd.s32 $0xFFFFD800  }
0x17: {  	[tilespmem:s3], [sflag:$0x5] =	stream.linear.gather [hbm4b:s9+s3], $0x1400, $0x38;
	[tilespmem:$0x1FC00] =	vst v63  }
0x18: {  	_ =	swait.ge [sflag:s15], $0x1400  }
0x19: {  	[sflag:s15] =	ssyncset.done $0x0  }
0x1a: {  	[sflag:s15] =	ssyncadd.s32 $0xFFFFEC00  }
0x1b: {  	[tilespmem:s16], [sflag:$0x5] =	stream.linear.gather [hbm4b:s10+s3], $0x2800, $0x38;
	[tilespmem:$0x1FC00] =	vst v63  }
0x1c: {  	_ =	swait.ge [sflag:s15], $0x2800  }
0x1d: {  	[sflag:s15] =	ssyncset.done $0x0  }
0x1e: {  	[sflag:s15] =	ssyncadd.s32 $0xFFFFD800  }
0x1f: {  	[bflag:$0x0] =	sbarrier.arrive $0xFFFF  }
0x20: {  	[tilespmem:s18], [sflag:$0x1] =	stream.indirect.gather [hbm4b:s4+s17], $0x80, s3, s17, $0xb8;
	[tilespmem:$0x1FC00] =	vst v63  }
0x21: {  	s28 =	simm.s32 $0x0  }
0x22: {  	[tilespmem:s19], [sflag:$0x3] =	stream.linear.gather [hbm4b:s11+s3], $0x2000, $0x38;
	[tilespmem:$0x1FC00] =	vst v63  }
.LBB2_2:
0x23: {  	s29 =	sshllo.u32 s28, $0x1  }
0x24: {  	s1 =	sshll.u32 s29, $0x6  }
0x25: {  	s0 =	sadd.s32 s6, s29;
	s1 =	sand.u32 $0x3FFFFFC0, s1  }
0x26: {  	[tilespmem:s20], [sflag:$0x2] =	stream.indirect.gather [hbm4b:s4+s17], $0x80, s1, s17, $0xb8;
	[tilespmem:$0x1FC00] =	vst v63  }
0x27: {  	s1 =	sshll.u32 s0, $0xA  }
0x28: {  	s1 =	sand.u32 $0x1FFFFC00, s1  }
0x29: {  	s30 =	simm.s32 $0x0;
	s1 =	sadd.s32 s5, s1  }
0x2a: {  	[tilespmem:s21], [sflag:$0x4] =	stream.linear.gather [hbm4b:s1+s30], $0x2000, $0x38;
	[tilespmem:$0x1FC00] =	vst v63  }
0x2b: {  	_ =	swait.ge [sflag:s22], $0x2000  }
0x2c: {  	[sflag:s22] =	ssyncset.done $0x0  }
0x2d: {  	[sflag:s22] =	ssyncadd.s32 $0xFFFFE000  }
0x2e: {  	_ =	swait.ge [sflag:s23], $0x2000  }
0x2f: {  	[sflag:s23] =	ssyncset.done $0x0  }
0x30: {  	s30 =	simm.s32 $0x0;
	[sflag:s23] =	ssyncadd.s32 $0xFFFFE000  }
0x31: {  	v7 =	vld [tilespmem:s30+$0x7C00]  }
0x32: {  	v11 =	vld [tilespmem:s30+$0x7C10]  }
0x33: {  	v5 =	vld [tilespmem:s30+$0x7C20]  }
0x34: {  	v4 =	vld [tilespmem:s30+$0x7C30]  }
0x35: {  	v3 =	vld [tilespmem:s30+$0x7C40]  }
0x36: {  	v2 =	vld [tilespmem:s30+$0x7C50]  }
0x37: {  	v1 =	vld [tilespmem:s30+$0x7C60]  }
0x38: {  	v0 =	vld [tilespmem:s30+$0x7C70]  }
0x39: {  	v12 =	vld [tilespmem:s30+$0x3C00]  }
0x3a: {  	v13 =	vld [tilespmem:s30+$0x3C10]  }
0x3b: {  	v10 =	vld [tilespmem:s30+$0x3C20]  }
0x3c: {  	v9 =	vld [tilespmem:s30+$0x3C30]  }
0x3d: {  	v8 =	vld [tilespmem:s30+$0x3C40]  }
0x3e: {  	v6 =	vld [tilespmem:s30+$0x3C50];
	v12 =	vmul.f32 v7, v12  }
0x3f: {  	s31 =	sshll.u32 s28, $0x1;
	s1 =	simm.s32 $0x200;
	v11 =	vmul.f32 v11, v13;
	v7 =	vld [tilespmem:s30+$0x3C60]  }
.LBB2_3:
0x40: {  	s0 =	sshra.s32 s1, $0x2;
	p0 =	sne.s32 s1, $0x7E00;
	[tilespmem:s30+$0x3C00] =	vst v12;
	v5 =	vmul.f32 v5, v10;
	v10 =	vld [tilespmem:s30+$0x3C70]  }
0x41: {  	v12 =	vld [tilespmem:s0+$0x7C00];
	[tilespmem:s30+$0x3C10] =	vst v11;
	v4 =	vmul.f32 v4, v9  }
0x42: {  	v11 =	vld [tilespmem:s0+$0x7C10];
	[tilespmem:s30+$0x3C20] =	vst v5;
	v3 =	vmul.f32 v3, v8  }
0x43: {  	v5 =	vld [tilespmem:s0+$0x7C20];
	[tilespmem:s30+$0x3C30] =	vst v4;
	v2 =	vmul.f32 v2, v6  }
0x44: {  	v4 =	vld [tilespmem:s0+$0x7C30];
	[tilespmem:s30+$0x3C40] =	vst v3;
	v1 =	vmul.f32 v1, v7  }
0x45: {  	v3 =	vld [tilespmem:s0+$0x7C40];
	[tilespmem:s30+$0x3C50] =	vst v2;
	v0 =	vmul.f32 v0, v10  }
0x46: {  	v2 =	vld [tilespmem:s0+$0x7C50];
	[tilespmem:s30+$0x3C60] =	vst v1  }
0x47: {  	v1 =	vld [tilespmem:s0+$0x7C60];
	[tilespmem:s30+$0x3C70] =	vst v0;
	s30 =	smov.u32 s0  }
0x48: {  	v0 =	vld [tilespmem:s30+$0x7C70]  }
0x49: {  	v6 =	vld [tilespmem:s30+$0x3C00]  }
0x4a: {  	v7 =	vld [tilespmem:s30+$0x3C10]  }
.Ltmp0:
0x4b: {  	v10 =	vld [tilespmem:s30+$0x3C20];
	(pc) =	sbr.rel @p0 .LBB2_3-.Ltmp0, $4  }
0x4c: {  	v9 =	vld [tilespmem:s30+$0x3C30]  }
0x4d: {  	v8 =	vld [tilespmem:s30+$0x3C40]  }
0x4e: {  	v12 =	vmul.f32 v12, v6;
	v6 =	vld [tilespmem:s30+$0x3C50]  }
0x4f: {  	s1 =	sadd.s32 $0x200, s1;
	v11 =	vmul.f32 v11, v7;
	v7 =	vld [tilespmem:s30+$0x3C60]  }
0x50: {  	[tilespmem:s30+$0x3C00] =	vst v12;
	v5 =	vmul.f32 v5, v10;
	v10 =	vld [tilespmem:s30+$0x3C70]  }
0x51: {  	[tilespmem:s30+$0x3C10] =	vst v11;
	v4 =	vmul.f32 v4, v9  }
0x52: {  	[tilespmem:s30+$0x3C20] =	vst v5;
	v3 =	vmul.f32 v3, v8  }
0x53: {  	[tilespmem:s30+$0x3C30] =	vst v4;
	v2 =	vmul.f32 v2, v6  }
0x54: {  	[tilespmem:s30+$0x3C40] =	vst v3;
	v1 =	vmul.f32 v1, v7  }
0x55: {  	s0 =	sshll.u32 s28, $0x8;
	[tilespmem:s30+$0x3C50] =	vst v2;
	v0 =	vmul.f32 v0, v10  }
0x56: {  	s0 =	sand.u32 $0x3FFFFF00, s0;
	[tilespmem:s30+$0x3C60] =	vst v1  }
0x57: {  	p0 =	seq.s32 s28, $0x27;
	s0 =	sadd.s32 $0x1400, s0;
	[tilespmem:s30+$0x3C70] =	vst v0  }
0x58: {  	[spmem:s2] =	stream.indirect.scatter.add.f32 [tilespmem:s18], [sflag:$0x5], $0x80, s0, s17, $0xb8;
	[tilespmem:$0x1FC00] =	vst v63  }
0x59: {  	s30 =	simm.s32 @!p0 $0x40;
	s0 =	sadd.s32 @!p0 $0x2, s31  }
0x5a: {  	_ =	swait.ge [sflag:s15], $0x2000;
	s1 =	sshll.u32 @!p0 s0, $0x6;
	s0 =	sadd.s32 @!p0 s6, s0  }
0x5b: {  	[sflag:s15] =	ssyncset.done $0x0;
	s1 =	sand.u32 @!p0 $0x3FFFFFC0, s1;
	s0 =	sshll.u32 @!p0 s0, $0xA  }
0x5c: {  	s31 =	simm.s32 @!p0 $0x3C00;
	[sflag:s15] =	ssyncadd.s32 $0xFFFFE000;
	s0 =	sand.u32 @!p0 $0x1FFFF800, s0  }
0x5d: {  	[tilespmem:s31], [sflag:$0x1] =	stream.indirect.gather @!p0 [hbm4b:s4+s30], $0x80, s1, s30, $0xb8;
	[tilespmem:$0x1FC00] =	vst v63  }
0x5e: {  	s0 =	sadd.s32 @!p0 s5, s0;
	s1 =	simm.s32 @!p0 $0x0;
	s30 =	simm.s32 @!p0 $0x7C00  }
0x5f: {  	[tilespmem:s30], [sflag:$0x3] =	stream.linear.gather @!p0 [hbm4b:s0+s1], $0x2000, $0x38;
	[tilespmem:$0x1FC00] =	vst v63  }
0x60: {  	_ =	swait.ge [sflag:s24], $0x2000  }
0x61: {  	[sflag:s24] =	ssyncset.done $0x0  }
0x62: {  	[sflag:s24] =	ssyncadd.s32 $0xFFFFE000  }
0x63: {  	_ =	swait.ge [sflag:s25], $0x2000  }
0x64: {  	[sflag:s25] =	ssyncset.done $0x0  }
0x65: {  	s30 =	simm.s32 $0x0;
	[sflag:s25] =	ssyncadd.s32 $0xFFFFE000  }
0x66: {  	v7 =	vld [tilespmem:s30+$0x9C00]  }
0x67: {  	v11 =	vld [tilespmem:s30+$0x9C10]  }
0x68: {  	v5 =	vld [tilespmem:s30+$0x9C20]  }
0x69: {  	v4 =	vld [tilespmem:s30+$0x9C30]  }
0x6a: {  	v3 =	vld [tilespmem:s30+$0x9C40]  }
0x6b: {  	v2 =	vld [tilespmem:s30+$0x9C50]  }
0x6c: {  	v1 =	vld [tilespmem:s30+$0x9C60]  }
0x6d: {  	v0 =	vld [tilespmem:s30+$0x9C70]  }
0x6e: {  	v12 =	vld [tilespmem:s30+$0x5C00]  }
0x6f: {  	v13 =	vld [tilespmem:s30+$0x5C10]  }
0x70: {  	v10 =	vld [tilespmem:s30+$0x5C20]  }
0x71: {  	v9 =	vld [tilespmem:s30+$0x5C30]  }
0x72: {  	v8 =	vld [tilespmem:s30+$0x5C40]  }
0x73: {  	v6 =	vld [tilespmem:s30+$0x5C50];
	v12 =	vmul.f32 v7, v12  }
0x74: {  	s1 =	simm.s32 $0x200;
	v11 =	vmul.f32 v11, v13;
	v7 =	vld [tilespmem:s30+$0x5C60]  }
.LBB2_5:
0x75: {  	s0 =	sshra.s32 s1, $0x2;
	p0 =	sne.s32 s1, $0x7E00;
	[tilespmem:s30+$0x5C00] =	vst v12;
	v5 =	vmul.f32 v5, v10;
	v10 =	vld [tilespmem:s30+$0x5C70]  }
0x76: {  	v12 =	vld [tilespmem:s0+$0x9C00];
	[tilespmem:s30+$0x5C10] =	vst v11;
	v4 =	vmul.f32 v4, v9  }
0x77: {  	v11 =	vld [tilespmem:s0+$0x9C10];
	[tilespmem:s30+$0x5C20] =	vst v5;
	v3 =	vmul.f32 v3, v8  }
0x78: {  	v5 =	vld [tilespmem:s0+$0x9C20];
	[tilespmem:s30+$0x5C30] =	vst v4;
	v2 =	vmul.f32 v2, v6  }
0x79: {  	v4 =	vld [tilespmem:s0+$0x9C30];
	[tilespmem:s30+$0x5C40] =	vst v3;
	v1 =	vmul.f32 v1, v7  }
0x7a: {  	v3 =	vld [tilespmem:s0+$0x9C40];
	[tilespmem:s30+$0x5C50] =	vst v2;
	v0 =	vmul.f32 v0, v10  }
0x7b: {  	v2 =	vld [tilespmem:s0+$0x9C50];
	[tilespmem:s30+$0x5C60] =	vst v1  }
0x7c: {  	v1 =	vld [tilespmem:s0+$0x9C60];
	[tilespmem:s30+$0x5C70] =	vst v0;
	s30 =	smov.u32 s0  }
0x7d: {  	v0 =	vld [tilespmem:s30+$0x9C70]  }
0x7e: {  	v6 =	vld [tilespmem:s30+$0x5C00]  }
0x7f: {  	v7 =	vld [tilespmem:s30+$0x5C10]  }
.Ltmp1:
0x80: {  	v10 =	vld [tilespmem:s30+$0x5C20];
	(pc) =	sbr.rel @p0 .LBB2_5-.Ltmp1, $4  }
0x81: {  	v9 =	vld [tilespmem:s30+$0x5C30]  }
0x82: {  	v8 =	vld [tilespmem:s30+$0x5C40]  }
0x83: {  	v12 =	vmul.f32 v12, v6;
	v6 =	vld [tilespmem:s30+$0x5C50]  }
0x84: {  	s1 =	sadd.s32 $0x200, s1;
	v11 =	vmul.f32 v11, v7;
	v7 =	vld [tilespmem:s30+$0x5C60]  }
0x85: {  	[tilespmem:s30+$0x5C00] =	vst v12;
	v5 =	vmul.f32 v5, v10;
	v63 =	vld [tilespmem:s30+$0x5C70]  }
0x86: {  	[tilespmem:s30+$0x5C10] =	vst v11;
	v4 =	vmul.f32 v4, v9  }
0x87: {  	[tilespmem:s30+$0x5C20] =	vst v5;
	v3 =	vmul.f32 v3, v8  }
0x88: {  	[tilespmem:s30+$0x5C30] =	vst v4;
	v2 =	vmul.f32 v2, v6  }
0x89: {  	[tilespmem:s30+$0x5C40] =	vst v3;
	v1 =	vmul.f32 v1, v7  }
0x8a: {  	s0 =	sshll.u32 s29, $0x7;
	s28 =	sadd.s32 $0x1, s28;
	[tilespmem:s30+$0x5C50] =	vst v2;
	v0 =	vmul.f32 v0, v63  }
0x8b: {  	s0 =	sand.u32 $0x3FFFFF80, s0;
	p0 =	sne.s32 s28, $0x28;
	[tilespmem:s30+$0x5C60] =	vst v1  }
.Ltmp2:
0x8c: {  	s0 =	sadd.s32 $0x1400, s0;
	[tilespmem:s30+$0x5C70] =	vst v0;
	(pc) =	sbr.rel @p0 .LBB2_2-.Ltmp2, $4  }
0x8d: {  	[spmem:s2] =	stream.indirect.scatter.add.f32 [tilespmem:s20], [sflag:$0x5], $0x80, s0, s17, $0xb8;
	[tilespmem:$0x1FC00] =	vst v63  }
0x8e: {  	_ =	swait.ge [sflag:s15], $0x2000  }
0x8f: {  	[sflag:s15] =	ssyncset.done $0x0  }
0x90: {  	[sflag:s15] =	ssyncadd.s32 $0xFFFFE000  }
0x91: {  	s26 =	sadd.s32 $0x1, s26  }
0x92: {  	p0 =	sne.s32 s26, s13  }
.Ltmp3:
0x93: {  	[bflag:$0x0] =	sbarrier.arrive $0xFFFF;
	(pc) =	sbr.rel @p0 .LBB2_1-.Ltmp3, $4  }
0x94: {  	[hbm:s12], [sflag:s8] =	dma.local [spmem:s14], $0x2800  }
0x95: {  	_ =	swait.ge [sflag:s15], $0x2800  }
0x96: {  	[sflag:s15] =	ssyncset.done $0x0  }
0x97: {  	[sflag:s15] =	ssyncadd.s32 $0xFFFFD800  }
0x98: {  	_ =	sfence.sel $0x180000  }
0x99: {  	[bflag:$0x0] =	sbarrier.arrive $0xFFFF  }
0x9a: {  	_ =	strace $0x9000004A  }
0x9b: {  	s0 =	stileid.u32;
	[bflag:$0x2] =	sbarrier.arrive $0xFFFF  }
0x9c: {  	p0 =	sne.s32 s0, $0x0;
	s0 =	rddreg [dreg:$0x2]  }
0x9d: {  	s0 =	sadd.s32 @!p0 $0x100000, s0  }
0x9e: {  	[sflag:s0] =	ssyncadd.tile.s32 @!p0 $0x1;
	_ =	shalt  }
.Lfunc_end2:
_tile_overlayer_lowered:
.L_overlay_start_2:
0x9f: {  	(tag) =	ssettag $0x2  }
0xa0: {  	s0 =	rddreg [dreg:$0x0];
	s2 =	stileid.u32  }
0xa1: {  	s1 =	rddreg [dreg:$0x1];
	p0 =	sne.s32 s2, $0x0  }
0xa2: {  	s3 =	rddreg [dreg:$0x2];
	[bflag:$0x3] =	sbarrier.arrive $0xFFFF;
	s2 =	simm.s32 @!p0 $0x1C05  }
0xa3: {  	[timem:s3], [sflag:s2] =	dma.local @!p0 [hbm:s0], s1  }
0xa4: {  	s0 =	simm.s32 @!p0 $0x5  }
0xa5: {  	_ =	swait.ge @!p0 [sflag:s0], s1  }
0xa6: {  	s1 =	ssub.s32 @!p0 $0x0, s1;
	[sflag:s0] =	ssyncset.done @!p0 $0x0  }
0xa7: {  	[sflag:s0] =	ssyncadd.s32 @!p0 s1  }
0xa8: {  	[bflag:$0x3] =	sbarrier.arrive $0xFFFF  }
0xa9: {  	_ =	shalt  }

// kernel: kernel.17.cloned.1.call-start
scs
__scs_entry_jumppad:
0x0: {  	(pc) =	sbr.rel $0x88, $3  }
0x1: {  	(tag) =	ssettag $0x0;
	lr =	simm.s32 $0x1  }
0x2: {  	[smem:$0x3F92] =	sst lr;
	_ =	strace $0xD0000000  }
0x3: {  	_ = 	snop  }
0x4: {  	_ = 	snop  }
0x5: {  	_ = 	snop  }
0x6: {  	_ = 	snop  }
0x7: {  	_ = 	snop  }
__scs_overlays_trampoline_lowered:
0x8: {  	[smem:$0x3FA1] =	sst s0  }
0x9: {  	[smem:$0x3FA2] =	sst s1  }
0xa: {  	[smem:$0x3FA3] =	sst s2  }
0xb: {  	[smem:$0x3FA4] =	sst s3  }
0xc: {  	[smem:$0x3FA5] =	sst s4  }
0xd: {  	[smem:$0x3FA6] =	sst s5  }
0xe: {  	[smem:$0x3FA7] =	sst s6  }
0xf: {  	[smem:$0x3FA8] =	sst s7  }
0x10: {  	[smem:$0x3FA9] =	sst s8  }
0x11: {  	[smem:$0x3FAA] =	sst s9;
	s0 =	simm.s32 @!p0 $0x0  }
0x12: {  	s1 =	sld [smem:$0x3F90];
	s0 =	simm.s32 @p0 $0x1  }
0x13: {  	[smem:$0x3FAB] =	sst s0;
	s0 =	simm.s32 @!p1 $0x0  }
0x14: {  	s2 =	sld [smem:$0x3F8F];
	s0 =	simm.s32 @p1 $0x1  }
0x15: {  	[smem:$0x3FAC] =	sst s0;
	s0 =	simm.s32 @!p2 $0x0  }
0x16: {  	s3 =	sld [smem:$0x3FDB];
	s0 =	simm.s32 @p2 $0x1  }
0x17: {  	s4 =	simm.s32 $0x1BF5;
	[smem:$0x3FAE] =	sst s0  }
0x18: {  	s0 =	sld [smem:$0x3F91];
	_ =	swait.ge [sflag:s4], $0x0  }
0x19: {  	s7 =	sld [smem:$0x3F92]  }
0x1a: {  	s8 =	sadd.s32 $0xFFFFE003, lr  }
0x1b: {  	s9 =	sadd.s32 $0xFFFFFEF7, lr;
	s5 =	simm.s32 $0xFFFFFFFF;
	p2 =	slt.u32 s8, $0xFFFFF086  }
0x1c: {  	p1 =	slt.u32 s9, $0xF7A;
	s5 =	simm.s32 @!p2 $0x0  }
0x1d: {  	s5 =	simm.s32 @p1 $0x1;
	p0 =	seq.s32 s7, s2  }
0x1e: {  	s7 =	smul.u32 @!p0 $0xF7A, s2;
	p2 =	seq.s32 @!p0 s5, $0x0  }
0x1f: {  	s9 =	smul.u32 $0xF7A, s1;
	s8 =	simm.s32 @!p0 $0x1BF5;
	p2 =	por !p2, p0  }
0x20: {  	[sflag:s8] =	ssyncset.s32 @!p0 $0xFFFFF086;
	s6 =	sadd.s32 @!p0 s3, s7;
	s7 =	simm.s32 @!p0 $0x108  }
0x21: {  	s3 =	sadd.s32 s3, s9;
	s6 =	sadd.s32 @!p0 $0x88, s6;
	s7 =	simm.s32 @p2 $0x1082  }
0x22: {  	[simem:s7], [sflag:s8] =	dma.local @!p0 [hbm:s6], $0xF7A  }
0x23: {  	s9 =	sor.u32 $0xD0000000, s2;
	s6 =	simm.s32 $0x108;
	_ =	swait.ge @!p0 [sflag:s8], $0x0  }
0x24: {  	s3 =	sadd.s32 $0x88, s3;
	s6 =	simm.s32 @!p1 $0x1082;
	[sflag:s4] =	ssyncset.s32 $0xFFFFF086  }
0x25: {  	[simem:s6], [sflag:s4] =	dma.local [hbm:s3], $0xF7A  }
0x26: {  	[smem:$0x3F92] =	sst s1;
	(tag) =	ssettag s2;
	_ =	strace s9  }
0x27: {  	s1 =	sld [smem:$0x3FA2]  }
0x28: {  	s2 =	sld [smem:$0x3FA3]  }
0x29: {  	s4 =	sld [smem:$0x3FA5]  }
0x2a: {  	p0 =	seq.s32 s5, $0x0;
	s5 =	sld [smem:$0x3FA6]  }
0x2b: {  	s6 =	sld [smem:$0x3FA7]  }
0x2c: {  	s7 =	sld [smem:$0x3FA8]  }
0x2d: {  	s3 =	simm.s32 $0x108;
	s8 =	sld [smem:$0x3FA9]  }
0x2e: {  	s3 =	simm.s32 @!p0 $0x1082;
	s9 =	sld [smem:$0x3FAA]  }
0x2f: {  	lr =	sadd.s32 s0, s3;
	s0 =	sld [smem:$0x3FA1]  }
0x30: {  	s3 =	sld [smem:$0x3FA4]  }
0x31: {  	[smem:$0x3FAD] =	sst s10  }
0x32: {  	s10 =	sld [smem:$0x3FAB];
	_ =	sdelay $0x3  }
0x33: {  	p0 =	seq.s32 s10, $0x1;
	s10 =	sld [smem:$0x3FAD];
	_ =	sdelay $0x3  }
0x34: {  	[smem:$0x3FAD] =	sst s10  }
0x35: {  	s10 =	sld [smem:$0x3FAC];
	_ =	sdelay $0x3  }
0x36: {  	p1 =	seq.s32 s10, $0x1;
	s10 =	sld [smem:$0x3FAD];
	_ =	sdelay $0x3  }
0x37: {  	[smem:$0x3FAD] =	sst s10  }
0x38: {  	s10 =	sld [smem:$0x3FAE]  }
0x39: {  	_ = 	snop;
	(pc) =	sbr.ind lr, $3  }
0x3a: {  	_ = 	snop  }
0x3b: {  	_ = 	snop  }
0x3c: {  	p2 =	seq.s32 s10, $0x1;
	s10 =	sld [smem:$0x3FAD]  }
0x3d: {  	_ =	shalt  }
0x3e: {  	_ =	shalt  }
0x3f: {  	_ =	shalt  }
0x40: {  	_ =	shalt  }
0x41: {  	_ =	shalt  }
0x42: {  	_ =	shalt  }
0x43: {  	_ =	shalt  }
0x44: {  	_ =	shalt  }
0x45: {  	_ =	shalt  }
0x46: {  	_ =	shalt  }
0x47: {  	_ =	shalt  }
0x48: {  	_ =	shalt  }
0x49: {  	_ =	shalt  }
0x4a: {  	_ =	shalt  }
0x4b: {  	_ =	shalt  }
0x4c: {  	_ =	shalt  }
0x4d: {  	_ =	shalt  }
0x4e: {  	_ =	shalt  }
0x4f: {  	_ =	shalt  }
0x50: {  	_ =	shalt  }
0x51: {  	_ =	shalt  }
0x52: {  	_ =	shalt  }
0x53: {  	_ =	shalt  }
0x54: {  	_ =	shalt  }
0x55: {  	_ =	shalt  }
0x56: {  	_ =	shalt  }
0x57: {  	_ =	shalt  }
0x58: {  	_ =	shalt  }
0x59: {  	_ =	shalt  }
0x5a: {  	_ =	shalt  }
0x5b: {  	_ =	shalt  }
0x5c: {  	_ =	shalt  }
0x5d: {  	_ =	shalt  }
0x5e: {  	_ =	shalt  }
0x5f: {  	_ =	shalt  }
0x60: {  	_ =	shalt  }
0x61: {  	_ =	shalt  }
0x62: {  	_ =	shalt  }
0x63: {  	_ =	shalt  }
0x64: {  	_ =	shalt  }
0x65: {  	_ =	shalt  }
0x66: {  	_ =	shalt  }
0x67: {  	_ =	shalt  }
0x68: {  	_ =	shalt  }
0x69: {  	_ =	shalt  }
0x6a: {  	_ =	shalt  }
0x6b: {  	_ =	shalt  }
0x6c: {  	_ =	shalt  }
0x6d: {  	_ =	shalt  }
0x6e: {  	_ =	shalt  }
0x6f: {  	_ =	shalt  }
0x70: {  	_ =	shalt  }
0x71: {  	_ =	shalt  }
0x72: {  	_ =	shalt  }
0x73: {  	_ =	shalt  }
0x74: {  	_ =	shalt  }
0x75: {  	_ =	shalt  }
0x76: {  	_ =	shalt  }
0x77: {  	_ =	shalt  }
0x78: {  	_ =	shalt  }
0x79: {  	_ =	shalt  }
0x7a: {  	_ =	shalt  }
0x7b: {  	_ =	shalt  }
0x7c: {  	_ =	shalt  }
0x7d: {  	_ =	shalt  }
0x7e: {  	_ =	shalt  }
0x7f: {  	_ =	shalt  }
0x80: {  	_ =	shalt  }
0x81: {  	_ =	shalt  }
0x82: {  	_ =	shalt  }
0x83: {  	_ =	shalt  }
0x84: {  	_ =	shalt  }
0x85: {  	_ =	shalt  }
0x86: {  	_ =	shalt  }
0x87: {  	_ =	shalt  }
.Lfunc_end0:
.L_simem_size_0:
called_computation.2_lowered:
.L_overlay_start_0:
0x88: {  	s2 =	sld [smem:$0x3FD9]  }
0x89: {  	s3 =	sld [smem:$0x3FFE];
	_ =	sdelay $0x1  }
0x8a: {  	s1 =	srdreg.scid  }
0x8b: {  	s0 =	sand.u32 $0x1, s1  }
0x8c: {  	s16 =	sshll.u32 s0, $0xA;
	s2 =	sadd.s32 s3, s2  }
0x8d: {  	s2 =	sadd.s32 s2, s16  }
0x8e: {  	[smem:$0x3FB9] =	sst s2  }
0x8f: {  	_ = 	snop  }
0x90: {  	(tm) =	ssettm $0x1  }
0x91: {  	s17 =	sld [smem:$0x3FFB];
	_ =	sdelay $0x3  }
0x92: {  	_ =	strace s17  }
0x93: {  	s2 =	sld [smem:$0x3FFC];
	_ =	sdelay $0x3  }
0x94: {  	_ =	strace s2  }
0x95: {  	s2 =	sld [smem:$0x3FFD];
	_ =	sdelay $0x3  }
0x96: {  	_ =	strace s2  }
0x97: {  	_ =	strace $0x8FFFFFFF  }
0x98: {  	s18 =	sld [smem:$0x3FDB];
	_ =	sdelay $0x1  }
0x99: {  	s19 =	simm.s32 $_scs_section_size  }
0x9a: {  	s4 =	simm.s32 $_size__tile_overlayer_lowered;
	s5 =	simm.s32 $_tile_overlayer_lowered  }
0x9b: {  	s22 =	simm.s32 $0x1BFF;
	s21 =	sshll.u32 s5, $0x1;
	s2 =	sadd.s32 s19, s18  }
0x9c: {  	s6 =	simm.s32 $0x0;
	s20 =	sshll.u32 s4, $0x1;
	s4 =	sadd.s32 s21, s2  }
0x9d: {  	[timem:s6], [sflag:s22] =	dma.local [hbm:s4], s20  }
0x9e: {  	_ =	swait.ge [sflag:s22], s20  }
0x9f: {  	s3 =	ssub.s32 $0x0, s20;
	[sflag:s22] =	ssyncset.done $0x0  }
0xa0: {  	[sflag:s22] =	ssyncadd.s32 s3;
	_ =	sdelay $0x1  }
0xa1: {  	s23 =	simm.s32 $0x1B8B  }
0xa2: {  	_ =	swait.ge [sflag:s23], $0x1  }
0xa3: {  	[sflag:s23] =	ssyncset.done $0x0  }
0xa4: {  	s25 =	simm.s32 $0x1B8E;
	s24 =	sld [smem:$0x3FFE];
	[sflag:s23] =	ssyncadd.s32 $0xFFFFFFFF  }
0xa5: {  	s26 =	simm.s32 $execute0_lowered;
	[smem:$0x3FD2] =	sst s25  }
0xa6: {  	s4 =	sshll.u32 s26, $0x1;
	_ =	strace $0x8000004C;
	[dreg:$0x1] =	wrdreg $0xFFFFFFFF  }
0xa7: {  	s28 =	simm.s32 $_size_execute0_lowered;
	s2 =	sadd.s32 s2, s4;
	[dreg:$0x0] =	wrdreg $0x0  }
0xa8: {  	s4 =	sshll.u32 s28, $0x1;
	[dreg:$0x2] =	wrdreg s2  }
0xa9: {  	[dreg:$0x3] =	wrdreg s4  }
0xaa: {  	[dreg:$0x4] =	wrdreg $0xC0  }
0xab: {  	_ =	task [dreg:s6], $0x5FFFF  }
0xac: {  	[dreg:$0x1] =	wrdreg $0xFFFFFFFF  }
0xad: {  	[dreg:$0x0] =	wrdreg $0x60  }
0xae: {  	[dreg:$0x2] =	wrdreg s24  }
0xaf: {  	[dreg:$0x3] =	wrdreg $0xBC000  }
0xb0: {  	[dreg:$0x4] =	wrdreg $0x9  }
0xb1: {  	_ =	task.clear_ibuf [dreg:s6], $0x5FFFF;
	_ =	strace $0x9000004C  }
0xb2: {  	s29 =	simm.s32 $0x9;
	_ =	strace $0x8000004E  }
0xb3: {  	_ =	swait.ge [sflag:s29], $0x1  }
0xb4: {  	[sflag:s29] =	ssyncadd.s32 $0xFFFFFFFF  }
0xb5: {  	_ =	strace $0x9000004E  }
0xb6: {  	_ =	sfence  }
0xb7: {  	s30 =	sld [smem:$0x0];
	_ =	sdelay $0x2  }
0xb8: {  	s31 =	sshll.u32 s1, $0xD;
	s1 =	sshrl.u32 s1, $0x2  }
0xb9: {  	s3 =	sand.u32 $0x4000, s31;
	s1 =	sadd.s32 s1, s30  }
0xba: {  	s0 =	sor.u32 s3, s0;
	s1 =	sshll.u32 s1, $0x11  }
0xbb: {  	s0 =	sor.u32 s1, s0  }
0xbc: {  	s0 =	sadd.s32 $0x8F2B, s0  }
0xbd: {  	[sflag:s0] =	ssyncadd.remote.s32 $0x1  }
0xbe: {  	_ =	sfence.sel $0xFFFF  }
0xbf: {  	[dreg:$0x0] =	wrdreg $0xFFFFFFFF;
	(pc) =	sbr.abs _section_cstart, $3  }
0xc0: {  	[dreg:$0x1] =	wrdreg $0xFFFFFFFF  }
0xc1: {  	_ =	task.clear_ibuf [dreg:s6], $0x2FFFF;
	_ =	strace $0x9FFFFFFF  }
0xc2: {  	(tm) =	ssettm $0x7FFFFFFF  }
0xc3: {  	_ =	shalt  }
tec
execute0_lowered:
.L_overlay_start_1:
0x0: {  	(tag) =	ssettag $0x1  }
0x1: {  	s1 =	rddreg [dreg:$0x0];
	s3 =	srdreg.scid  }
0x2: {  	s0 =	stileid.u32;
	s2 =	rddreg [dreg:$0x1]  }
0x3: {  	s16 =	simm.s32 $0x1400;
	s17 =	simm.s32 $0x40;
	s18 =	simm.s32 $0x3C00  }
0x4: {  	s19 =	simm.s32 $0x7C00;
	s20 =	simm.s32 $0x5C00;
	s21 =	simm.s32 $0x9C00  }
0x5: {  	s22 =	simm.s32 $0x1;
	s23 =	simm.s32 $0x3;
	s6 =	sand.u32 $0x1, s3  }
0x6: {  	s4 =	sshll.u32 s0, $0x1;
	s3 =	simm.s32 $0x0;
	s10 =	smul.u32 $0x14000, s0  }
0x7: {  	s5 =	sadd.s32 $0x36F800, s1;
	s28 =	smul.u32 $0x50000, s0;
	s30 =	sshll.u32 s0, $0x6  }
0x8: {  	s7 =	sor.u32 s6, s4;
	[smem:$0x7FF] =	sst s3;
	s11 =	smul.u32 $0x140000, s6  }
0x9: {  	s4 =	sadd.s32 $0x31F800, s1;
	s6 =	ssub.s32 $0x2, s6;
	s8 =	smul.u32 $0x280, s7  }
0xa: {  	_ =	strace $0x8000004D;
	s9 =	smul.u32 $0x500, s7;
	s24 =	sshrl.u32 s10, $0x3  }
0xb: {  	s26 =	sshrl.u32 s6, $0x1;
	s29 =	sshrl.u32 s28, $0x2;
	s31 =	smul.u32 $0x14000, s7  }
0xc: {  	s25 =	sadd.s32 s10, s11;
	s14 =	ssub.s32 s6, s26;
	s6 =	smul.u32 $0x50, s7  }
0xd: {  	s15 =	sadd.s32 s29, s2;
	s26 =	simm.s32 $0x0;
	s12 =	sadd.s32 s8, s1  }
0xe: {  	s13 =	sadd.s32 s9, s1;
	s8 =	sadd.s32 s24, s1;
	s9 =	sshrl.u32 s25, $0x3  }
0xf: {  	s11 =	sadd.s32 s5, s31;
	s24 =	simm.s32 $0x2;
	s25 =	simm.s32 $0x4  }
0x10: {  	s1 =	sadd.s32 s9, s1;
	s7 =	sadd.s32 $0x2F7800, s8;
	s8 =	sor.u32 $0x1C05, s30  }
0x11: {  	s9 =	sadd.s32 $0x18000, s12;
	s10 =	sadd.s32 $0x1D000, s13;
	s13 =	smax.u32 s14, $0x1  }
0x12: {  	s14 =	sshrl.u32 s15, $0x3;
	s15 =	simm.s32 $0x5;
	s12 =	sadd.s32 $0x27000, s1  }
.LBB2_1:
0x13: {  	[spmem:s14], [sflag:s8] =	dma.local [hbm:s7], $0x2800  }
0x14: {  	_ =	swait.ge [sflag:s15], $0x2800  }
0x15: {  	[sflag:s15] =	ssyncset.done $0x0  }
0x16: {  	[sflag:s15] =	ssyncadd.s32 $0xFFFFD800  }
0x17: {  	[tilespmem:s3], [sflag:$0x5] =	stream.linear.gather [hbm4b:s9+s3], $0x1400, $0x38;
	[tilespmem:$0x1FC00] =	vst v63  }
0x18: {  	_ =	swait.ge [sflag:s15], $0x1400  }
0x19: {  	[sflag:s15] =	ssyncset.done $0x0  }
0x1a: {  	[sflag:s15] =	ssyncadd.s32 $0xFFFFEC00  }
0x1b: {  	[tilespmem:s16], [sflag:$0x5] =	stream.linear.gather [hbm4b:s10+s3], $0x2800, $0x38;
	[tilespmem:$0x1FC00] =	vst v63  }
0x1c: {  	_ =	swait.ge [sflag:s15], $0x2800  }
0x1d: {  	[sflag:s15] =	ssyncset.done $0x0  }
0x1e: {  	[sflag:s15] =	ssyncadd.s32 $0xFFFFD800  }
0x1f: {  	[bflag:$0x0] =	sbarrier.arrive $0xFFFF  }
0x20: {  	[tilespmem:s18], [sflag:$0x1] =	stream.indirect.gather [hbm4b:s4+s17], $0x80, s3, s17, $0xb8;
	[tilespmem:$0x1FC00] =	vst v63  }
0x21: {  	s28 =	simm.s32 $0x0  }
0x22: {  	[tilespmem:s19], [sflag:$0x3] =	stream.linear.gather [hbm4b:s11+s3], $0x2000, $0x38;
	[tilespmem:$0x1FC00] =	vst v63  }
.LBB2_2:
0x23: {  	s29 =	sshllo.u32 s28, $0x1  }
0x24: {  	s1 =	sshll.u32 s29, $0x6  }
0x25: {  	s0 =	sadd.s32 s6, s29;
	s1 =	sand.u32 $0x3FFFFFC0, s1  }
0x26: {  	[tilespmem:s20], [sflag:$0x2] =	stream.indirect.gather [hbm4b:s4+s17], $0x80, s1, s17, $0xb8;
	[tilespmem:$0x1FC00] =	vst v63  }
0x27: {  	s1 =	sshll.u32 s0, $0xA  }
0x28: {  	s1 =	sand.u32 $0x1FFFFC00, s1  }
0x29: {  	s30 =	simm.s32 $0x0;
	s1 =	sadd.s32 s5, s1  }
0x2a: {  	[tilespmem:s21], [sflag:$0x4] =	stream.linear.gather [hbm4b:s1+s30], $0x2000, $0x38;
	[tilespmem:$0x1FC00] =	vst v63  }
0x2b: {  	_ =	swait.ge [sflag:s22], $0x2000  }
0x2c: {  	[sflag:s22] =	ssyncset.done $0x0  }
0x2d: {  	[sflag:s22] =	ssyncadd.s32 $0xFFFFE000  }
0x2e: {  	_ =	swait.ge [sflag:s23], $0x2000  }
0x2f: {  	[sflag:s23] =	ssyncset.done $0x0  }
0x30: {  	s30 =	simm.s32 $0x0;
	[sflag:s23] =	ssyncadd.s32 $0xFFFFE000  }
0x31: {  	v7 =	vld [tilespmem:s30+$0x7C00]  }
0x32: {  	v11 =	vld [tilespmem:s30+$0x7C10]  }
0x33: {  	v5 =	vld [tilespmem:s30+$0x7C20]  }
0x34: {  	v4 =	vld [tilespmem:s30+$0x7C30]  }
0x35: {  	v3 =	vld [tilespmem:s30+$0x7C40]  }
0x36: {  	v2 =	vld [tilespmem:s30+$0x7C50]  }
0x37: {  	v1 =	vld [tilespmem:s30+$0x7C60]  }
0x38: {  	v0 =	vld [tilespmem:s30+$0x7C70]  }
0x39: {  	v12 =	vld [tilespmem:s30+$0x3C00]  }
0x3a: {  	v13 =	vld [tilespmem:s30+$0x3C10]  }
0x3b: {  	v10 =	vld [tilespmem:s30+$0x3C20]  }
0x3c: {  	v9 =	vld [tilespmem:s30+$0x3C30]  }
0x3d: {  	v8 =	vld [tilespmem:s30+$0x3C40]  }
0x3e: {  	v6 =	vld [tilespmem:s30+$0x3C50];
	v12 =	vmul.f32 v7, v12  }
0x3f: {  	s31 =	sshll.u32 s28, $0x1;
	s1 =	simm.s32 $0x200;
	v11 =	vmul.f32 v11, v13;
	v7 =	vld [tilespmem:s30+$0x3C60]  }
.LBB2_3:
0x40: {  	s0 =	sshra.s32 s1, $0x2;
	p0 =	sne.s32 s1, $0x7E00;
	[tilespmem:s30+$0x3C00] =	vst v12;
	v5 =	vmul.f32 v5, v10;
	v10 =	vld [tilespmem:s30+$0x3C70]  }
0x41: {  	v12 =	vld [tilespmem:s0+$0x7C00];
	[tilespmem:s30+$0x3C10] =	vst v11;
	v4 =	vmul.f32 v4, v9  }
0x42: {  	v11 =	vld [tilespmem:s0+$0x7C10];
	[tilespmem:s30+$0x3C20] =	vst v5;
	v3 =	vmul.f32 v3, v8  }
0x43: {  	v5 =	vld [tilespmem:s0+$0x7C20];
	[tilespmem:s30+$0x3C30] =	vst v4;
	v2 =	vmul.f32 v2, v6  }
0x44: {  	v4 =	vld [tilespmem:s0+$0x7C30];
	[tilespmem:s30+$0x3C40] =	vst v3;
	v1 =	vmul.f32 v1, v7  }
0x45: {  	v3 =	vld [tilespmem:s0+$0x7C40];
	[tilespmem:s30+$0x3C50] =	vst v2;
	v0 =	vmul.f32 v0, v10  }
0x46: {  	v2 =	vld [tilespmem:s0+$0x7C50];
	[tilespmem:s30+$0x3C60] =	vst v1  }
0x47: {  	v1 =	vld [tilespmem:s0+$0x7C60];
	[tilespmem:s30+$0x3C70] =	vst v0;
	s30 =	smov.u32 s0  }
0x48: {  	v0 =	vld [tilespmem:s30+$0x7C70]  }
0x49: {  	v6 =	vld [tilespmem:s30+$0x3C00]  }
0x4a: {  	v7 =	vld [tilespmem:s30+$0x3C10]  }
.Ltmp0:
0x4b: {  	v10 =	vld [tilespmem:s30+$0x3C20];
	(pc) =	sbr.rel @p0 .LBB2_3-.Ltmp0, $4  }
0x4c: {  	v9 =	vld [tilespmem:s30+$0x3C30]  }
0x4d: {  	v8 =	vld [tilespmem:s30+$0x3C40]  }
0x4e: {  	v12 =	vmul.f32 v12, v6;
	v6 =	vld [tilespmem:s30+$0x3C50]  }
0x4f: {  	s1 =	sadd.s32 $0x200, s1;
	v11 =	vmul.f32 v11, v7;
	v7 =	vld [tilespmem:s30+$0x3C60]  }
0x50: {  	[tilespmem:s30+$0x3C00] =	vst v12;
	v5 =	vmul.f32 v5, v10;
	v10 =	vld [tilespmem:s30+$0x3C70]  }
0x51: {  	[tilespmem:s30+$0x3C10] =	vst v11;
	v4 =	vmul.f32 v4, v9  }
0x52: {  	[tilespmem:s30+$0x3C20] =	vst v5;
	v3 =	vmul.f32 v3, v8  }
0x53: {  	[tilespmem:s30+$0x3C30] =	vst v4;
	v2 =	vmul.f32 v2, v6  }
0x54: {  	[tilespmem:s30+$0x3C40] =	vst v3;
	v1 =	vmul.f32 v1, v7  }
0x55: {  	s0 =	sshll.u32 s28, $0x8;
	[tilespmem:s30+$0x3C50] =	vst v2;
	v0 =	vmul.f32 v0, v10  }
0x56: {  	s0 =	sand.u32 $0x3FFFFF00, s0;
	[tilespmem:s30+$0x3C60] =	vst v1  }
0x57: {  	p0 =	seq.s32 s28, $0x27;
	s0 =	sadd.s32 $0x1400, s0;
	[tilespmem:s30+$0x3C70] =	vst v0  }
0x58: {  	[spmem:s2] =	stream.indirect.scatter.add.f32 [tilespmem:s18], [sflag:$0x5], $0x80, s0, s17, $0xb8;
	[tilespmem:$0x1FC00] =	vst v63  }
0x59: {  	s30 =	simm.s32 @!p0 $0x40;
	s0 =	sadd.s32 @!p0 $0x2, s31  }
0x5a: {  	_ =	swait.ge [sflag:s15], $0x2000;
	s1 =	sshll.u32 @!p0 s0, $0x6;
	s0 =	sadd.s32 @!p0 s6, s0  }
0x5b: {  	[sflag:s15] =	ssyncset.done $0x0;
	s1 =	sand.u32 @!p0 $0x3FFFFFC0, s1;
	s0 =	sshll.u32 @!p0 s0, $0xA  }
0x5c: {  	s31 =	simm.s32 @!p0 $0x3C00;
	[sflag:s15] =	ssyncadd.s32 $0xFFFFE000;
	s0 =	sand.u32 @!p0 $0x1FFFF800, s0  }
0x5d: {  	[tilespmem:s31], [sflag:$0x1] =	stream.indirect.gather @!p0 [hbm4b:s4+s30], $0x80, s1, s30, $0xb8;
	[tilespmem:$0x1FC00] =	vst v63  }
0x5e: {  	s0 =	sadd.s32 @!p0 s5, s0;
	s1 =	simm.s32 @!p0 $0x0;
	s30 =	simm.s32 @!p0 $0x7C00  }
0x5f: {  	[tilespmem:s30], [sflag:$0x3] =	stream.linear.gather @!p0 [hbm4b:s0+s1], $0x2000, $0x38;
	[tilespmem:$0x1FC00] =	vst v63  }
0x60: {  	_ =	swait.ge [sflag:s24], $0x2000  }
0x61: {  	[sflag:s24] =	ssyncset.done $0x0  }
0x62: {  	[sflag:s24] =	ssyncadd.s32 $0xFFFFE000  }
0x63: {  	_ =	swait.ge [sflag:s25], $0x2000  }
0x64: {  	[sflag:s25] =	ssyncset.done $0x0  }
0x65: {  	s30 =	simm.s32 $0x0;
	[sflag:s25] =	ssyncadd.s32 $0xFFFFE000  }
0x66: {  	v7 =	vld [tilespmem:s30+$0x9C00]  }
0x67: {  	v11 =	vld [tilespmem:s30+$0x9C10]  }
0x68: {  	v5 =	vld [tilespmem:s30+$0x9C20]  }
0x69: {  	v4 =	vld [tilespmem:s30+$0x9C30]  }
0x6a: {  	v3 =	vld [tilespmem:s30+$0x9C40]  }
0x6b: {  	v2 =	vld [tilespmem:s30+$0x9C50]  }
0x6c: {  	v1 =	vld [tilespmem:s30+$0x9C60]  }
0x6d: {  	v0 =	vld [tilespmem:s30+$0x9C70]  }
0x6e: {  	v12 =	vld [tilespmem:s30+$0x5C00]  }
0x6f: {  	v13 =	vld [tilespmem:s30+$0x5C10]  }
0x70: {  	v10 =	vld [tilespmem:s30+$0x5C20]  }
0x71: {  	v9 =	vld [tilespmem:s30+$0x5C30]  }
0x72: {  	v8 =	vld [tilespmem:s30+$0x5C40]  }
0x73: {  	v6 =	vld [tilespmem:s30+$0x5C50];
	v12 =	vmul.f32 v7, v12  }
0x74: {  	s1 =	simm.s32 $0x200;
	v11 =	vmul.f32 v11, v13;
	v7 =	vld [tilespmem:s30+$0x5C60]  }
.LBB2_5:
0x75: {  	s0 =	sshra.s32 s1, $0x2;
	p0 =	sne.s32 s1, $0x7E00;
	[tilespmem:s30+$0x5C00] =	vst v12;
	v5 =	vmul.f32 v5, v10;
	v10 =	vld [tilespmem:s30+$0x5C70]  }
0x76: {  	v12 =	vld [tilespmem:s0+$0x9C00];
	[tilespmem:s30+$0x5C10] =	vst v11;
	v4 =	vmul.f32 v4, v9  }
0x77: {  	v11 =	vld [tilespmem:s0+$0x9C10];
	[tilespmem:s30+$0x5C20] =	vst v5;
	v3 =	vmul.f32 v3, v8  }
0x78: {  	v5 =	vld [tilespmem:s0+$0x9C20];
	[tilespmem:s30+$0x5C30] =	vst v4;
	v2 =	vmul.f32 v2, v6  }
0x79: {  	v4 =	vld [tilespmem:s0+$0x9C30];
	[tilespmem:s30+$0x5C40] =	vst v3;
	v1 =	vmul.f32 v1, v7  }
0x7a: {  	v3 =	vld [tilespmem:s0+$0x9C40];
	[tilespmem:s30+$0x5C50] =	vst v2;
	v0 =	vmul.f32 v0, v10  }
0x7b: {  	v2 =	vld [tilespmem:s0+$0x9C50];
	[tilespmem:s30+$0x5C60] =	vst v1  }
0x7c: {  	v1 =	vld [tilespmem:s0+$0x9C60];
	[tilespmem:s30+$0x5C70] =	vst v0;
	s30 =	smov.u32 s0  }
0x7d: {  	v0 =	vld [tilespmem:s30+$0x9C70]  }
0x7e: {  	v6 =	vld [tilespmem:s30+$0x5C00]  }
0x7f: {  	v7 =	vld [tilespmem:s30+$0x5C10]  }
.Ltmp1:
0x80: {  	v10 =	vld [tilespmem:s30+$0x5C20];
	(pc) =	sbr.rel @p0 .LBB2_5-.Ltmp1, $4  }
0x81: {  	v9 =	vld [tilespmem:s30+$0x5C30]  }
0x82: {  	v8 =	vld [tilespmem:s30+$0x5C40]  }
0x83: {  	v12 =	vmul.f32 v12, v6;
	v6 =	vld [tilespmem:s30+$0x5C50]  }
0x84: {  	s1 =	sadd.s32 $0x200, s1;
	v11 =	vmul.f32 v11, v7;
	v7 =	vld [tilespmem:s30+$0x5C60]  }
0x85: {  	[tilespmem:s30+$0x5C00] =	vst v12;
	v5 =	vmul.f32 v5, v10;
	v63 =	vld [tilespmem:s30+$0x5C70]  }
0x86: {  	[tilespmem:s30+$0x5C10] =	vst v11;
	v4 =	vmul.f32 v4, v9  }
0x87: {  	[tilespmem:s30+$0x5C20] =	vst v5;
	v3 =	vmul.f32 v3, v8  }
0x88: {  	[tilespmem:s30+$0x5C30] =	vst v4;
	v2 =	vmul.f32 v2, v6  }
0x89: {  	[tilespmem:s30+$0x5C40] =	vst v3;
	v1 =	vmul.f32 v1, v7  }
0x8a: {  	s0 =	sshll.u32 s29, $0x7;
	s28 =	sadd.s32 $0x1, s28;
	[tilespmem:s30+$0x5C50] =	vst v2;
	v0 =	vmul.f32 v0, v63  }
0x8b: {  	s0 =	sand.u32 $0x3FFFFF80, s0;
	p0 =	sne.s32 s28, $0x28;
	[tilespmem:s30+$0x5C60] =	vst v1  }
.Ltmp2:
0x8c: {  	s0 =	sadd.s32 $0x1400, s0;
	[tilespmem:s30+$0x5C70] =	vst v0;
	(pc) =	sbr.rel @p0 .LBB2_2-.Ltmp2, $4  }
0x8d: {  	[spmem:s2] =	stream.indirect.scatter.add.f32 [tilespmem:s20], [sflag:$0x5], $0x80, s0, s17, $0xb8;
	[tilespmem:$0x1FC00] =	vst v63  }
0x8e: {  	_ =	swait.ge [sflag:s15], $0x2000  }
0x8f: {  	[sflag:s15] =	ssyncset.done $0x0  }
0x90: {  	[sflag:s15] =	ssyncadd.s32 $0xFFFFE000  }
0x91: {  	s26 =	sadd.s32 $0x1, s26  }
0x92: {  	p0 =	sne.s32 s26, s13  }
.Ltmp3:
0x93: {  	[bflag:$0x0] =	sbarrier.arrive $0xFFFF;
	(pc) =	sbr.rel @p0 .LBB2_1-.Ltmp3, $4  }
0x94: {  	[hbm:s12], [sflag:s8] =	dma.local [spmem:s14], $0x2800  }
0x95: {  	_ =	swait.ge [sflag:s15], $0x2800  }
0x96: {  	[sflag:s15] =	ssyncset.done $0x0  }
0x97: {  	[sflag:s15] =	ssyncadd.s32 $0xFFFFD800  }
0x98: {  	_ =	sfence.sel $0x180000  }
0x99: {  	[bflag:$0x0] =	sbarrier.arrive $0xFFFF  }
0x9a: {  	_ =	strace $0x9000004D  }
0x9b: {  	s0 =	stileid.u32;
	[bflag:$0x2] =	sbarrier.arrive $0xFFFF  }
0x9c: {  	p0 =	sne.s32 s0, $0x0;
	s0 =	rddreg [dreg:$0x2]  }
0x9d: {  	s0 =	sadd.s32 @!p0 $0x100000, s0  }
0x9e: {  	[sflag:s0] =	ssyncadd.tile.s32 @!p0 $0x1;
	_ =	shalt  }
.Lfunc_end2:
_tile_overlayer_lowered:
.L_overlay_start_2:
0x9f: {  	(tag) =	ssettag $0x2  }
0xa0: {  	s0 =	rddreg [dreg:$0x0];
	s2 =	stileid.u32  }
0xa1: {  	s1 =	rddreg [dreg:$0x1];
	p0 =	sne.s32 s2, $0x0  }
0xa2: {  	s3 =	rddreg [dreg:$0x2];
	[bflag:$0x3] =	sbarrier.arrive $0xFFFF;
	s2 =	simm.s32 @!p0 $0x1C05  }
0xa3: {  	[timem:s3], [sflag:s2] =	dma.local @!p0 [hbm:s0], s1  }
0xa4: {  	s0 =	simm.s32 @!p0 $0x5  }
0xa5: {  	_ =	swait.ge @!p0 [sflag:s0], s1  }
0xa6: {  	s1 =	ssub.s32 @!p0 $0x0, s1;
	[sflag:s0] =	ssyncset.done @!p0 $0x0  }
0xa7: {  	[sflag:s0] =	ssyncadd.s32 @!p0 s1  }
0xa8: {  	[bflag:$0x3] =	sbarrier.arrive $0xFFFF  }
0xa9: {  	_ =	shalt  }

</sc_bundles>
